<compile_context>
chip_gen: v7x
topology: tpu7x:2x2x1
jax: 0.10.2.dev20260603
libtpu: 0.0.44.dev20260713+nightly
codegen_flags: <defaults>
</compile_context>

<pallas_src>
import functools

import jax
import jax.numpy as jnp
from jax import lax
from jax.experimental import pallas as pl
from jax.experimental.pallas import tpu as pltpu
from jax.experimental.pallas import tpu_sc as plsc

MAX_ENCODED_NUMBER = 999.0
MAX_SEQ_LEN = 128
NUM_ROWS = 1024

_NC, _NS = 2, 16
_NW = _NC * _NS


def _mask_and_table_body(tok_ref, w1_ref, b1_ref, w2_ref, b2_ref,
                         mask_ref, num_ref):
    i = pl.program_id(0)
    mask_ref[...] = tok_ref[...] == 0

    @pl.when(i == 0)
    def _():
        x = lax.broadcasted_iota(jnp.int32, (NUM_ROWS, 1), 0).astype(
            jnp.float32) * (1.0 / MAX_ENCODED_NUMBER)
        h = jnp.maximum(x * w1_ref[...] + b1_ref[...], 0.0)
        y = jnp.dot(h, w2_ref[...], preferred_element_type=jnp.float32)
        num_ref[...] = jnp.maximum(y + b2_ref[...], 0.0)


def _mask_and_num_table(token_types, W1, b1, W2, b2):
    B, S = token_types.shape
    blk = 512 if B % 512 == 0 else B
    grid = (B // blk,)
    return pl.pallas_call(
        _mask_and_table_body,
        grid=grid,
        in_specs=[
            pl.BlockSpec((blk, S), lambda i: (i, 0)),
            pl.BlockSpec((1, 32), lambda i: (0, 0)),
            pl.BlockSpec((1, 32), lambda i: (0, 0)),
            pl.BlockSpec((32, 64), lambda i: (0, 0)),
            pl.BlockSpec((1, 64), lambda i: (0, 0)),
        ],
        out_specs=[
            pl.BlockSpec((blk, S), lambda i: (i, 0)),
            pl.BlockSpec((NUM_ROWS, 64), lambda i: (0, 0)),
        ],
        out_shape=[
            jax.ShapeDtypeStruct((B, S), jnp.bool_),
            jax.ShapeDtypeStruct((NUM_ROWS, 64), jnp.float32),
        ],
    )(token_types, W1.reshape(1, 32), b1.reshape(1, 32), W2,
      b2.reshape(1, 64))


def _round_up(n, m):
    return (n + m - 1) // m * m


def _pack_tables(tables):
    parts, bases, off = [], [], 0
    for t in tables:
        f = t.reshape(-1)
        n = _round_up(f.shape[0], 128)
        parts.append(jnp.pad(f, (0, n - f.shape[0])))
        bases.append(off)
        off += n
    return jnp.concatenate(parts), bases, off


def _sc_embed(N, CHUNK, packed_len, bases):
    rows_per_w = N // _NW
    n_chunks = rows_per_w // CHUNK
    b_tok, b_card, b_si, b_num = bases
    mesh = plsc.VectorSubcoreMesh(core_axis_name="c", subcore_axis_name="s")

    @functools.partial(
        pl.kernel,
        out_type=jax.ShapeDtypeStruct((N, 160), jnp.float32),
        mesh=mesh,
        scratch_types=[
            pltpu.VMEM((packed_len,), jnp.float32),
            pltpu.VMEM((2, 5, CHUNK), jnp.int32),
            pltpu.VMEM((2, CHUNK, 160), jnp.float32),
            pltpu.SemaphoreType.DMA,
            pltpu.SemaphoreType.DMA,
            pltpu.SemaphoreType.DMA,
        ],
    )
    def body(tok_i, card_i, status_i, intent_i, num_i, packed, out,
             T, idx_v, stage, isem, wsem0, wsem1):
        wid = lax.axis_index("s") * _NC + lax.axis_index("c")
        w_base = wid * rows_per_w
        idx_refs = (tok_i, card_i, status_i, intent_i, num_i)
        pltpu.sync_copy(packed, T)

        def issue_idx(ci, pb):
            sl = pl.ds(w_base + ci * CHUNK, CHUNK)
            for f, ref in enumerate(idx_refs):
                pltpu.async_copy(ref.at[sl], idx_v.at[pb, f], isem)

        def wait_idx(pb):
            sl = pl.ds(w_base, CHUNK)
            for f, ref in enumerate(idx_refs):
                pltpu.make_async_copy(ref.at[sl], idx_v.at[pb, f], isem).wait()

        def wait_write(pb, sem):
            pltpu.make_async_copy(out.at[pl.ds(0, CHUNK), :],
                                  stage.at[pb], sem).wait()

        issue_idx(0, 0)

        def chunk_step(ci, carry):
            cb = lax.rem(ci, 2)
            base = w_base + ci * CHUNK
            sl = pl.ds(base, CHUNK)
            wait_idx(cb)

            @pl.when(ci + 1 < n_chunks)
            def _():
                issue_idx(ci + 1, 1 - cb)

            @pl.when((ci >= 2) & (cb == 0))
            def _():
                wait_write(cb, wsem0)

            @pl.when((ci >= 2) & (cb == 1))
            def _():
                wait_write(cb, wsem1)

            def group_step(g, c2):
                r0 = g * 16
                tok_v = idx_v[cb, 0, pl.ds(r0, 16)] * 32 + b_tok
                card_v = idx_v[cb, 1, pl.ds(r0, 16)] * 32 + b_card
                si_v = (idx_v[cb, 2, pl.ds(r0, 16)] * 256
                        + idx_v[cb, 3, pl.ds(r0, 16)] * 32 + b_si)
                num_v = idx_v[cb, 4, pl.ds(r0, 16)] * 64 + b_num
                def row_loads(j):
                    o_tok = tok_v[j]
                    o_card = card_v[j]
                    o_si = si_v[j]
                    o_num = num_v[j]
                    return (T[pl.ds(o_tok, 16)], T[pl.ds(o_tok + 16, 16)],
                            T[pl.ds(o_card, 16)], T[pl.ds(o_card + 16, 16)],
                            T[pl.ds(o_si, 16)],
                            T[pl.ds(o_si + 16, 16)],
                            T[pl.ds(o_num, 16)], T[pl.ds(o_num + 16, 16)],
                            T[pl.ds(o_num + 32, 16)],
                            T[pl.ds(o_num + 48, 16)])

                def row_stores(j, vals):
                    r = r0 + j
                    for p, v in enumerate(vals):
                        stage[cb, r, pl.ds(p * 16, 16)] = v

                prev = row_loads(0)
                for j in range(1, 16):
                    cur = row_loads(j)
                    row_stores(j - 1, prev)
                    prev = cur
                row_stores(15, prev)
                return c2

            lax.fori_loop(0, CHUNK // 16, group_step, 0)

            @pl.when(cb == 0)
            def _():
                pltpu.async_copy(stage.at[0], out.at[sl, :], wsem0)

            @pl.when(cb == 1)
            def _():
                pltpu.async_copy(stage.at[1], out.at[sl, :], wsem1)

            return carry

        lax.fori_loop(0, n_chunks, chunk_step, 0)
        wait_write(0, wsem0)
        wait_write(1, wsem1)

    return body


def kernel(token_types, card_uid_indices, status_uid_indices,
           enemy_intent_indices, encoded_numbers, tok_table, card_table,
           status_table, intent_table, W1, b1, W2, b2):
    seq_len = min(token_types.shape[-1], MAX_SEQ_LEN)
    if token_types.ndim == 1:
        token_types = token_types[None, :]
        card_uid_indices = card_uid_indices[None, :]
        status_uid_indices = status_uid_indices[None, :]
        enemy_intent_indices = enemy_intent_indices[None, :]
        encoded_numbers = encoded_numbers[None, :]
    token_types = token_types[:, :seq_len]
    card_uid_indices = card_uid_indices[:, :seq_len]
    status_uid_indices = status_uid_indices[:, :seq_len]
    enemy_intent_indices = enemy_intent_indices[:, :seq_len]
    encoded_numbers = encoded_numbers[:, :seq_len]

    B, S = token_types.shape
    N = B * S
    mask, num_table = _mask_and_num_table(token_types, W1, b1, W2, b2)
    n_status, _ = status_table.shape
    n_intent, _ = intent_table.shape
    statint = jnp.concatenate(
        [jnp.broadcast_to(status_table[:, None, :], (n_status, n_intent, 16)),
         jnp.broadcast_to(intent_table[None, :, :], (n_status, n_intent, 16))],
        axis=-1).reshape(n_status * n_intent, 32)
    packed, bases, packed_len = _pack_tables(
        [tok_table, card_table, statint, num_table])

    i32 = jnp.int32
    out_flat = _sc_embed(N, 64, packed_len, bases)(
        token_types.reshape(N).astype(i32),
        card_uid_indices.reshape(N).astype(i32),
        status_uid_indices.reshape(N).astype(i32),
        enemy_intent_indices.reshape(N).astype(i32),
        encoded_numbers.reshape(N).astype(i32),
        packed)
    return out_flat.reshape(B, S, 160), mask

# --- scband reference (transcript-rebuilt; emitter-appended) ---
"""Pipeline reference for scband-observation-embedder-83090437308696 (READ-ONLY COPY).

The authoritative reference and input builder live on the scoring server;
editing this copy changes nothing except your own understanding.
"""

import jax, jax.numpy as jnp
import numpy as np

MAX_ENCODED_NUMBER = 999.0
MAX_SEQ_LEN = 128


def setup_inputs(seed: int = 0) -> dict:
    key = jax.random.key(seed)
    ks = jax.random.split(key, 13)
    B, S = 4096, 128
    token_types = jax.random.randint(ks[0], (B, S), 0, 7).astype(jnp.int64) if jax.config.jax_enable_x64 else jax.random.randint(ks[0], (B, S), 0, 7)
    card_uid_indices = jax.random.randint(ks[1], (B, S), 0, 371)
    status_uid_indices = jax.random.randint(ks[2], (B, S), 0, 61)
    enemy_intent_indices = jax.random.randint(ks[3], (B, S), 0, 8)
    encoded_numbers = jax.random.randint(ks[4], (B, S), 0, 999)
    tok_table = jax.random.normal(ks[5], (7, 32), dtype=jnp.float32)
    card_table = jax.random.normal(ks[6], (371, 32), dtype=jnp.float32)
    status_table = jax.random.normal(ks[7], (61, 16), dtype=jnp.float32)
    intent_table = jax.random.normal(ks[8], (8, 16), dtype=jnp.float32)
    W1 = jax.random.normal(ks[9], (1, 32), dtype=jnp.float32) * 0.1
    b1 = jnp.zeros((32,), dtype=jnp.float32)
    W2 = jax.random.normal(ks[10], (32, 64), dtype=jnp.float32) * 0.1
    b2 = jnp.zeros((64,), dtype=jnp.float32)
    return {
        'token_types': token_types,
        'card_uid_indices': card_uid_indices,
        'status_uid_indices': status_uid_indices,
        'enemy_intent_indices': enemy_intent_indices,
        'encoded_numbers': encoded_numbers,
        'tok_table': tok_table,
        'card_table': card_table,
        'status_table': status_table,
        'intent_table': intent_table,
        'W1': W1,
        'b1': b1,
        'W2': W2,
        'b2': b2,
    }


def reference(token_types, card_uid_indices, status_uid_indices, enemy_intent_indices,
              encoded_numbers, tok_table, card_table, status_table, intent_table,
              W1, b1, W2, b2):
    seq_len = min(token_types.shape[-1], MAX_SEQ_LEN)
    if token_types.ndim == 1:
        token_types = token_types[None, :]
        card_uid_indices = card_uid_indices[None, :]
        status_uid_indices = status_uid_indices[None, :]
        enemy_intent_indices = enemy_intent_indices[None, :]
        encoded_numbers = encoded_numbers[None, :]
    token_types = token_types[:, :seq_len]
    card_uid_indices = card_uid_indices[:, :seq_len]
    status_uid_indices = status_uid_indices[:, :seq_len]
    enemy_intent_indices = enemy_intent_indices[:, :seq_len]
    encoded_numbers = encoded_numbers[:, :seq_len]
    padding_mask = token_types == 0
    token_embeddings = jnp.take(tok_table, token_types, axis=0)
    card_embeddings = jnp.take(card_table, card_uid_indices, axis=0)
    status_embeddings = jnp.take(status_table, status_uid_indices, axis=0)
    intent_embeddings = jnp.take(intent_table, enemy_intent_indices, axis=0)
    normalized_numbers = encoded_numbers.astype(jnp.float32) / MAX_ENCODED_NUMBER
    normalized_numbers = normalized_numbers[..., None]
    h = jax.nn.relu(jnp.matmul(normalized_numbers, W1) + b1)
    numeric_embeddings = jax.nn.relu(jnp.matmul(h, W2) + b2)
    combined_embeddings = jnp.concatenate(
        [token_embeddings, card_embeddings, status_embeddings, intent_embeddings, numeric_embeddings],
        axis=-1)
    return (combined_embeddings, padding_mask)

if __name__ == "__main__":
    import jax
    _d = setup_inputs()
    print(jax.jit(kernel)(*tuple(_d.values())))

</pallas_src>

<mosaic_0001>
#map = affine_map<(d0, d1) -> (0)>
#map1 = affine_map<(d0, d1) -> (0, 0)>
module attributes {stable_mosaic.version = 14 : i64} {
  func.func @body(%arg0: i32, %arg1: i32, %arg2: memref<524288xi32, #tpu.memory_space<hbm>>, %arg3: memref<524288xi32, #tpu.memory_space<hbm>>, %arg4: memref<524288xi32, #tpu.memory_space<hbm>>, %arg5: memref<524288xi32, #tpu.memory_space<hbm>>, %arg6: memref<524288xi32, #tpu.memory_space<hbm>>, %arg7: memref<93312xf32, #tpu.memory_space<hbm>>, %arg8: memref<524288x160xf32, #tpu.memory_space<hbm>>, %arg9: memref<93312xf32, #tpu.memory_space<vmem>>, %arg10: memref<2x5x64xi32, #tpu.memory_space<vmem>>, %arg11: memref<2x64x160xf32, #tpu.memory_space<vmem>>, %arg12: memref<!tpu.dma_semaphore, #tpu.memory_space<semaphore_mem>>, %arg13: memref<!tpu.dma_semaphore, #tpu.memory_space<semaphore_mem>>, %arg14: memref<!tpu.dma_semaphore, #tpu.memory_space<semaphore_mem>>) attributes {dimension_semantics = [#tpu.dimension_semantics<core_parallel>, #tpu.dimension_semantics<subcore_parallel>], iteration_bounds = array<i64: 2, 16>, scalar_prefetch = 0 : i64, scratch_operands = 6 : i64, tpu.core_type = #tpu.core_type<sc_vector_subcore>, window_params = [{transform_indices = #map}, {transform_indices = #map}, {transform_indices = #map}, {transform_indices = #map}, {transform_indices = #map}, {transform_indices = #map}, {transform_indices = #map1}]} {
    %mul3A = arith.constant 2 : i32
    %mul3A_0 = arith.muli %arg1, %mul3A : i32
    %add3A = arith.addi %mul3A_0, %arg0 : i32
    %mul3A_1 = arith.constant 16384 : i32
    %mul3A_2 = arith.muli %add3A, %mul3A_1 : i32
    "tpu.region"() ({
      %run_scoped3A = tpu.sem_alloc : memref<!tpu.dma_semaphore, #tpu.memory_space<semaphore_mem>>
      tpu.enqueue_dma source(%arg7 : memref<93312xf32, #tpu.memory_space<hbm>>) target(%arg9 : memref<93312xf32, #tpu.memory_space<vmem>>) target_semaphore(%run_scoped3A : memref<!tpu.dma_semaphore, #tpu.memory_space<semaphore_mem>>)
      tpu.wait_dma2 semaphore(%run_scoped3A : memref<!tpu.dma_semaphore, #tpu.memory_space<semaphore_mem>>) src(%arg7 : memref<93312xf32, #tpu.memory_space<hbm>>) dst(%arg9 : memref<93312xf32, #tpu.memory_space<vmem>>)
      tpu.yield
    }) : () -> ()
    %add3A_3 = arith.constant 0 : i32
    %add3A_4 = arith.addi %mul3A_2, %add3A_3 : i32
    %dma_start3A = arith.constant 0 : i32
    %dma_start3A_5 = arith.constant 0 : i32
    %dma_start3A_6 = arith.constant 0 : i32
    %dma_start3A_7 = tpu.memref_slice %arg10[%dma_start3A, %dma_start3A_5, %dma_start3A_6] : memref<2x5x64xi32, #tpu.memory_space<vmem>> -> memref<1x1x64xi32, #tpu.memory_space<vmem>>
    %dma_start3A_8 = tpu.memref_squeeze %dma_start3A_7 : memref<1x1x64xi32, #tpu.memory_space<vmem>> -> memref<64xi32, #tpu.memory_space<vmem>>
    %dma_start3A_9 = tpu.memref_slice %arg2[%add3A_4] : memref<524288xi32, #tpu.memory_space<hbm>> -> memref<64xi32, #tpu.memory_space<hbm>>
    %dma_start3A_10 = arith.constant 0 : i32
    %dma_start3A_11 = tpu.memref_slice %arg10[%dma_start3A, %dma_start3A_5, %dma_start3A_10] : memref<2x5x64xi32, #tpu.memory_space<vmem>> -> memref<1x1x64xi32, #tpu.memory_space<vmem>>
    %dma_start3A_12 = tpu.memref_squeeze %dma_start3A_11 : memref<1x1x64xi32, #tpu.memory_space<vmem>> -> memref<64xi32, #tpu.memory_space<vmem>>
    %dma_start3A_13 = tpu.memref_slice %arg2[%add3A_4] : memref<524288xi32, #tpu.memory_space<hbm>> -> memref<64xi32, #tpu.memory_space<hbm>>
    tpu.enqueue_dma source(%dma_start3A_13 : memref<64xi32, #tpu.memory_space<hbm>>) target(%dma_start3A_12 : memref<64xi32, #tpu.memory_space<vmem>>) target_semaphore(%arg12 : memref<!tpu.dma_semaphore, #tpu.memory_space<semaphore_mem>>)
    %dma_start3A_14 = arith.constant 0 : i32
    %dma_start3A_15 = arith.constant 1 : i32
    %dma_start3A_16 = arith.constant 0 : i32
    %dma_start3A_17 = tpu.memref_slice %arg10[%dma_start3A_14, %dma_start3A_15, %dma_start3A_16] : memref<2x5x64xi32, #tpu.memory_space<vmem>> -> memref<1x1x64xi32, #tpu.memory_space<vmem>>
    %dma_start3A_18 = tpu.memref_squeeze %dma_start3A_17 : memref<1x1x64xi32, #tpu.memory_space<vmem>> -> memref<64xi32, #tpu.memory_space<vmem>>
    %dma_start3A_19 = tpu.memref_slice %arg3[%add3A_4] : memref<524288xi32, #tpu.memory_space<hbm>> -> memref<64xi32, #tpu.memory_space<hbm>>
    %dma_start3A_20 = arith.constant 0 : i32
    %dma_start3A_21 = tpu.memref_slice %arg10[%dma_start3A_14, %dma_start3A_15, %dma_start3A_20] : memref<2x5x64xi32, #tpu.memory_space<vmem>> -> memref<1x1x64xi32, #tpu.memory_space<vmem>>
    %dma_start3A_22 = tpu.memref_squeeze %dma_start3A_21 : memref<1x1x64xi32, #tpu.memory_space<vmem>> -> memref<64xi32, #tpu.memory_space<vmem>>
    %dma_start3A_23 = tpu.memref_slice %arg3[%add3A_4] : memref<524288xi32, #tpu.memory_space<hbm>> -> memref<64xi32, #tpu.memory_space<hbm>>
    tpu.enqueue_dma source(%dma_start3A_23 : memref<64xi32, #tpu.memory_space<hbm>>) target(%dma_start3A_22 : memref<64xi32, #tpu.memory_space<vmem>>) target_semaphore(%arg12 : memref<!tpu.dma_semaphore, #tpu.memory_space<semaphore_mem>>)
    %dma_start3A_24 = arith.constant 0 : i32
    %dma_start3A_25 = arith.constant 2 : i32
    %dma_start3A_26 = arith.constant 0 : i32
    %dma_start3A_27 = tpu.memref_slice %arg10[%dma_start3A_24, %dma_start3A_25, %dma_start3A_26] : memref<2x5x64xi32, #tpu.memory_space<vmem>> -> memref<1x1x64xi32, #tpu.memory_space<vmem>>
    %dma_start3A_28 = tpu.memref_squeeze %dma_start3A_27 : memref<1x1x64xi32, #tpu.memory_space<vmem>> -> memref<64xi32, #tpu.memory_space<vmem>>
    %dma_start3A_29 = tpu.memref_slice %arg4[%add3A_4] : memref<524288xi32, #tpu.memory_space<hbm>> -> memref<64xi32, #tpu.memory_space<hbm>>
    %dma_start3A_30 = arith.constant 0 : i32
    %dma_start3A_31 = tpu.memref_slice %arg10[%dma_start3A_24, %dma_start3A_25, %dma_start3A_30] : memref<2x5x64xi32, #tpu.memory_space<vmem>> -> memref<1x1x64xi32, #tpu.memory_space<vmem>>
    %dma_start3A_32 = tpu.memref_squeeze %dma_start3A_31 : memref<1x1x64xi32, #tpu.memory_space<vmem>> -> memref<64xi32, #tpu.memory_space<vmem>>
    %dma_start3A_33 = tpu.memref_slice %arg4[%add3A_4] : memref<524288xi32, #tpu.memory_space<hbm>> -> memref<64xi32, #tpu.memory_space<hbm>>
    tpu.enqueue_dma source(%dma_start3A_33 : memref<64xi32, #tpu.memory_space<hbm>>) target(%dma_start3A_32 : memref<64xi32, #tpu.memory_space<vmem>>) target_semaphore(%arg12 : memref<!tpu.dma_semaphore, #tpu.memory_space<semaphore_mem>>)
    %dma_start3A_34 = arith.constant 0 : i32
    %dma_start3A_35 = arith.constant 3 : i32
    %dma_start3A_36 = arith.constant 0 : i32
    %dma_start3A_37 = tpu.memref_slice %arg10[%dma_start3A_34, %dma_start3A_35, %dma_start3A_36] : memref<2x5x64xi32, #tpu.memory_space<vmem>> -> memref<1x1x64xi32, #tpu.memory_space<vmem>>
    %dma_start3A_38 = tpu.memref_squeeze %dma_start3A_37 : memref<1x1x64xi32, #tpu.memory_space<vmem>> -> memref<64xi32, #tpu.memory_space<vmem>>
    %dma_start3A_39 = tpu.memref_slice %arg5[%add3A_4] : memref<524288xi32, #tpu.memory_space<hbm>> -> memref<64xi32, #tpu.memory_space<hbm>>
    %dma_start3A_40 = arith.constant 0 : i32
    %dma_start3A_41 = tpu.memref_slice %arg10[%dma_start3A_34, %dma_start3A_35, %dma_start3A_40] : memref<2x5x64xi32, #tpu.memory_space<vmem>> -> memref<1x1x64xi32, #tpu.memory_space<vmem>>
    %dma_start3A_42 = tpu.memref_squeeze %dma_start3A_41 : memref<1x1x64xi32, #tpu.memory_space<vmem>> -> memref<64xi32, #tpu.memory_space<vmem>>
    %dma_start3A_43 = tpu.memref_slice %arg5[%add3A_4] : memref<524288xi32, #tpu.memory_space<hbm>> -> memref<64xi32, #tpu.memory_space<hbm>>
    tpu.enqueue_dma source(%dma_start3A_43 : memref<64xi32, #tpu.memory_space<hbm>>) target(%dma_start3A_42 : memref<64xi32, #tpu.memory_space<vmem>>) target_semaphore(%arg12 : memref<!tpu.dma_semaphore, #tpu.memory_space<semaphore_mem>>)
    %dma_start3A_44 = arith.constant 0 : i32
    %dma_start3A_45 = arith.constant 4 : i32
    %dma_start3A_46 = arith.constant 0 : i32
    %dma_start3A_47 = tpu.memref_slice %arg10[%dma_start3A_44, %dma_start3A_45, %dma_start3A_46] : memref<2x5x64xi32, #tpu.memory_space<vmem>> -> memref<1x1x64xi32, #tpu.memory_space<vmem>>
    %dma_start3A_48 = tpu.memref_squeeze %dma_start3A_47 : memref<1x1x64xi32, #tpu.memory_space<vmem>> -> memref<64xi32, #tpu.memory_space<vmem>>
    %dma_start3A_49 = tpu.memref_slice %arg6[%add3A_4] : memref<524288xi32, #tpu.memory_space<hbm>> -> memref<64xi32, #tpu.memory_space<hbm>>
    %dma_start3A_50 = arith.constant 0 : i32
    %dma_start3A_51 = tpu.memref_slice %arg10[%dma_start3A_44, %dma_start3A_45, %dma_start3A_50] : memref<2x5x64xi32, #tpu.memory_space<vmem>> -> memref<1x1x64xi32, #tpu.memory_space<vmem>>
    %dma_start3A_52 = tpu.memref_squeeze %dma_start3A_51 : memref<1x1x64xi32, #tpu.memory_space<vmem>> -> memref<64xi32, #tpu.memory_space<vmem>>
    %dma_start3A_53 = tpu.memref_slice %arg6[%add3A_4] : memref<524288xi32, #tpu.memory_space<hbm>> -> memref<64xi32, #tpu.memory_space<hbm>>
    tpu.enqueue_dma source(%dma_start3A_53 : memref<64xi32, #tpu.memory_space<hbm>>) target(%dma_start3A_52 : memref<64xi32, #tpu.memory_space<vmem>>) target_semaphore(%arg12 : memref<!tpu.dma_semaphore, #tpu.memory_space<semaphore_mem>>)
    %scan3A = arith.constant 0 : i32
    %scan3A_54 = arith.constant 0 : i32
    %scan3A_55 = arith.constant 256 : i32
    %scan3A_56 = arith.addi %scan3A_54, %scan3A_55 : i32
    %scan3A_57 = arith.constant 1 : i32
    scf.for %scan3A_88 = %scan3A_54 to %scan3A_56 step %scan3A_57  : i32 {
      %rem3A = arith.constant 2 : i32
      %rem3A_89 = arith.remsi %scan3A_88, %rem3A : i32
      %mul3A_90 = arith.constant 64 : i32
      %mul3A_91 = arith.muli %scan3A_88, %mul3A_90 : i32
      %add3A_92 = arith.addi %mul3A_2, %mul3A_91 : i32
      %dma_wait3A_93 = arith.constant 0 : i32
      %dma_wait3A_94 = arith.constant 0 : i32
      %dma_wait3A_95 = tpu.memref_slice %arg10[%rem3A_89, %dma_wait3A_93, %dma_wait3A_94] : memref<2x5x64xi32, #tpu.memory_space<vmem>> -> memref<1x1x64xi32, #tpu.memory_space<vmem>>
      %dma_wait3A_96 = tpu.memref_squeeze %dma_wait3A_95 : memref<1x1x64xi32, #tpu.memory_space<vmem>> -> memref<64xi32, #tpu.memory_space<vmem>>
      %dma_wait3A_97 = tpu.memref_slice %arg2[%mul3A_2] : memref<524288xi32, #tpu.memory_space<hbm>> -> memref<64xi32, #tpu.memory_space<hbm>>
      %dma_wait3A_98 = arith.constant 0 : i32
      %dma_wait3A_99 = tpu.memref_slice %arg10[%rem3A_89, %dma_wait3A_93, %dma_wait3A_98] : memref<2x5x64xi32, #tpu.memory_space<vmem>> -> memref<1x1x64xi32, #tpu.memory_space<vmem>>
      %dma_wait3A_100 = tpu.memref_squeeze %dma_wait3A_99 : memref<1x1x64xi32, #tpu.memory_space<vmem>> -> memref<64xi32, #tpu.memory_space<vmem>>
      %dma_wait3A_101 = tpu.memref_slice %arg2[%mul3A_2] : memref<524288xi32, #tpu.memory_space<hbm>> -> memref<64xi32, #tpu.memory_space<hbm>>
      tpu.wait_dma2 semaphore(%arg12 : memref<!tpu.dma_semaphore, #tpu.memory_space<semaphore_mem>>) src(%dma_wait3A_101 : memref<64xi32, #tpu.memory_space<hbm>>) dst(%dma_wait3A_100 : memref<64xi32, #tpu.memory_space<vmem>>)
      %dma_wait3A_102 = arith.constant 1 : i32
      %dma_wait3A_103 = arith.constant 0 : i32
      %dma_wait3A_104 = tpu.memref_slice %arg10[%rem3A_89, %dma_wait3A_102, %dma_wait3A_103] : memref<2x5x64xi32, #tpu.memory_space<vmem>> -> memref<1x1x64xi32, #tpu.memory_space<vmem>>
      %dma_wait3A_105 = tpu.memref_squeeze %dma_wait3A_104 : memref<1x1x64xi32, #tpu.memory_space<vmem>> -> memref<64xi32, #tpu.memory_space<vmem>>
      %dma_wait3A_106 = tpu.memref_slice %arg3[%mul3A_2] : memref<524288xi32, #tpu.memory_space<hbm>> -> memref<64xi32, #tpu.memory_space<hbm>>
      %dma_wait3A_107 = arith.constant 0 : i32
      %dma_wait3A_108 = tpu.memref_slice %arg10[%rem3A_89, %dma_wait3A_102, %dma_wait3A_107] : memref<2x5x64xi32, #tpu.memory_space<vmem>> -> memref<1x1x64xi32, #tpu.memory_space<vmem>>
      %dma_wait3A_109 = tpu.memref_squeeze %dma_wait3A_108 : memref<1x1x64xi32, #tpu.memory_space<vmem>> -> memref<64xi32, #tpu.memory_space<vmem>>
      %dma_wait3A_110 = tpu.memref_slice %arg3[%mul3A_2] : memref<524288xi32, #tpu.memory_space<hbm>> -> memref<64xi32, #tpu.memory_space<hbm>>
      tpu.wait_dma2 semaphore(%arg12 : memref<!tpu.dma_semaphore, #tpu.memory_space<semaphore_mem>>) src(%dma_wait3A_110 : memref<64xi32, #tpu.memory_space<hbm>>) dst(%dma_wait3A_109 : memref<64xi32, #tpu.memory_space<vmem>>)
      %dma_wait3A_111 = arith.constant 2 : i32
      %dma_wait3A_112 = arith.constant 0 : i32
      %dma_wait3A_113 = tpu.memref_slice %arg10[%rem3A_89, %dma_wait3A_111, %dma_wait3A_112] : memref<2x5x64xi32, #tpu.memory_space<vmem>> -> memref<1x1x64xi32, #tpu.memory_space<vmem>>
      %dma_wait3A_114 = tpu.memref_squeeze %dma_wait3A_113 : memref<1x1x64xi32, #tpu.memory_space<vmem>> -> memref<64xi32, #tpu.memory_space<vmem>>
      %dma_wait3A_115 = tpu.memref_slice %arg4[%mul3A_2] : memref<524288xi32, #tpu.memory_space<hbm>> -> memref<64xi32, #tpu.memory_space<hbm>>
      %dma_wait3A_116 = arith.constant 0 : i32
      %dma_wait3A_117 = tpu.memref_slice %arg10[%rem3A_89, %dma_wait3A_111, %dma_wait3A_116] : memref<2x5x64xi32, #tpu.memory_space<vmem>> -> memref<1x1x64xi32, #tpu.memory_space<vmem>>
      %dma_wait3A_118 = tpu.memref_squeeze %dma_wait3A_117 : memref<1x1x64xi32, #tpu.memory_space<vmem>> -> memref<64xi32, #tpu.memory_space<vmem>>
      %dma_wait3A_119 = tpu.memref_slice %arg4[%mul3A_2] : memref<524288xi32, #tpu.memory_space<hbm>> -> memref<64xi32, #tpu.memory_space<hbm>>
      tpu.wait_dma2 semaphore(%arg12 : memref<!tpu.dma_semaphore, #tpu.memory_space<semaphore_mem>>) src(%dma_wait3A_119 : memref<64xi32, #tpu.memory_space<hbm>>) dst(%dma_wait3A_118 : memref<64xi32, #tpu.memory_space<vmem>>)
      %dma_wait3A_120 = arith.constant 3 : i32
      %dma_wait3A_121 = arith.constant 0 : i32
      %dma_wait3A_122 = tpu.memref_slice %arg10[%rem3A_89, %dma_wait3A_120, %dma_wait3A_121] : memref<2x5x64xi32, #tpu.memory_space<vmem>> -> memref<1x1x64xi32, #tpu.memory_space<vmem>>
      %dma_wait3A_123 = tpu.memref_squeeze %dma_wait3A_122 : memref<1x1x64xi32, #tpu.memory_space<vmem>> -> memref<64xi32, #tpu.memory_space<vmem>>
      %dma_wait3A_124 = tpu.memref_slice %arg5[%mul3A_2] : memref<524288xi32, #tpu.memory_space<hbm>> -> memref<64xi32, #tpu.memory_space<hbm>>
      %dma_wait3A_125 = arith.constant 0 : i32
      %dma_wait3A_126 = tpu.memref_slice %arg10[%rem3A_89, %dma_wait3A_120, %dma_wait3A_125] : memref<2x5x64xi32, #tpu.memory_space<vmem>> -> memref<1x1x64xi32, #tpu.memory_space<vmem>>
      %dma_wait3A_127 = tpu.memref_squeeze %dma_wait3A_126 : memref<1x1x64xi32, #tpu.memory_space<vmem>> -> memref<64xi32, #tpu.memory_space<vmem>>
      %dma_wait3A_128 = tpu.memref_slice %arg5[%mul3A_2] : memref<524288xi32, #tpu.memory_space<hbm>> -> memref<64xi32, #tpu.memory_space<hbm>>
      tpu.wait_dma2 semaphore(%arg12 : memref<!tpu.dma_semaphore, #tpu.memory_space<semaphore_mem>>) src(%dma_wait3A_128 : memref<64xi32, #tpu.memory_space<hbm>>) dst(%dma_wait3A_127 : memref<64xi32, #tpu.memory_space<vmem>>)
      %dma_wait3A_129 = arith.constant 4 : i32
      %dma_wait3A_130 = arith.constant 0 : i32
      %dma_wait3A_131 = tpu.memref_slice %arg10[%rem3A_89, %dma_wait3A_129, %dma_wait3A_130] : memref<2x5x64xi32, #tpu.memory_space<vmem>> -> memref<1x1x64xi32, #tpu.memory_space<vmem>>
      %dma_wait3A_132 = tpu.memref_squeeze %dma_wait3A_131 : memref<1x1x64xi32, #tpu.memory_space<vmem>> -> memref<64xi32, #tpu.memory_space<vmem>>
      %dma_wait3A_133 = tpu.memref_slice %arg6[%mul3A_2] : memref<524288xi32, #tpu.memory_space<hbm>> -> memref<64xi32, #tpu.memory_space<hbm>>
      %dma_wait3A_134 = arith.constant 0 : i32
      %dma_wait3A_135 = tpu.memref_slice %arg10[%rem3A_89, %dma_wait3A_129, %dma_wait3A_134] : memref<2x5x64xi32, #tpu.memory_space<vmem>> -> memref<1x1x64xi32, #tpu.memory_space<vmem>>
      %dma_wait3A_136 = tpu.memref_squeeze %dma_wait3A_135 : memref<1x1x64xi32, #tpu.memory_space<vmem>> -> memref<64xi32, #tpu.memory_space<vmem>>
      %dma_wait3A_137 = tpu.memref_slice %arg6[%mul3A_2] : memref<524288xi32, #tpu.memory_space<hbm>> -> memref<64xi32, #tpu.memory_space<hbm>>
      tpu.wait_dma2 semaphore(%arg12 : memref<!tpu.dma_semaphore, #tpu.memory_space<semaphore_mem>>) src(%dma_wait3A_137 : memref<64xi32, #tpu.memory_space<hbm>>) dst(%dma_wait3A_136 : memref<64xi32, #tpu.memory_space<vmem>>)
      %add3A_138 = arith.constant 1 : i32
      %add3A_139 = arith.addi %scan3A_88, %add3A_138 : i32
      %lt3A = arith.constant 256 : i32
      %lt3A_140 = arith.cmpi slt, %add3A_139, %lt3A : i32
      %convert_element_type3A = arith.extui %lt3A_140 : i1 to i32
      %cond3A = arith.constant 0 : i32
      %cond3A_141 = arith.cmpi ne, %convert_element_type3A, %cond3A : i32
      scf.if %cond3A_141 {
        %add3A_171 = arith.constant 1 : i32
        %add3A_172 = arith.addi %scan3A_88, %add3A_171 : i32
        %sub3A = arith.constant 1 : i32
        %sub3A_173 = arith.subi %sub3A, %rem3A_89 : i32
        %mul3A_174 = arith.constant 64 : i32
        %mul3A_175 = arith.muli %add3A_172, %mul3A_174 : i32
        %add3A_176 = arith.addi %mul3A_2, %mul3A_175 : i32
        %dma_start3A_177 = arith.constant 0 : i32
        %dma_start3A_178 = arith.constant 0 : i32
        %dma_start3A_179 = tpu.memref_slice %arg10[%sub3A_173, %dma_start3A_177, %dma_start3A_178] : memref<2x5x64xi32, #tpu.memory_space<vmem>> -> memref<1x1x64xi32, #tpu.memory_space<vmem>>
        %dma_start3A_180 = tpu.memref_squeeze %dma_start3A_179 : memref<1x1x64xi32, #tpu.memory_space<vmem>> -> memref<64xi32, #tpu.memory_space<vmem>>
        %dma_start3A_181 = tpu.memref_slice %arg2[%add3A_176] : memref<524288xi32, #tpu.memory_space<hbm>> -> memref<64xi32, #tpu.memory_space<hbm>>
        %dma_start3A_182 = arith.constant 0 : i32
        %dma_start3A_183 = tpu.memref_slice %arg10[%sub3A_173, %dma_start3A_177, %dma_start3A_182] : memref<2x5x64xi32, #tpu.memory_space<vmem>> -> memref<1x1x64xi32, #tpu.memory_space<vmem>>
        %dma_start3A_184 = tpu.memref_squeeze %dma_start3A_183 : memref<1x1x64xi32, #tpu.memory_space<vmem>> -> memref<64xi32, #tpu.memory_space<vmem>>
        %dma_start3A_185 = tpu.memref_slice %arg2[%add3A_176] : memref<524288xi32, #tpu.memory_space<hbm>> -> memref<64xi32, #tpu.memory_space<hbm>>
        tpu.enqueue_dma source(%dma_start3A_185 : memref<64xi32, #tpu.memory_space<hbm>>) target(%dma_start3A_184 : memref<64xi32, #tpu.memory_space<vmem>>) target_semaphore(%arg12 : memref<!tpu.dma_semaphore, #tpu.memory_space<semaphore_mem>>)
        %dma_start3A_186 = arith.constant 1 : i32
        %dma_start3A_187 = arith.constant 0 : i32
        %dma_start3A_188 = tpu.memref_slice %arg10[%sub3A_173, %dma_start3A_186, %dma_start3A_187] : memref<2x5x64xi32, #tpu.memory_space<vmem>> -> memref<1x1x64xi32, #tpu.memory_space<vmem>>
        %dma_start3A_189 = tpu.memref_squeeze %dma_start3A_188 : memref<1x1x64xi32, #tpu.memory_space<vmem>> -> memref<64xi32, #tpu.memory_space<vmem>>
        %dma_start3A_190 = tpu.memref_slice %arg3[%add3A_176] : memref<524288xi32, #tpu.memory_space<hbm>> -> memref<64xi32, #tpu.memory_space<hbm>>
        %dma_start3A_191 = arith.constant 0 : i32
        %dma_start3A_192 = tpu.memref_slice %arg10[%sub3A_173, %dma_start3A_186, %dma_start3A_191] : memref<2x5x64xi32, #tpu.memory_space<vmem>> -> memref<1x1x64xi32, #tpu.memory_space<vmem>>
        %dma_start3A_193 = tpu.memref_squeeze %dma_start3A_192 : memref<1x1x64xi32, #tpu.memory_space<vmem>> -> memref<64xi32, #tpu.memory_space<vmem>>
        %dma_start3A_194 = tpu.memref_slice %arg3[%add3A_176] : memref<524288xi32, #tpu.memory_space<hbm>> -> memref<64xi32, #tpu.memory_space<hbm>>
        tpu.enqueue_dma source(%dma_start3A_194 : memref<64xi32, #tpu.memory_space<hbm>>) target(%dma_start3A_193 : memref<64xi32, #tpu.memory_space<vmem>>) target_semaphore(%arg12 : memref<!tpu.dma_semaphore, #tpu.memory_space<semaphore_mem>>)
        %dma_start3A_195 = arith.constant 2 : i32
        %dma_start3A_196 = arith.constant 0 : i32
        %dma_start3A_197 = tpu.memref_slice %arg10[%sub3A_173, %dma_start3A_195, %dma_start3A_196] : memref<2x5x64xi32, #tpu.memory_space<vmem>> -> memref<1x1x64xi32, #tpu.memory_space<vmem>>
        %dma_start3A_198 = tpu.memref_squeeze %dma_start3A_197 : memref<1x1x64xi32, #tpu.memory_space<vmem>> -> memref<64xi32, #tpu.memory_space<vmem>>
        %dma_start3A_199 = tpu.memref_slice %arg4[%add3A_176] : memref<524288xi32, #tpu.memory_space<hbm>> -> memref<64xi32, #tpu.memory_space<hbm>>
        %dma_start3A_200 = arith.constant 0 : i32
        %dma_start3A_201 = tpu.memref_slice %arg10[%sub3A_173, %dma_start3A_195, %dma_start3A_200] : memref<2x5x64xi32, #tpu.memory_space<vmem>> -> memref<1x1x64xi32, #tpu.memory_space<vmem>>
        %dma_start3A_202 = tpu.memref_squeeze %dma_start3A_201 : memref<1x1x64xi32, #tpu.memory_space<vmem>> -> memref<64xi32, #tpu.memory_space<vmem>>
        %dma_start3A_203 = tpu.memref_slice %arg4[%add3A_176] : memref<524288xi32, #tpu.memory_space<hbm>> -> memref<64xi32, #tpu.memory_space<hbm>>
        tpu.enqueue_dma source(%dma_start3A_203 : memref<64xi32, #tpu.memory_space<hbm>>) target(%dma_start3A_202 : memref<64xi32, #tpu.memory_space<vmem>>) target_semaphore(%arg12 : memref<!tpu.dma_semaphore, #tpu.memory_space<semaphore_mem>>)
        %dma_start3A_204 = arith.constant 3 : i32
        %dma_start3A_205 = arith.constant 0 : i32
        %dma_start3A_206 = tpu.memref_slice %arg10[%sub3A_173, %dma_start3A_204, %dma_start3A_205] : memref<2x5x64xi32, #tpu.memory_space<vmem>> -> memref<1x1x64xi32, #tpu.memory_space<vmem>>
        %dma_start3A_207 = tpu.memref_squeeze %dma_start3A_206 : memref<1x1x64xi32, #tpu.memory_space<vmem>> -> memref<64xi32, #tpu.memory_space<vmem>>
        %dma_start3A_208 = tpu.memref_slice %arg5[%add3A_176] : memref<524288xi32, #tpu.memory_space<hbm>> -> memref<64xi32, #tpu.memory_space<hbm>>
        %dma_start3A_209 = arith.constant 0 : i32
        %dma_start3A_210 = tpu.memref_slice %arg10[%sub3A_173, %dma_start3A_204, %dma_start3A_209] : memref<2x5x64xi32, #tpu.memory_space<vmem>> -> memref<1x1x64xi32, #tpu.memory_space<vmem>>
        %dma_start3A_211 = tpu.memref_squeeze %dma_start3A_210 : memref<1x1x64xi32, #tpu.memory_space<vmem>> -> memref<64xi32, #tpu.memory_space<vmem>>
        %dma_start3A_212 = tpu.memref_slice %arg5[%add3A_176] : memref<524288xi32, #tpu.memory_space<hbm>> -> memref<64xi32, #tpu.memory_space<hbm>>
        tpu.enqueue_dma source(%dma_start3A_212 : memref<64xi32, #tpu.memory_space<hbm>>) target(%dma_start3A_211 : memref<64xi32, #tpu.memory_space<vmem>>) target_semaphore(%arg12 : memref<!tpu.dma_semaphore, #tpu.memory_space<semaphore_mem>>)
        %dma_start3A_213 = arith.constant 4 : i32
        %dma_start3A_214 = arith.constant 0 : i32
        %dma_start3A_215 = tpu.memref_slice %arg10[%sub3A_173, %dma_start3A_213, %dma_start3A_214] : memref<2x5x64xi32, #tpu.memory_space<vmem>> -> memref<1x1x64xi32, #tpu.memory_space<vmem>>
        %dma_start3A_216 = tpu.memref_squeeze %dma_start3A_215 : memref<1x1x64xi32, #tpu.memory_space<vmem>> -> memref<64xi32, #tpu.memory_space<vmem>>
        %dma_start3A_217 = tpu.memref_slice %arg6[%add3A_176] : memref<524288xi32, #tpu.memory_space<hbm>> -> memref<64xi32, #tpu.memory_space<hbm>>
        %dma_start3A_218 = arith.constant 0 : i32
        %dma_start3A_219 = tpu.memref_slice %arg10[%sub3A_173, %dma_start3A_213, %dma_start3A_218] : memref<2x5x64xi32, #tpu.memory_space<vmem>> -> memref<1x1x64xi32, #tpu.memory_space<vmem>>
        %dma_start3A_220 = tpu.memref_squeeze %dma_start3A_219 : memref<1x1x64xi32, #tpu.memory_space<vmem>> -> memref<64xi32, #tpu.memory_space<vmem>>
        %dma_start3A_221 = tpu.memref_slice %arg6[%add3A_176] : memref<524288xi32, #tpu.memory_space<hbm>> -> memref<64xi32, #tpu.memory_space<hbm>>
        tpu.enqueue_dma source(%dma_start3A_221 : memref<64xi32, #tpu.memory_space<hbm>>) target(%dma_start3A_220 : memref<64xi32, #tpu.memory_space<vmem>>) target_semaphore(%arg12 : memref<!tpu.dma_semaphore, #tpu.memory_space<semaphore_mem>>)
      } else {
      }
      %ge3A = arith.constant 2 : i32
      %ge3A_142 = arith.cmpi sge, %scan3A_88, %ge3A : i32
      %eq3A = arith.constant 0 : i32
      %eq3A_143 = arith.cmpi eq, %rem3A_89, %eq3A : i32
      %and3A = arith.andi %ge3A_142, %eq3A_143 : i1
      %convert_element_type3A_144 = arith.extui %and3A : i1 to i32
      %cond3A_145 = arith.constant 0 : i32
      %cond3A_146 = arith.cmpi ne, %convert_element_type3A_144, %cond3A_145 : i32
      scf.if %cond3A_146 {
        %dma_wait3A_171 = arith.constant 0 : i32
        %dma_wait3A_172 = arith.constant 0 : i32
        %dma_wait3A_173 = tpu.memref_slice %arg11[%rem3A_89, %dma_wait3A_171, %dma_wait3A_172] : memref<2x64x160xf32, #tpu.memory_space<vmem>> -> memref<1x64x160xf32, #tpu.memory_space<vmem>>
        %dma_wait3A_174 = tpu.memref_squeeze %dma_wait3A_173 : memref<1x64x160xf32, #tpu.memory_space<vmem>> -> memref<64x160xf32, #tpu.memory_space<vmem>>
        %dma_wait3A_175 = arith.constant 0 : i32
        %dma_wait3A_176 = arith.constant 0 : i32
        %dma_wait3A_177 = tpu.memref_slice %arg8[%dma_wait3A_175, %dma_wait3A_176] : memref<524288x160xf32, #tpu.memory_space<hbm>> -> memref<64x160xf32, #tpu.memory_space<hbm>>
        %dma_wait3A_178 = arith.constant 0 : i32
        %dma_wait3A_179 = arith.constant 0 : i32
        %dma_wait3A_180 = tpu.memref_slice %arg11[%rem3A_89, %dma_wait3A_178, %dma_wait3A_179] : memref<2x64x160xf32, #tpu.memory_space<vmem>> -> memref<1x64x160xf32, #tpu.memory_space<vmem>>
        %dma_wait3A_181 = tpu.memref_squeeze %dma_wait3A_180 : memref<1x64x160xf32, #tpu.memory_space<vmem>> -> memref<64x160xf32, #tpu.memory_space<vmem>>
        %dma_wait3A_182 = arith.constant 0 : i32
        %dma_wait3A_183 = arith.constant 0 : i32
        %dma_wait3A_184 = tpu.memref_slice %arg8[%dma_wait3A_182, %dma_wait3A_183] : memref<524288x160xf32, #tpu.memory_space<hbm>> -> memref<64x160xf32, #tpu.memory_space<hbm>>
        tpu.wait_dma2 semaphore(%arg13 : memref<!tpu.dma_semaphore, #tpu.memory_space<semaphore_mem>>) src(%dma_wait3A_184 : memref<64x160xf32, #tpu.memory_space<hbm>>) dst(%dma_wait3A_181 : memref<64x160xf32, #tpu.memory_space<vmem>>)
      } else {
      }
      %ge3A_147 = arith.constant 2 : i32
      %ge3A_148 = arith.cmpi sge, %scan3A_88, %ge3A_147 : i32
      %eq3A_149 = arith.constant 1 : i32
      %eq3A_150 = arith.cmpi eq, %rem3A_89, %eq3A_149 : i32
      %and3A_151 = arith.andi %ge3A_148, %eq3A_150 : i1
      %convert_element_type3A_152 = arith.extui %and3A_151 : i1 to i32
      %cond3A_153 = arith.constant 0 : i32
      %cond3A_154 = arith.cmpi ne, %convert_element_type3A_152, %cond3A_153 : i32
      scf.if %cond3A_154 {
        %dma_wait3A_171 = arith.constant 0 : i32
        %dma_wait3A_172 = arith.constant 0 : i32
        %dma_wait3A_173 = tpu.memref_slice %arg11[%rem3A_89, %dma_wait3A_171, %dma_wait3A_172] : memref<2x64x160xf32, #tpu.memory_space<vmem>> -> memref<1x64x160xf32, #tpu.memory_space<vmem>>
        %dma_wait3A_174 = tpu.memref_squeeze %dma_wait3A_173 : memref<1x64x160xf32, #tpu.memory_space<vmem>> -> memref<64x160xf32, #tpu.memory_space<vmem>>
        %dma_wait3A_175 = arith.constant 0 : i32
        %dma_wait3A_176 = arith.constant 0 : i32
        %dma_wait3A_177 = tpu.memref_slice %arg8[%dma_wait3A_175, %dma_wait3A_176] : memref<524288x160xf32, #tpu.memory_space<hbm>> -> memref<64x160xf32, #tpu.memory_space<hbm>>
        %dma_wait3A_178 = arith.constant 0 : i32
        %dma_wait3A_179 = arith.constant 0 : i32
        %dma_wait3A_180 = tpu.memref_slice %arg11[%rem3A_89, %dma_wait3A_178, %dma_wait3A_179] : memref<2x64x160xf32, #tpu.memory_space<vmem>> -> memref<1x64x160xf32, #tpu.memory_space<vmem>>
        %dma_wait3A_181 = tpu.memref_squeeze %dma_wait3A_180 : memref<1x64x160xf32, #tpu.memory_space<vmem>> -> memref<64x160xf32, #tpu.memory_space<vmem>>
        %dma_wait3A_182 = arith.constant 0 : i32
        %dma_wait3A_183 = arith.constant 0 : i32
        %dma_wait3A_184 = tpu.memref_slice %arg8[%dma_wait3A_182, %dma_wait3A_183] : memref<524288x160xf32, #tpu.memory_space<hbm>> -> memref<64x160xf32, #tpu.memory_space<hbm>>
        tpu.wait_dma2 semaphore(%arg14 : memref<!tpu.dma_semaphore, #tpu.memory_space<semaphore_mem>>) src(%dma_wait3A_184 : memref<64x160xf32, #tpu.memory_space<hbm>>) dst(%dma_wait3A_181 : memref<64x160xf32, #tpu.memory_space<vmem>>)
      } else {
      }
      %scan3A_155 = arith.constant 0 : i32
      %scan3A_156 = arith.constant 0 : i32
      %scan3A_157 = arith.constant 4 : i32
      %scan3A_158 = arith.addi %scan3A_156, %scan3A_157 : i32
      %scan3A_159 = arith.constant 1 : i32
      scf.for %scan3A_171 = %scan3A_156 to %scan3A_158 step %scan3A_159  : i32 {
        %mul3A_172 = arith.constant 16 : i32
        %mul3A_173 = arith.muli %scan3A_171, %mul3A_172 : i32
        %get3A = arith.constant 0 : i32
        %get3A_174 = arith.index_cast %rem3A_89 : i32 to index
        %get3A_175 = arith.index_cast %get3A : i32 to index
        %get3A_176 = arith.index_cast %mul3A_173 : i32 to index
        %get3A_177 = tpu.vector_load %arg10[%get3A_174, %get3A_175, %get3A_176] {strides = array<i32>} : memref<2x5x64xi32, #tpu.memory_space<vmem>>, vector<1x1x16xi32>,
        %get3A_178 = vector.shape_cast %get3A_177 : vector<1x1x16xi32> to vector<16xi32>
        %mul3A_179 = arith.constant 32 : i32
        %mul3A_180 = vector.broadcast %mul3A_179 : i32 to vector<16xi32>
        %mul3A_181 = arith.muli %get3A_178, %mul3A_180 : vector<16xi32>
        %add3A_182 = arith.constant 0 : i32
        %add3A_183 = vector.broadcast %add3A_182 : i32 to vector<16xi32>
        %add3A_184 = arith.addi %mul3A_181, %add3A_183 : vector<16xi32>
        %get3A_185 = arith.constant 1 : i32
        %get3A_186 = arith.index_cast %rem3A_89 : i32 to index
        %get3A_187 = arith.index_cast %get3A_185 : i32 to index
        %get3A_188 = arith.index_cast %mul3A_173 : i32 to index
        %get3A_189 = tpu.vector_load %arg10[%get3A_186, %get3A_187, %get3A_188] {strides = array<i32>} : memref<2x5x64xi32, #tpu.memory_space<vmem>>, vector<1x1x16xi32>,
        %get3A_190 = vector.shape_cast %get3A_189 : vector<1x1x16xi32> to vector<16xi32>
        %mul3A_191 = arith.constant 32 : i32
        %mul3A_192 = vector.broadcast %mul3A_191 : i32 to vector<16xi32>
        %mul3A_193 = arith.muli %get3A_190, %mul3A_192 : vector<16xi32>
        %add3A_194 = arith.constant 256 : i32
        %add3A_195 = vector.broadcast %add3A_194 : i32 to vector<16xi32>
        %add3A_196 = arith.addi %mul3A_193, %add3A_195 : vector<16xi32>
        %get3A_197 = arith.constant 2 : i32
        %get3A_198 = arith.index_cast %rem3A_89 : i32 to index
        %get3A_199 = arith.index_cast %get3A_197 : i32 to index
        %get3A_200 = arith.index_cast %mul3A_173 : i32 to index
        %get3A_201 = tpu.vector_load %arg10[%get3A_198, %get3A_199, %get3A_200] {strides = array<i32>} : memref<2x5x64xi32, #tpu.memory_space<vmem>>, vector<1x1x16xi32>,
        %get3A_202 = vector.shape_cast %get3A_201 : vector<1x1x16xi32> to vector<16xi32>
        %mul3A_203 = arith.constant 256 : i32
        %mul3A_204 = vector.broadcast %mul3A_203 : i32 to vector<16xi32>
        %mul3A_205 = arith.muli %get3A_202, %mul3A_204 : vector<16xi32>
        %get3A_206 = arith.constant 3 : i32
        %get3A_207 = arith.index_cast %rem3A_89 : i32 to index
        %get3A_208 = arith.index_cast %get3A_206 : i32 to index
        %get3A_209 = arith.index_cast %mul3A_173 : i32 to index
        %get3A_210 = tpu.vector_load %arg10[%get3A_207, %get3A_208, %get3A_209] {strides = array<i32>} : memref<2x5x64xi32, #tpu.memory_space<vmem>>, vector<1x1x16xi32>,
        %get3A_211 = vector.shape_cast %get3A_210 : vector<1x1x16xi32> to vector<16xi32>
        %mul3A_212 = arith.constant 32 : i32
        %mul3A_213 = vector.broadcast %mul3A_212 : i32 to vector<16xi32>
        %mul3A_214 = arith.muli %get3A_211, %mul3A_213 : vector<16xi32>
        %add3A_215 = arith.addi %mul3A_205, %mul3A_214 : vector<16xi32>
        %add3A_216 = arith.constant 12160 : i32
        %add3A_217 = vector.broadcast %add3A_216 : i32 to vector<16xi32>
        %add3A_218 = arith.addi %add3A_215, %add3A_217 : vector<16xi32>
        %get3A_219 = arith.constant 4 : i32
        %get3A_220 = arith.index_cast %rem3A_89 : i32 to index
        %get3A_221 = arith.index_cast %get3A_219 : i32 to index
        %get3A_222 = arith.index_cast %mul3A_173 : i32 to index
        %get3A_223 = tpu.vector_load %arg10[%get3A_220, %get3A_221, %get3A_222] {strides = array<i32>} : memref<2x5x64xi32, #tpu.memory_space<vmem>>, vector<1x1x16xi32>,
        %get3A_224 = vector.shape_cast %get3A_223 : vector<1x1x16xi32> to vector<16xi32>
        %mul3A_225 = arith.constant 64 : i32
        %mul3A_226 = vector.broadcast %mul3A_225 : i32 to vector<16xi32>
        %mul3A_227 = arith.muli %get3A_224, %mul3A_226 : vector<16xi32>
        %add3A_228 = arith.constant 27776 : i32
        %add3A_229 = vector.broadcast %add3A_228 : i32 to vector<16xi32>
        %add3A_230 = arith.addi %mul3A_227, %add3A_229 : vector<16xi32>
        %slice3A = vector.extract_strided_slice %add3A_184 {offsets = [0], sizes = [1], strides = [1]} : vector<16xi32> to vector<1xi32>
        %squeeze3A = vector.extract %slice3A[0] : i32 from vector<1xi32>
        %slice3A_231 = vector.extract_strided_slice %add3A_196 {offsets = [0], sizes = [1], strides = [1]} : vector<16xi32> to vector<1xi32>
        %squeeze3A_232 = vector.extract %slice3A_231[0] : i32 from vector<1xi32>
        %slice3A_233 = vector.extract_strided_slice %add3A_218 {offsets = [0], sizes = [1], strides = [1]} : vector<16xi32> to vector<1xi32>
        %squeeze3A_234 = vector.extract %slice3A_233[0] : i32 from vector<1xi32>
        %slice3A_235 = vector.extract_strided_slice %add3A_230 {offsets = [0], sizes = [1], strides = [1]} : vector<16xi32> to vector<1xi32>
        %squeeze3A_236 = vector.extract %slice3A_235[0] : i32 from vector<1xi32>
        %get3A_237 = arith.index_cast %squeeze3A : i32 to index
        %get3A_238 = tpu.vector_load %arg9[%get3A_237] {strides = array<i32>} : memref<93312xf32, #tpu.memory_space<vmem>>, vector<16xf32>,
        %get3A_239 = vector.shape_cast %get3A_238 : vector<16xf32> to vector<16xf32>
        %add3A_240 = arith.constant 16 : i32
        %add3A_241 = arith.addi %squeeze3A, %add3A_240 : i32
        %get3A_242 = arith.index_cast %add3A_241 : i32 to index
        %get3A_243 = tpu.vector_load %arg9[%get3A_242] {strides = array<i32>} : memref<93312xf32, #tpu.memory_space<vmem>>, vector<16xf32>,
        %get3A_244 = vector.shape_cast %get3A_243 : vector<16xf32> to vector<16xf32>
        %get3A_245 = arith.index_cast %squeeze3A_232 : i32 to index
        %get3A_246 = tpu.vector_load %arg9[%get3A_245] {strides = array<i32>} : memref<93312xf32, #tpu.memory_space<vmem>>, vector<16xf32>,
        %get3A_247 = vector.shape_cast %get3A_246 : vector<16xf32> to vector<16xf32>
        %add3A_248 = arith.constant 16 : i32
        %add3A_249 = arith.addi %squeeze3A_232, %add3A_248 : i32
        %get3A_250 = arith.index_cast %add3A_249 : i32 to index
        %get3A_251 = tpu.vector_load %arg9[%get3A_250] {strides = array<i32>} : memref<93312xf32, #tpu.memory_space<vmem>>, vector<16xf32>,
        %get3A_252 = vector.shape_cast %get3A_251 : vector<16xf32> to vector<16xf32>
        %get3A_253 = arith.index_cast %squeeze3A_234 : i32 to index
        %get3A_254 = tpu.vector_load %arg9[%get3A_253] {strides = array<i32>} : memref<93312xf32, #tpu.memory_space<vmem>>, vector<16xf32>,
        %get3A_255 = vector.shape_cast %get3A_254 : vector<16xf32> to vector<16xf32>
        %add3A_256 = arith.constant 16 : i32
        %add3A_257 = arith.addi %squeeze3A_234, %add3A_256 : i32
        %get3A_258 = arith.index_cast %add3A_257 : i32 to index
        %get3A_259 = tpu.vector_load %arg9[%get3A_258] {strides = array<i32>} : memref<93312xf32, #tpu.memory_space<vmem>>, vector<16xf32>,
        %get3A_260 = vector.shape_cast %get3A_259 : vector<16xf32> to vector<16xf32>
        %get3A_261 = arith.index_cast %squeeze3A_236 : i32 to index
        %get3A_262 = tpu.vector_load %arg9[%get3A_261] {strides = array<i32>} : memref<93312xf32, #tpu.memory_space<vmem>>, vector<16xf32>,
        %get3A_263 = vector.shape_cast %get3A_262 : vector<16xf32> to vector<16xf32>
        %add3A_264 = arith.constant 16 : i32
        %add3A_265 = arith.addi %squeeze3A_236, %add3A_264 : i32
        %get3A_266 = arith.index_cast %add3A_265 : i32 to index
        %get3A_267 = tpu.vector_load %arg9[%get3A_266] {strides = array<i32>} : memref<93312xf32, #tpu.memory_space<vmem>>, vector<16xf32>,
        %get3A_268 = vector.shape_cast %get3A_267 : vector<16xf32> to vector<16xf32>
        %add3A_269 = arith.constant 32 : i32
        %add3A_270 = arith.addi %squeeze3A_236, %add3A_269 : i32
        %get3A_271 = arith.index_cast %add3A_270 : i32 to index
        %get3A_272 = tpu.vector_load %arg9[%get3A_271] {strides = array<i32>} : memref<93312xf32, #tpu.memory_space<vmem>>, vector<16xf32>,
        %get3A_273 = vector.shape_cast %get3A_272 : vector<16xf32> to vector<16xf32>
        %add3A_274 = arith.constant 48 : i32
        %add3A_275 = arith.addi %squeeze3A_236, %add3A_274 : i32
        %get3A_276 = arith.index_cast %add3A_275 : i32 to index
        %get3A_277 = tpu.vector_load %arg9[%get3A_276] {strides = array<i32>} : memref<93312xf32, #tpu.memory_space<vmem>>, vector<16xf32>,
        %get3A_278 = vector.shape_cast %get3A_277 : vector<16xf32> to vector<16xf32>
        %slice3A_279 = vector.extract_strided_slice %add3A_184 {offsets = [1], sizes = [1], strides = [1]} : vector<16xi32> to vector<1xi32>
        %squeeze3A_280 = vector.extract %slice3A_279[0] : i32 from vector<1xi32>
        %slice3A_281 = vector.extract_strided_slice %add3A_196 {offsets = [1], sizes = [1], strides = [1]} : vector<16xi32> to vector<1xi32>
        %squeeze3A_282 = vector.extract %slice3A_281[0] : i32 from vector<1xi32>
        %slice3A_283 = vector.extract_strided_slice %add3A_218 {offsets = [1], sizes = [1], strides = [1]} : vector<16xi32> to vector<1xi32>
        %squeeze3A_284 = vector.extract %slice3A_283[0] : i32 from vector<1xi32>
        %slice3A_285 = vector.extract_strided_slice %add3A_230 {offsets = [1], sizes = [1], strides = [1]} : vector<16xi32> to vector<1xi32>
        %squeeze3A_286 = vector.extract %slice3A_285[0] : i32 from vector<1xi32>
        %get3A_287 = arith.index_cast %squeeze3A_280 : i32 to index
        %get3A_288 = tpu.vector_load %arg9[%get3A_287] {strides = array<i32>} : memref<93312xf32, #tpu.memory_space<vmem>>, vector<16xf32>,
        %get3A_289 = vector.shape_cast %get3A_288 : vector<16xf32> to vector<16xf32>
        %add3A_290 = arith.constant 16 : i32
        %add3A_291 = arith.addi %squeeze3A_280, %add3A_290 : i32
        %get3A_292 = arith.index_cast %add3A_291 : i32 to index
        %get3A_293 = tpu.vector_load %arg9[%get3A_292] {strides = array<i32>} : memref<93312xf32, #tpu.memory_space<vmem>>, vector<16xf32>,
        %get3A_294 = vector.shape_cast %get3A_293 : vector<16xf32> to vector<16xf32>
        %get3A_295 = arith.index_cast %squeeze3A_282 : i32 to index
        %get3A_296 = tpu.vector_load %arg9[%get3A_295] {strides = array<i32>} : memref<93312xf32, #tpu.memory_space<vmem>>, vector<16xf32>,
        %get3A_297 = vector.shape_cast %get3A_296 : vector<16xf32> to vector<16xf32>
        %add3A_298 = arith.constant 16 : i32
        %add3A_299 = arith.addi %squeeze3A_282, %add3A_298 : i32
        %get3A_300 = arith.index_cast %add3A_299 : i32 to index
        %get3A_301 = tpu.vector_load %arg9[%get3A_300] {strides = array<i32>} : memref<93312xf32, #tpu.memory_space<vmem>>, vector<16xf32>,
        %get3A_302 = vector.shape_cast %get3A_301 : vector<16xf32> to vector<16xf32>
        %get3A_303 = arith.index_cast %squeeze3A_284 : i32 to index
        %get3A_304 = tpu.vector_load %arg9[%get3A_303] {strides = array<i32>} : memref<93312xf32, #tpu.memory_space<vmem>>, vector<16xf32>,
        %get3A_305 = vector.shape_cast %get3A_304 : vector<16xf32> to vector<16xf32>
        %add3A_306 = arith.constant 16 : i32
        %add3A_307 = arith.addi %squeeze3A_284, %add3A_306 : i32
        %get3A_308 = arith.index_cast %add3A_307 : i32 to index
        %get3A_309 = tpu.vector_load %arg9[%get3A_308] {strides = array<i32>} : memref<93312xf32, #tpu.memory_space<vmem>>, vector<16xf32>,
        %get3A_310 = vector.shape_cast %get3A_309 : vector<16xf32> to vector<16xf32>
        %get3A_311 = arith.index_cast %squeeze3A_286 : i32 to index
        %get3A_312 = tpu.vector_load %arg9[%get3A_311] {strides = array<i32>} : memref<93312xf32, #tpu.memory_space<vmem>>, vector<16xf32>,
        %get3A_313 = vector.shape_cast %get3A_312 : vector<16xf32> to vector<16xf32>
        %add3A_314 = arith.constant 16 : i32
        %add3A_315 = arith.addi %squeeze3A_286, %add3A_314 : i32
        %get3A_316 = arith.index_cast %add3A_315 : i32 to index
        %get3A_317 = tpu.vector_load %arg9[%get3A_316] {strides = array<i32>} : memref<93312xf32, #tpu.memory_space<vmem>>, vector<16xf32>,
        %get3A_318 = vector.shape_cast %get3A_317 : vector<16xf32> to vector<16xf32>
        %add3A_319 = arith.constant 32 : i32
        %add3A_320 = arith.addi %squeeze3A_286, %add3A_319 : i32
        %get3A_321 = arith.index_cast %add3A_320 : i32 to index
        %get3A_322 = tpu.vector_load %arg9[%get3A_321] {strides = array<i32>} : memref<93312xf32, #tpu.memory_space<vmem>>, vector<16xf32>,
        %get3A_323 = vector.shape_cast %get3A_322 : vector<16xf32> to vector<16xf32>
        %add3A_324 = arith.constant 48 : i32
        %add3A_325 = arith.addi %squeeze3A_286, %add3A_324 : i32
        %get3A_326 = arith.index_cast %add3A_325 : i32 to index
        %get3A_327 = tpu.vector_load %arg9[%get3A_326] {strides = array<i32>} : memref<93312xf32, #tpu.memory_space<vmem>>, vector<16xf32>,
        %get3A_328 = vector.shape_cast %get3A_327 : vector<16xf32> to vector<16xf32>
        %add3A_329 = arith.constant 0 : i32
        %add3A_330 = arith.addi %mul3A_173, %add3A_329 : i32
        %swap3A = arith.index_cast %rem3A_89 : i32 to index
        %swap3A_331 = arith.index_cast %add3A_330 : i32 to index
        %swap3A_332 = arith.constant 0 : index
        %swap3A_333 = tpu.vector_load %arg11[%swap3A, %swap3A_331, %swap3A_332] {strides = array<i32>} : memref<2x64x160xf32, #tpu.memory_space<vmem>>, vector<1x1x16xf32>,
        %swap3A_334 = vector.shape_cast %swap3A_333 : vector<1x1x16xf32> to vector<16xf32>
        %swap3A_335 = vector.shape_cast %get3A_239 : vector<16xf32> to vector<1x1x16xf32>
        tpu.vector_store %arg11[%swap3A, %swap3A_331, %swap3A_332], %swap3A_335 {strides = array<i32>} : memref<2x64x160xf32, #tpu.memory_space<vmem>>, vector<1x1x16xf32>,
        %swap3A_336 = arith.index_cast %rem3A_89 : i32 to index
        %swap3A_337 = arith.index_cast %add3A_330 : i32 to index
        %swap3A_338 = arith.constant 16 : index
        %swap3A_339 = tpu.vector_load %arg11[%swap3A_336, %swap3A_337, %swap3A_338] {strides = array<i32>} : memref<2x64x160xf32, #tpu.memory_space<vmem>>, vector<1x1x16xf32>,
        %swap3A_340 = vector.shape_cast %swap3A_339 : vector<1x1x16xf32> to vector<16xf32>
        %swap3A_341 = vector.shape_cast %get3A_244 : vector<16xf32> to vector<1x1x16xf32>
        tpu.vector_store %arg11[%swap3A_336, %swap3A_337, %swap3A_338], %swap3A_341 {strides = array<i32>} : memref<2x64x160xf32, #tpu.memory_space<vmem>>, vector<1x1x16xf32>,
        %swap3A_342 = arith.index_cast %rem3A_89 : i32 to index
        %swap3A_343 = arith.index_cast %add3A_330 : i32 to index
        %swap3A_344 = arith.constant 32 : index
        %swap3A_345 = tpu.vector_load %arg11[%swap3A_342, %swap3A_343, %swap3A_344] {strides = array<i32>} : memref<2x64x160xf32, #tpu.memory_space<vmem>>, vector<1x1x16xf32>,
        %swap3A_346 = vector.shape_cast %swap3A_345 : vector<1x1x16xf32> to vector<16xf32>
        %swap3A_347 = vector.shape_cast %get3A_247 : vector<16xf32> to vector<1x1x16xf32>
        tpu.vector_store %arg11[%swap3A_342, %swap3A_343, %swap3A_344], %swap3A_347 {strides = array<i32>} : memref<2x64x160xf32, #tpu.memory_space<vmem>>, vector<1x1x16xf32>,
        %swap3A_348 = arith.index_cast %rem3A_89 : i32 to index
        %swap3A_349 = arith.index_cast %add3A_330 : i32 to index
        %swap3A_350 = arith.constant 48 : index
        %swap3A_351 = tpu.vector_load %arg11[%swap3A_348, %swap3A_349, %swap3A_350] {strides = array<i32>} : memref<2x64x160xf32, #tpu.memory_space<vmem>>, vector<1x1x16xf32>,
        %swap3A_352 = vector.shape_cast %swap3A_351 : vector<1x1x16xf32> to vector<16xf32>
        %swap3A_353 = vector.shape_cast %get3A_252 : vector<16xf32> to vector<1x1x16xf32>
        tpu.vector_store %arg11[%swap3A_348, %swap3A_349, %swap3A_350], %swap3A_353 {strides = array<i32>} : memref<2x64x160xf32, #tpu.memory_space<vmem>>, vector<1x1x16xf32>,
        %swap3A_354 = arith.index_cast %rem3A_89 : i32 to index
        %swap3A_355 = arith.index_cast %add3A_330 : i32 to index
        %swap3A_356 = arith.constant 64 : index
        %swap3A_357 = tpu.vector_load %arg11[%swap3A_354, %swap3A_355, %swap3A_356] {strides = array<i32>} : memref<2x64x160xf32, #tpu.memory_space<vmem>>, vector<1x1x16xf32>,
        %swap3A_358 = vector.shape_cast %swap3A_357 : vector<1x1x16xf32> to vector<16xf32>
        %swap3A_359 = vector.shape_cast %get3A_255 : vector<16xf32> to vector<1x1x16xf32>
        tpu.vector_store %arg11[%swap3A_354, %swap3A_355, %swap3A_356], %swap3A_359 {strides = array<i32>} : memref<2x64x160xf32, #tpu.memory_space<vmem>>, vector<1x1x16xf32>,
        %swap3A_360 = arith.index_cast %rem3A_89 : i32 to index
        %swap3A_361 = arith.index_cast %add3A_330 : i32 to index
        %swap3A_362 = arith.constant 80 : index
        %swap3A_363 = tpu.vector_load %arg11[%swap3A_360, %swap3A_361, %swap3A_362] {strides = array<i32>} : memref<2x64x160xf32, #tpu.memory_space<vmem>>, vector<1x1x16xf32>,
        %swap3A_364 = vector.shape_cast %swap3A_363 : vector<1x1x16xf32> to vector<16xf32>
        %swap3A_365 = vector.shape_cast %get3A_260 : vector<16xf32> to vector<1x1x16xf32>
        tpu.vector_store %arg11[%swap3A_360, %swap3A_361, %swap3A_362], %swap3A_365 {strides = array<i32>} : memref<2x64x160xf32, #tpu.memory_space<vmem>>, vector<1x1x16xf32>,
        %swap3A_366 = arith.index_cast %rem3A_89 : i32 to index
        %swap3A_367 = arith.index_cast %add3A_330 : i32 to index
        %swap3A_368 = arith.constant 96 : index
        %swap3A_369 = tpu.vector_load %arg11[%swap3A_366, %swap3A_367, %swap3A_368] {strides = array<i32>} : memref<2x64x160xf32, #tpu.memory_space<vmem>>, vector<1x1x16xf32>,
        %swap3A_370 = vector.shape_cast %swap3A_369 : vector<1x1x16xf32> to vector<16xf32>
        %swap3A_371 = vector.shape_cast %get3A_263 : vector<16xf32> to vector<1x1x16xf32>
        tpu.vector_store %arg11[%swap3A_366, %swap3A_367, %swap3A_368], %swap3A_371 {strides = array<i32>} : memref<2x64x160xf32, #tpu.memory_space<vmem>>, vector<1x1x16xf32>,
        %swap3A_372 = arith.index_cast %rem3A_89 : i32 to index
        %swap3A_373 = arith.index_cast %add3A_330 : i32 to index
        %swap3A_374 = arith.constant 112 : index
        %swap3A_375 = tpu.vector_load %arg11[%swap3A_372, %swap3A_373, %swap3A_374] {strides = array<i32>} : memref<2x64x160xf32, #tpu.memory_space<vmem>>, vector<1x1x16xf32>,
        %swap3A_376 = vector.shape_cast %swap3A_375 : vector<1x1x16xf32> to vector<16xf32>
        %swap3A_377 = vector.shape_cast %get3A_268 : vector<16xf32> to vector<1x1x16xf32>
        tpu.vector_store %arg11[%swap3A_372, %swap3A_373, %swap3A_374], %swap3A_377 {strides = array<i32>} : memref<2x64x160xf32, #tpu.memory_space<vmem>>, vector<1x1x16xf32>,
        %swap3A_378 = arith.index_cast %rem3A_89 : i32 to index
        %swap3A_379 = arith.index_cast %add3A_330 : i32 to index
        %swap3A_380 = arith.constant 128 : index
        %swap3A_381 = tpu.vector_load %arg11[%swap3A_378, %swap3A_379, %swap3A_380] {strides = array<i32>} : memref<2x64x160xf32, #tpu.memory_space<vmem>>, vector<1x1x16xf32>,
        %swap3A_382 = vector.shape_cast %swap3A_381 : vector<1x1x16xf32> to vector<16xf32>
        %swap3A_383 = vector.shape_cast %get3A_273 : vector<16xf32> to vector<1x1x16xf32>
        tpu.vector_store %arg11[%swap3A_378, %swap3A_379, %swap3A_380], %swap3A_383 {strides = array<i32>} : memref<2x64x160xf32, #tpu.memory_space<vmem>>, vector<1x1x16xf32>,
        %swap3A_384 = arith.index_cast %rem3A_89 : i32 to index
        %swap3A_385 = arith.index_cast %add3A_330 : i32 to index
        %swap3A_386 = arith.constant 144 : index
        %swap3A_387 = tpu.vector_load %arg11[%swap3A_384, %swap3A_385, %swap3A_386] {strides = array<i32>} : memref<2x64x160xf32, #tpu.memory_space<vmem>>, vector<1x1x16xf32>,
        %swap3A_388 = vector.shape_cast %swap3A_387 : vector<1x1x16xf32> to vector<16xf32>
        %swap3A_389 = vector.shape_cast %get3A_278 : vector<16xf32> to vector<1x1x16xf32>
        tpu.vector_store %arg11[%swap3A_384, %swap3A_385, %swap3A_386], %swap3A_389 {strides = array<i32>} : memref<2x64x160xf32, #tpu.memory_space<vmem>>, vector<1x1x16xf32>,
        %slice3A_390 = vector.extract_strided_slice %add3A_184 {offsets = [2], sizes = [1], strides = [1]} : vector<16xi32> to vector<1xi32>
        %squeeze3A_391 = vector.extract %slice3A_390[0] : i32 from vector<1xi32>
        %slice3A_392 = vector.extract_strided_slice %add3A_196 {offsets = [2], sizes = [1], strides = [1]} : vector<16xi32> to vector<1xi32>
        %squeeze3A_393 = vector.extract %slice3A_392[0] : i32 from vector<1xi32>
        %slice3A_394 = vector.extract_strided_slice %add3A_218 {offsets = [2], sizes = [1], strides = [1]} : vector<16xi32> to vector<1xi32>
        %squeeze3A_395 = vector.extract %slice3A_394[0] : i32 from vector<1xi32>
        %slice3A_396 = vector.extract_strided_slice %add3A_230 {offsets = [2], sizes = [1], strides = [1]} : vector<16xi32> to vector<1xi32>
        %squeeze3A_397 = vector.extract %slice3A_396[0] : i32 from vector<1xi32>
        %get3A_398 = arith.index_cast %squeeze3A_391 : i32 to index
        %get3A_399 = tpu.vector_load %arg9[%get3A_398] {strides = array<i32>} : memref<93312xf32, #tpu.memory_space<vmem>>, vector<16xf32>,
        %get3A_400 = vector.shape_cast %get3A_399 : vector<16xf32> to vector<16xf32>
        %add3A_401 = arith.constant 16 : i32
        %add3A_402 = arith.addi %squeeze3A_391, %add3A_401 : i32
        %get3A_403 = arith.index_cast %add3A_402 : i32 to index
        %get3A_404 = tpu.vector_load %arg9[%get3A_403] {strides = array<i32>} : memref<93312xf32, #tpu.memory_space<vmem>>, vector<16xf32>,
        %get3A_405 = vector.shape_cast %get3A_404 : vector<16xf32> to vector<16xf32>
        %get3A_406 = arith.index_cast %squeeze3A_393 : i32 to index
        %get3A_407 = tpu.vector_load %arg9[%get3A_406] {strides = array<i32>} : memref<93312xf32, #tpu.memory_space<vmem>>, vector<16xf32>,
        %get3A_408 = vector.shape_cast %get3A_407 : vector<16xf32> to vector<16xf32>
        %add3A_409 = arith.constant 16 : i32
        %add3A_410 = arith.addi %squeeze3A_393, %add3A_409 : i32
        %get3A_411 = arith.index_cast %add3A_410 : i32 to index
        %get3A_412 = tpu.vector_load %arg9[%get3A_411] {strides = array<i32>} : memref<93312xf32, #tpu.memory_space<vmem>>, vector<16xf32>,
        %get3A_413 = vector.shape_cast %get3A_412 : vector<16xf32> to vector<16xf32>
        %get3A_414 = arith.index_cast %squeeze3A_395 : i32 to index
        %get3A_415 = tpu.vector_load %arg9[%get3A_414] {strides = array<i32>} : memref<93312xf32, #tpu.memory_space<vmem>>, vector<16xf32>,
        %get3A_416 = vector.shape_cast %get3A_415 : vector<16xf32> to vector<16xf32>
        %add3A_417 = arith.constant 16 : i32
        %add3A_418 = arith.addi %squeeze3A_395, %add3A_417 : i32
        %get3A_419 = arith.index_cast %add3A_418 : i32 to index
        %get3A_420 = tpu.vector_load %arg9[%get3A_419] {strides = array<i32>} : memref<93312xf32, #tpu.memory_space<vmem>>, vector<16xf32>,
        %get3A_421 = vector.shape_cast %get3A_420 : vector<16xf32> to vector<16xf32>
        %get3A_422 = arith.index_cast %squeeze3A_397 : i32 to index
        %get3A_423 = tpu.vector_load %arg9[%get3A_422] {strides = array<i32>} : memref<93312xf32, #tpu.memory_space<vmem>>, vector<16xf32>,
        %get3A_424 = vector.shape_cast %get3A_423 : vector<16xf32> to vector<16xf32>
        %add3A_425 = arith.constant 16 : i32
        %add3A_426 = arith.addi %squeeze3A_397, %add3A_425 : i32
        %get3A_427 = arith.index_cast %add3A_426 : i32 to index
        %get3A_428 = tpu.vector_load %arg9[%get3A_427] {strides = array<i32>} : memref<93312xf32, #tpu.memory_space<vmem>>, vector<16xf32>,
        %get3A_429 = vector.shape_cast %get3A_428 : vector<16xf32> to vector<16xf32>
        %add3A_430 = arith.constant 32 : i32
        %add3A_431 = arith.addi %squeeze3A_397, %add3A_430 : i32
        %get3A_432 = arith.index_cast %add3A_431 : i32 to index
        %get3A_433 = tpu.vector_load %arg9[%get3A_432] {strides = array<i32>} : memref<93312xf32, #tpu.memory_space<vmem>>, vector<16xf32>,
        %get3A_434 = vector.shape_cast %get3A_433 : vector<16xf32> to vector<16xf32>
        %add3A_435 = arith.constant 48 : i32
        %add3A_436 = arith.addi %squeeze3A_397, %add3A_435 : i32
        %get3A_437 = arith.index_cast %add3A_436 : i32 to index
        %get3A_438 = tpu.vector_load %arg9[%get3A_437] {strides = array<i32>} : memref<93312xf32, #tpu.memory_space<vmem>>, vector<16xf32>,
        %get3A_439 = vector.shape_cast %get3A_438 : vector<16xf32> to vector<16xf32>
        %add3A_440 = arith.constant 1 : i32
        %add3A_441 = arith.addi %mul3A_173, %add3A_440 : i32
        %swap3A_442 = arith.index_cast %rem3A_89 : i32 to index
        %swap3A_443 = arith.index_cast %add3A_441 : i32 to index
        %swap3A_444 = arith.constant 0 : index
        %swap3A_445 = tpu.vector_load %arg11[%swap3A_442, %swap3A_443, %swap3A_444] {strides = array<i32>} : memref<2x64x160xf32, #tpu.memory_space<vmem>>, vector<1x1x16xf32>,
        %swap3A_446 = vector.shape_cast %swap3A_445 : vector<1x1x16xf32> to vector<16xf32>
        %swap3A_447 = vector.shape_cast %get3A_289 : vector<16xf32> to vector<1x1x16xf32>
        tpu.vector_store %arg11[%swap3A_442, %swap3A_443, %swap3A_444], %swap3A_447 {strides = array<i32>} : memref<2x64x160xf32, #tpu.memory_space<vmem>>, vector<1x1x16xf32>,
        %swap3A_448 = arith.index_cast %rem3A_89 : i32 to index
        %swap3A_449 = arith.index_cast %add3A_441 : i32 to index
        %swap3A_450 = arith.constant 16 : index
        %swap3A_451 = tpu.vector_load %arg11[%swap3A_448, %swap3A_449, %swap3A_450] {strides = array<i32>} : memref<2x64x160xf32, #tpu.memory_space<vmem>>, vector<1x1x16xf32>,
        %swap3A_452 = vector.shape_cast %swap3A_451 : vector<1x1x16xf32> to vector<16xf32>
        %swap3A_453 = vector.shape_cast %get3A_294 : vector<16xf32> to vector<1x1x16xf32>
        tpu.vector_store %arg11[%swap3A_448, %swap3A_449, %swap3A_450], %swap3A_453 {strides = array<i32>} : memref<2x64x160xf32, #tpu.memory_space<vmem>>, vector<1x1x16xf32>,
        %swap3A_454 = arith.index_cast %rem3A_89 : i32 to index
        %swap3A_455 = arith.index_cast %add3A_441 : i32 to index
        %swap3A_456 = arith.constant 32 : index
        %swap3A_457 = tpu.vector_load %arg11[%swap3A_454, %swap3A_455, %swap3A_456] {strides = array<i32>} : memref<2x64x160xf32, #tpu.memory_space<vmem>>, vector<1x1x16xf32>,
        %swap3A_458 = vector.shape_cast %swap3A_457 : vector<1x1x16xf32> to vector<16xf32>
        %swap3A_459 = vector.shape_cast %get3A_297 : vector<16xf32> to vector<1x1x16xf32>
        tpu.vector_store %arg11[%swap3A_454, %swap3A_455, %swap3A_456], %swap3A_459 {strides = array<i32>} : memref<2x64x160xf32, #tpu.memory_space<vmem>>, vector<1x1x16xf32>,
        %swap3A_460 = arith.index_cast %rem3A_89 : i32 to index
        %swap3A_461 = arith.index_cast %add3A_441 : i32 to index
        %swap3A_462 = arith.constant 48 : index
        %swap3A_463 = tpu.vector_load %arg11[%swap3A_460, %swap3A_461, %swap3A_462] {strides = array<i32>} : memref<2x64x160xf32, #tpu.memory_space<vmem>>, vector<1x1x16xf32>,
        %swap3A_464 = vector.shape_cast %swap3A_463 : vector<1x1x16xf32> to vector<16xf32>
        %swap3A_465 = vector.shape_cast %get3A_302 : vector<16xf32> to vector<1x1x16xf32>
        tpu.vector_store %arg11[%swap3A_460, %swap3A_461, %swap3A_462], %swap3A_465 {strides = array<i32>} : memref<2x64x160xf32, #tpu.memory_space<vmem>>, vector<1x1x16xf32>,
        %swap3A_466 = arith.index_cast %rem3A_89 : i32 to index
        %swap3A_467 = arith.index_cast %add3A_441 : i32 to index
        %swap3A_468 = arith.constant 64 : index
        %swap3A_469 = tpu.vector_load %arg11[%swap3A_466, %swap3A_467, %swap3A_468] {strides = array<i32>} : memref<2x64x160xf32, #tpu.memory_space<vmem>>, vector<1x1x16xf32>,
        %swap3A_470 = vector.shape_cast %swap3A_469 : vector<1x1x16xf32> to vector<16xf32>
        %swap3A_471 = vector.shape_cast %get3A_305 : vector<16xf32> to vector<1x1x16xf32>
        tpu.vector_store %arg11[%swap3A_466, %swap3A_467, %swap3A_468], %swap3A_471 {strides = array<i32>} : memref<2x64x160xf32, #tpu.memory_space<vmem>>, vector<1x1x16xf32>,
        %swap3A_472 = arith.index_cast %rem3A_89 : i32 to index
        %swap3A_473 = arith.index_cast %add3A_441 : i32 to index
        %swap3A_474 = arith.constant 80 : index
        %swap3A_475 = tpu.vector_load %arg11[%swap3A_472, %swap3A_473, %swap3A_474] {strides = array<i32>} : memref<2x64x160xf32, #tpu.memory_space<vmem>>, vector<1x1x16xf32>,
        %swap3A_476 = vector.shape_cast %swap3A_475 : vector<1x1x16xf32> to vector<16xf32>
        %swap3A_477 = vector.shape_cast %get3A_310 : vector<16xf32> to vector<1x1x16xf32>
        tpu.vector_store %arg11[%swap3A_472, %swap3A_473, %swap3A_474], %swap3A_477 {strides = array<i32>} : memref<2x64x160xf32, #tpu.memory_space<vmem>>, vector<1x1x16xf32>,
        %swap3A_478 = arith.index_cast %rem3A_89 : i32 to index
        %swap3A_479 = arith.index_cast %add3A_441 : i32 to index
        %swap3A_480 = arith.constant 96 : index
        %swap3A_481 = tpu.vector_load %arg11[%swap3A_478, %swap3A_479, %swap3A_480] {strides = array<i32>} : memref<2x64x160xf32, #tpu.memory_space<vmem>>, vector<1x1x16xf32>,
        %swap3A_482 = vector.shape_cast %swap3A_481 : vector<1x1x16xf32> to vector<16xf32>
        %swap3A_483 = vector.shape_cast %get3A_313 : vector<16xf32> to vector<1x1x16xf32>
        tpu.vector_store %arg11[%swap3A_478, %swap3A_479, %swap3A_480], %swap3A_483 {strides = array<i32>} : memref<2x64x160xf32, #tpu.memory_space<vmem>>, vector<1x1x16xf32>,
        %swap3A_484 = arith.index_cast %rem3A_89 : i32 to index
        %swap3A_485 = arith.index_cast %add3A_441 : i32 to index
        %swap3A_486 = arith.constant 112 : index
        %swap3A_487 = tpu.vector_load %arg11[%swap3A_484, %swap3A_485, %swap3A_486] {strides = array<i32>} : memref<2x64x160xf32, #tpu.memory_space<vmem>>, vector<1x1x16xf32>,
        %swap3A_488 = vector.shape_cast %swap3A_487 : vector<1x1x16xf32> to vector<16xf32>
        %swap3A_489 = vector.shape_cast %get3A_318 : vector<16xf32> to vector<1x1x16xf32>
        tpu.vector_store %arg11[%swap3A_484, %swap3A_485, %swap3A_486], %swap3A_489 {strides = array<i32>} : memref<2x64x160xf32, #tpu.memory_space<vmem>>, vector<1x1x16xf32>,
        %swap3A_490 = arith.index_cast %rem3A_89 : i32 to index
        %swap3A_491 = arith.index_cast %add3A_441 : i32 to index
        %swap3A_492 = arith.constant 128 : index
        %swap3A_493 = tpu.vector_load %arg11[%swap3A_490, %swap3A_491, %swap3A_492] {strides = array<i32>} : memref<2x64x160xf32, #tpu.memory_space<vmem>>, vector<1x1x16xf32>,
        %swap3A_494 = vector.shape_cast %swap3A_493 : vector<1x1x16xf32> to vector<16xf32>
        %swap3A_495 = vector.shape_cast %get3A_323 : vector<16xf32> to vector<1x1x16xf32>
        tpu.vector_store %arg11[%swap3A_490, %swap3A_491, %swap3A_492], %swap3A_495 {strides = array<i32>} : memref<2x64x160xf32, #tpu.memory_space<vmem>>, vector<1x1x16xf32>,
        %swap3A_496 = arith.index_cast %rem3A_89 : i32 to index
        %swap3A_497 = arith.index_cast %add3A_441 : i32 to index
        %swap3A_498 = arith.constant 144 : index
        %swap3A_499 = tpu.vector_load %arg11[%swap3A_496, %swap3A_497, %swap3A_498] {strides = array<i32>} : memref<2x64x160xf32, #tpu.memory_space<vmem>>, vector<1x1x16xf32>,
        %swap3A_500 = vector.shape_cast %swap3A_499 : vector<1x1x16xf32> to vector<16xf32>
        %swap3A_501 = vector.shape_cast %get3A_328 : vector<16xf32> to vector<1x1x16xf32>
        tpu.vector_store %arg11[%swap3A_496, %swap3A_497, %swap3A_498], %swap3A_501 {strides = array<i32>} : memref<2x64x160xf32, #tpu.memory_space<vmem>>, vector<1x1x16xf32>,
        %slice3A_502 = vector.extract_strided_slice %add3A_184 {offsets = [3], sizes = [1], strides = [1]} : vector<16xi32> to vector<1xi32>
        %squeeze3A_503 = vector.extract %slice3A_502[0] : i32 from vector<1xi32>
        %slice3A_504 = vector.extract_strided_slice %add3A_196 {offsets = [3], sizes = [1], strides = [1]} : vector<16xi32> to vector<1xi32>
        %squeeze3A_505 = vector.extract %slice3A_504[0] : i32 from vector<1xi32>
        %slice3A_506 = vector.extract_strided_slice %add3A_218 {offsets = [3], sizes = [1], strides = [1]} : vector<16xi32> to vector<1xi32>
        %squeeze3A_507 = vector.extract %slice3A_506[0] : i32 from vector<1xi32>
        %slice3A_508 = vector.extract_strided_slice %add3A_230 {offsets = [3], sizes = [1], strides = [1]} : vector<16xi32> to vector<1xi32>
        %squeeze3A_509 = vector.extract %slice3A_508[0] : i32 from vector<1xi32>
        %get3A_510 = arith.index_cast %squeeze3A_503 : i32 to index
        %get3A_511 = tpu.vector_load %arg9[%get3A_510] {strides = array<i32>} : memref<93312xf32, #tpu.memory_space<vmem>>, vector<16xf32>,
        %get3A_512 = vector.shape_cast %get3A_511 : vector<16xf32> to vector<16xf32>
        %add3A_513 = arith.constant 16 : i32
        %add3A_514 = arith.addi %squeeze3A_503, %add3A_513 : i32
        %get3A_515 = arith.index_cast %add3A_514 : i32 to index
        %get3A_516 = tpu.vector_load %arg9[%get3A_515] {strides = array<i32>} : memref<93312xf32, #tpu.memory_space<vmem>>, vector<16xf32>,
        %get3A_517 = vector.shape_cast %get3A_516 : vector<16xf32> to vector<16xf32>
        %get3A_518 = arith.index_cast %squeeze3A_505 : i32 to index
        %get3A_519 = tpu.vector_load %arg9[%get3A_518] {strides = array<i32>} : memref<93312xf32, #tpu.memory_space<vmem>>, vector<16xf32>,
        %get3A_520 = vector.shape_cast %get3A_519 : vector<16xf32> to vector<16xf32>
        %add3A_521 = arith.constant 16 : i32
        %add3A_522 = arith.addi %squeeze3A_505, %add3A_521 : i32
        %get3A_523 = arith.index_cast %add3A_522 : i32 to index
        %get3A_524 = tpu.vector_load %arg9[%get3A_523] {strides = array<i32>} : memref<93312xf32, #tpu.memory_space<vmem>>, vector<16xf32>,
        %get3A_525 = vector.shape_cast %get3A_524 : vector<16xf32> to vector<16xf32>
        %get3A_526 = arith.index_cast %squeeze3A_507 : i32 to index
        %get3A_527 = tpu.vector_load %arg9[%get3A_526] {strides = array<i32>} : memref<93312xf32, #tpu.memory_space<vmem>>, vector<16xf32>,
        %get3A_528 = vector.shape_cast %get3A_527 : vector<16xf32> to vector<16xf32>
        %add3A_529 = arith.constant 16 : i32
        %add3A_530 = arith.addi %squeeze3A_507, %add3A_529 : i32
        %get3A_531 = arith.index_cast %add3A_530 : i32 to index
        %get3A_532 = tpu.vector_load %arg9[%get3A_531] {strides = array<i32>} : memref<93312xf32, #tpu.memory_space<vmem>>, vector<16xf32>,
        %get3A_533 = vector.shape_cast %get3A_532 : vector<16xf32> to vector<16xf32>
        %get3A_534 = arith.index_cast %squeeze3A_509 : i32 to index
        %get3A_535 = tpu.vector_load %arg9[%get3A_534] {strides = array<i32>} : memref<93312xf32, #tpu.memory_space<vmem>>, vector<16xf32>,
        %get3A_536 = vector.shape_cast %get3A_535 : vector<16xf32> to vector<16xf32>
        %add3A_537 = arith.constant 16 : i32
        %add3A_538 = arith.addi %squeeze3A_509, %add3A_537 : i32
        %get3A_539 = arith.index_cast %add3A_538 : i32 to index
        %get3A_540 = tpu.vector_load %arg9[%get3A_539] {strides = array<i32>} : memref<93312xf32, #tpu.memory_space<vmem>>, vector<16xf32>,
        %get3A_541 = vector.shape_cast %get3A_540 : vector<16xf32> to vector<16xf32>
        %add3A_542 = arith.constant 32 : i32
        %add3A_543 = arith.addi %squeeze3A_509, %add3A_542 : i32
        %get3A_544 = arith.index_cast %add3A_543 : i32 to index
        %get3A_545 = tpu.vector_load %arg9[%get3A_544] {strides = array<i32>} : memref<93312xf32, #tpu.memory_space<vmem>>, vector<16xf32>,
        %get3A_546 = vector.shape_cast %get3A_545 : vector<16xf32> to vector<16xf32>
        %add3A_547 = arith.constant 48 : i32
        %add3A_548 = arith.addi %squeeze3A_509, %add3A_547 : i32
        %get3A_549 = arith.index_cast %add3A_548 : i32 to index
        %get3A_550 = tpu.vector_load %arg9[%get3A_549] {strides = array<i32>} : memref<93312xf32, #tpu.memory_space<vmem>>, vector<16xf32>,
        %get3A_551 = vector.shape_cast %get3A_550 : vector<16xf32> to vector<16xf32>
        %add3A_552 = arith.constant 2 : i32
        %add3A_553 = arith.addi %mul3A_173, %add3A_552 : i32
        %swap3A_554 = arith.index_cast %rem3A_89 : i32 to index
        %swap3A_555 = arith.index_cast %add3A_553 : i32 to index
        %swap3A_556 = arith.constant 0 : index
        %swap3A_557 = tpu.vector_load %arg11[%swap3A_554, %swap3A_555, %swap3A_556] {strides = array<i32>} : memref<2x64x160xf32, #tpu.memory_space<vmem>>, vector<1x1x16xf32>,
        %swap3A_558 = vector.shape_cast %swap3A_557 : vector<1x1x16xf32> to vector<16xf32>
        %swap3A_559 = vector.shape_cast %get3A_400 : vector<16xf32> to vector<1x1x16xf32>
        tpu.vector_store %arg11[%swap3A_554, %swap3A_555, %swap3A_556], %swap3A_559 {strides = array<i32>} : memref<2x64x160xf32, #tpu.memory_space<vmem>>, vector<1x1x16xf32>,
        %swap3A_560 = arith.index_cast %rem3A_89 : i32 to index
        %swap3A_561 = arith.index_cast %add3A_553 : i32 to index
        %swap3A_562 = arith.constant 16 : index
        %swap3A_563 = tpu.vector_load %arg11[%swap3A_560, %swap3A_561, %swap3A_562] {strides = array<i32>} : memref<2x64x160xf32, #tpu.memory_space<vmem>>, vector<1x1x16xf32>,
        %swap3A_564 = vector.shape_cast %swap3A_563 : vector<1x1x16xf32> to vector<16xf32>
        %swap3A_565 = vector.shape_cast %get3A_405 : vector<16xf32> to vector<1x1x16xf32>
        tpu.vector_store %arg11[%swap3A_560, %swap3A_561, %swap3A_562], %swap3A_565 {strides = array<i32>} : memref<2x64x160xf32, #tpu.memory_space<vmem>>, vector<1x1x16xf32>,
        %swap3A_566 = arith.index_cast %rem3A_89 : i32 to index
        %swap3A_567 = arith.index_cast %add3A_553 : i32 to index
        %swap3A_568 = arith.constant 32 : index
        %swap3A_569 = tpu.vector_load %arg11[%swap3A_566, %swap3A_567, %swap3A_568] {strides = array<i32>} : memref<2x64x160xf32, #tpu.memory_space<vmem>>, vector<1x1x16xf32>,
        %swap3A_570 = vector.shape_cast %swap3A_569 : vector<1x1x16xf32> to vector<16xf32>
        %swap3A_571 = vector.shape_cast %get3A_408 : vector<16xf32> to vector<1x1x16xf32>
        tpu.vector_store %arg11[%swap3A_566, %swap3A_567, %swap3A_568], %swap3A_571 {strides = array<i32>} : memref<2x64x160xf32, #tpu.memory_space<vmem>>, vector<1x1x16xf32>,
        %swap3A_572 = arith.index_cast %rem3A_89 : i32 to index
        %swap3A_573 = arith.index_cast %add3A_553 : i32 to index
        %swap3A_574 = arith.constant 48 : index
        %swap3A_575 = tpu.vector_load %arg11[%swap3A_572, %swap3A_573, %swap3A_574] {strides = array<i32>} : memref<2x64x160xf32, #tpu.memory_space<vmem>>, vector<1x1x16xf32>,
        %swap3A_576 = vector.shape_cast %swap3A_575 : vector<1x1x16xf32> to vector<16xf32>
        %swap3A_577 = vector.shape_cast %get3A_413 : vector<16xf32> to vector<1x1x16xf32>
        tpu.vector_store %arg11[%swap3A_572, %swap3A_573, %swap3A_574], %swap3A_577 {strides = array<i32>} : memref<2x64x160xf32, #tpu.memory_space<vmem>>, vector<1x1x16xf32>,
        %swap3A_578 = arith.index_cast %rem3A_89 : i32 to index
        %swap3A_579 = arith.index_cast %add3A_553 : i32 to index
        %swap3A_580 = arith.constant 64 : index
        %swap3A_581 = tpu.vector_load %arg11[%swap3A_578, %swap3A_579, %swap3A_580] {strides = array<i32>} : memref<2x64x160xf32, #tpu.memory_space<vmem>>, vector<1x1x16xf32>,
        %swap3A_582 = vector.shape_cast %swap3A_581 : vector<1x1x16xf32> to vector<16xf32>
        %swap3A_583 = vector.shape_cast %get3A_416 : vector<16xf32> to vector<1x1x16xf32>
        tpu.vector_store %arg11[%swap3A_578, %swap3A_579, %swap3A_580], %swap3A_583 {strides = array<i32>} : memref<2x64x160xf32, #tpu.memory_space<vmem>>, vector<1x1x16xf32>,
        %swap3A_584 = arith.index_cast %rem3A_89 : i32 to index
        %swap3A_585 = arith.index_cast %add3A_553 : i32 to index
        %swap3A_586 = arith.constant 80 : index
        %swap3A_587 = tpu.vector_load %arg11[%swap3A_584, %swap3A_585, %swap3A_586] {strides = array<i32>} : memref<2x64x160xf32, #tpu.memory_space<vmem>>, vector<1x1x16xf32>,
        %swap3A_588 = vector.shape_cast %swap3A_587 : vector<1x1x16xf32> to vector<16xf32>
        %swap3A_589 = vector.shape_cast %get3A_421 : vector<16xf32> to vector<1x1x16xf32>
        tpu.vector_store %arg11[%swap3A_584, %swap3A_585, %swap3A_586], %swap3A_589 {strides = array<i32>} : memref<2x64x160xf32, #tpu.memory_space<vmem>>, vector<1x1x16xf32>,
        %swap3A_590 = arith.index_cast %rem3A_89 : i32 to index
        %swap3A_591 = arith.index_cast %add3A_553 : i32 to index
        %swap3A_592 = arith.constant 96 : index
        %swap3A_593 = tpu.vector_load %arg11[%swap3A_590, %swap3A_591, %swap3A_592] {strides = array<i32>} : memref<2x64x160xf32, #tpu.memory_space<vmem>>, vector<1x1x16xf32>,
        %swap3A_594 = vector.shape_cast %swap3A_593 : vector<1x1x16xf32> to vector<16xf32>
        %swap3A_595 = vector.shape_cast %get3A_424 : vector<16xf32> to vector<1x1x16xf32>
        tpu.vector_store %arg11[%swap3A_590, %swap3A_591, %swap3A_592], %swap3A_595 {strides = array<i32>} : memref<2x64x160xf32, #tpu.memory_space<vmem>>, vector<1x1x16xf32>,
        %swap3A_596 = arith.index_cast %rem3A_89 : i32 to index
        %swap3A_597 = arith.index_cast %add3A_553 : i32 to index
        %swap3A_598 = arith.constant 112 : index
        %swap3A_599 = tpu.vector_load %arg11[%swap3A_596, %swap3A_597, %swap3A_598] {strides = array<i32>} : memref<2x64x160xf32, #tpu.memory_space<vmem>>, vector<1x1x16xf32>,
        %swap3A_600 = vector.shape_cast %swap3A_599 : vector<1x1x16xf32> to vector<16xf32>
        %swap3A_601 = vector.shape_cast %get3A_429 : vector<16xf32> to vector<1x1x16xf32>
        tpu.vector_store %arg11[%swap3A_596, %swap3A_597, %swap3A_598], %swap3A_601 {strides = array<i32>} : memref<2x64x160xf32, #tpu.memory_space<vmem>>, vector<1x1x16xf32>,
        %swap3A_602 = arith.index_cast %rem3A_89 : i32 to index
        %swap3A_603 = arith.index_cast %add3A_553 : i32 to index
        %swap3A_604 = arith.constant 128 : index
        %swap3A_605 = tpu.vector_load %arg11[%swap3A_602, %swap3A_603, %swap3A_604] {strides = array<i32>} : memref<2x64x160xf32, #tpu.memory_space<vmem>>, vector<1x1x16xf32>,
        %swap3A_606 = vector.shape_cast %swap3A_605 : vector<1x1x16xf32> to vector<16xf32>
        %swap3A_607 = vector.shape_cast %get3A_434 : vector<16xf32> to vector<1x1x16xf32>
        tpu.vector_store %arg11[%swap3A_602, %swap3A_603, %swap3A_604], %swap3A_607 {strides = array<i32>} : memref<2x64x160xf32, #tpu.memory_space<vmem>>, vector<1x1x16xf32>,
        %swap3A_608 = arith.index_cast %rem3A_89 : i32 to index
        %swap3A_609 = arith.index_cast %add3A_553 : i32 to index
        %swap3A_610 = arith.constant 144 : index
        %swap3A_611 = tpu.vector_load %arg11[%swap3A_608, %swap3A_609, %swap3A_610] {strides = array<i32>} : memref<2x64x160xf32, #tpu.memory_space<vmem>>, vector<1x1x16xf32>,
        %swap3A_612 = vector.shape_cast %swap3A_611 : vector<1x1x16xf32> to vector<16xf32>
        %swap3A_613 = vector.shape_cast %get3A_439 : vector<16xf32> to vector<1x1x16xf32>
        tpu.vector_store %arg11[%swap3A_608, %swap3A_609, %swap3A_610], %swap3A_613 {strides = array<i32>} : memref<2x64x160xf32, #tpu.memory_space<vmem>>, vector<1x1x16xf32>,
        %slice3A_614 = vector.extract_strided_slice %add3A_184 {offsets = [4], sizes = [1], strides = [1]} : vector<16xi32> to vector<1xi32>
        %squeeze3A_615 = vector.extract %slice3A_614[0] : i32 from vector<1xi32>
        %slice3A_616 = vector.extract_strided_slice %add3A_196 {offsets = [4], sizes = [1], strides = [1]} : vector<16xi32> to vector<1xi32>
        %squeeze3A_617 = vector.extract %slice3A_616[0] : i32 from vector<1xi32>
        %slice3A_618 = vector.extract_strided_slice %add3A_218 {offsets = [4], sizes = [1], strides = [1]} : vector<16xi32> to vector<1xi32>
        %squeeze3A_619 = vector.extract %slice3A_618[0] : i32 from vector<1xi32>
        %slice3A_620 = vector.extract_strided_slice %add3A_230 {offsets = [4], sizes = [1], strides = [1]} : vector<16xi32> to vector<1xi32>
        %squeeze3A_621 = vector.extract %slice3A_620[0] : i32 from vector<1xi32>
        %get3A_622 = arith.index_cast %squeeze3A_615 : i32 to index
        %get3A_623 = tpu.vector_load %arg9[%get3A_622] {strides = array<i32>} : memref<93312xf32, #tpu.memory_space<vmem>>, vector<16xf32>,
        %get3A_624 = vector.shape_cast %get3A_623 : vector<16xf32> to vector<16xf32>
        %add3A_625 = arith.constant 16 : i32
        %add3A_626 = arith.addi %squeeze3A_615, %add3A_625 : i32
        %get3A_627 = arith.index_cast %add3A_626 : i32 to index
        %get3A_628 = tpu.vector_load %arg9[%get3A_627] {strides = array<i32>} : memref<93312xf32, #tpu.memory_space<vmem>>, vector<16xf32>,
        %get3A_629 = vector.shape_cast %get3A_628 : vector<16xf32> to vector<16xf32>
        %get3A_630 = arith.index_cast %squeeze3A_617 : i32 to index
        %get3A_631 = tpu.vector_load %arg9[%get3A_630] {strides = array<i32>} : memref<93312xf32, #tpu.memory_space<vmem>>, vector<16xf32>,
        %get3A_632 = vector.shape_cast %get3A_631 : vector<16xf32> to vector<16xf32>
        %add3A_633 = arith.constant 16 : i32
        %add3A_634 = arith.addi %squeeze3A_617, %add3A_633 : i32
        %get3A_635 = arith.index_cast %add3A_634 : i32 to index
        %get3A_636 = tpu.vector_load %arg9[%get3A_635] {strides = array<i32>} : memref<93312xf32, #tpu.memory_space<vmem>>, vector<16xf32>,
        %get3A_637 = vector.shape_cast %get3A_636 : vector<16xf32> to vector<16xf32>
        %get3A_638 = arith.index_cast %squeeze3A_619 : i32 to index
        %get3A_639 = tpu.vector_load %arg9[%get3A_638] {strides = array<i32>} : memref<93312xf32, #tpu.memory_space<vmem>>, vector<16xf32>,
        %get3A_640 = vector.shape_cast %get3A_639 : vector<16xf32> to vector<16xf32>
        %add3A_641 = arith.constant 16 : i32
        %add3A_642 = arith.addi %squeeze3A_619, %add3A_641 : i32
        %get3A_643 = arith.index_cast %add3A_642 : i32 to index
        %get3A_644 = tpu.vector_load %arg9[%get3A_643] {strides = array<i32>} : memref<93312xf32, #tpu.memory_space<vmem>>, vector<16xf32>,
        %get3A_645 = vector.shape_cast %get3A_644 : vector<16xf32> to vector<16xf32>
        %get3A_646 = arith.index_cast %squeeze3A_621 : i32 to index
        %get3A_647 = tpu.vector_load %arg9[%get3A_646] {strides = array<i32>} : memref<93312xf32, #tpu.memory_space<vmem>>, vector<16xf32>,
        %get3A_648 = vector.shape_cast %get3A_647 : vector<16xf32> to vector<16xf32>
        %add3A_649 = arith.constant 16 : i32
        %add3A_650 = arith.addi %squeeze3A_621, %add3A_649 : i32
        %get3A_651 = arith.index_cast %add3A_650 : i32 to index
        %get3A_652 = tpu.vector_load %arg9[%get3A_651] {strides = array<i32>} : memref<93312xf32, #tpu.memory_space<vmem>>, vector<16xf32>,
        %get3A_653 = vector.shape_cast %get3A_652 : vector<16xf32> to vector<16xf32>
        %add3A_654 = arith.constant 32 : i32
        %add3A_655 = arith.addi %squeeze3A_621, %add3A_654 : i32
        %get3A_656 = arith.index_cast %add3A_655 : i32 to index
        %get3A_657 = tpu.vector_load %arg9[%get3A_656] {strides = array<i32>} : memref<93312xf32, #tpu.memory_space<vmem>>, vector<16xf32>,
        %get3A_658 = vector.shape_cast %get3A_657 : vector<16xf32> to vector<16xf32>
        %add3A_659 = arith.constant 48 : i32
        %add3A_660 = arith.addi %squeeze3A_621, %add3A_659 : i32
        %get3A_661 = arith.index_cast %add3A_660 : i32 to index
        %get3A_662 = tpu.vector_load %arg9[%get3A_661] {strides = array<i32>} : memref<93312xf32, #tpu.memory_space<vmem>>, vector<16xf32>,
        %get3A_663 = vector.shape_cast %get3A_662 : vector<16xf32> to vector<16xf32>
        %add3A_664 = arith.constant 3 : i32
        %add3A_665 = arith.addi %mul3A_173, %add3A_664 : i32
        %swap3A_666 = arith.index_cast %rem3A_89 : i32 to index
        %swap3A_667 = arith.index_cast %add3A_665 : i32 to index
        %swap3A_668 = arith.constant 0 : index
        %swap3A_669 = tpu.vector_load %arg11[%swap3A_666, %swap3A_667, %swap3A_668] {strides = array<i32>} : memref<2x64x160xf32, #tpu.memory_space<vmem>>, vector<1x1x16xf32>,
        %swap3A_670 = vector.shape_cast %swap3A_669 : vector<1x1x16xf32> to vector<16xf32>
        %swap3A_671 = vector.shape_cast %get3A_512 : vector<16xf32> to vector<1x1x16xf32>
        tpu.vector_store %arg11[%swap3A_666, %swap3A_667, %swap3A_668], %swap3A_671 {strides = array<i32>} : memref<2x64x160xf32, #tpu.memory_space<vmem>>, vector<1x1x16xf32>,
        %swap3A_672 = arith.index_cast %rem3A_89 : i32 to index
        %swap3A_673 = arith.index_cast %add3A_665 : i32 to index
        %swap3A_674 = arith.constant 16 : index
        %swap3A_675 = tpu.vector_load %arg11[%swap3A_672, %swap3A_673, %swap3A_674] {strides = array<i32>} : memref<2x64x160xf32, #tpu.memory_space<vmem>>, vector<1x1x16xf32>,
        %swap3A_676 = vector.shape_cast %swap3A_675 : vector<1x1x16xf32> to vector<16xf32>
        %swap3A_677 = vector.shape_cast %get3A_517 : vector<16xf32> to vector<1x1x16xf32>
        tpu.vector_store %arg11[%swap3A_672, %swap3A_673, %swap3A_674], %swap3A_677 {strides = array<i32>} : memref<2x64x160xf32, #tpu.memory_space<vmem>>, vector<1x1x16xf32>,
        %swap3A_678 = arith.index_cast %rem3A_89 : i32 to index
        %swap3A_679 = arith.index_cast %add3A_665 : i32 to index
        %swap3A_680 = arith.constant 32 : index
        %swap3A_681 = tpu.vector_load %arg11[%swap3A_678, %swap3A_679, %swap3A_680] {strides = array<i32>} : memref<2x64x160xf32, #tpu.memory_space<vmem>>, vector<1x1x16xf32>,
        %swap3A_682 = vector.shape_cast %swap3A_681 : vector<1x1x16xf32> to vector<16xf32>
        %swap3A_683 = vector.shape_cast %get3A_520 : vector<16xf32> to vector<1x1x16xf32>
        tpu.vector_store %arg11[%swap3A_678, %swap3A_679, %swap3A_680], %swap3A_683 {strides = array<i32>} : memref<2x64x160xf32, #tpu.memory_space<vmem>>, vector<1x1x16xf32>,
        %swap3A_684 = arith.index_cast %rem3A_89 : i32 to index
        %swap3A_685 = arith.index_cast %add3A_665 : i32 to index
        %swap3A_686 = arith.constant 48 : index
        %swap3A_687 = tpu.vector_load %arg11[%swap3A_684, %swap3A_685, %swap3A_686] {strides = array<i32>} : memref<2x64x160xf32, #tpu.memory_space<vmem>>, vector<1x1x16xf32>,
        %swap3A_688 = vector.shape_cast %swap3A_687 : vector<1x1x16xf32> to vector<16xf32>
        %swap3A_689 = vector.shape_cast %get3A_525 : vector<16xf32> to vector<1x1x16xf32>
        tpu.vector_store %arg11[%swap3A_684, %swap3A_685, %swap3A_686], %swap3A_689 {strides = array<i32>} : memref<2x64x160xf32, #tpu.memory_space<vmem>>, vector<1x1x16xf32>,
        %swap3A_690 = arith.index_cast %rem3A_89 : i32 to index
        %swap3A_691 = arith.index_cast %add3A_665 : i32 to index
        %swap3A_692 = arith.constant 64 : index
        %swap3A_693 = tpu.vector_load %arg11[%swap3A_690, %swap3A_691, %swap3A_692] {strides = array<i32>} : memref<2x64x160xf32, #tpu.memory_space<vmem>>, vector<1x1x16xf32>,
        %swap3A_694 = vector.shape_cast %swap3A_693 : vector<1x1x16xf32> to vector<16xf32>
        %swap3A_695 = vector.shape_cast %get3A_528 : vector<16xf32> to vector<1x1x16xf32>
        tpu.vector_store %arg11[%swap3A_690, %swap3A_691, %swap3A_692], %swap3A_695 {strides = array<i32>} : memref<2x64x160xf32, #tpu.memory_space<vmem>>, vector<1x1x16xf32>,
        %swap3A_696 = arith.index_cast %rem3A_89 : i32 to index
        %swap3A_697 = arith.index_cast %add3A_665 : i32 to index
        %swap3A_698 = arith.constant 80 : index
        %swap3A_699 = tpu.vector_load %arg11[%swap3A_696, %swap3A_697, %swap3A_698] {strides = array<i32>} : memref<2x64x160xf32, #tpu.memory_space<vmem>>, vector<1x1x16xf32>,
        %swap3A_700 = vector.shape_cast %swap3A_699 : vector<1x1x16xf32> to vector<16xf32>
        %swap3A_701 = vector.shape_cast %get3A_533 : vector<16xf32> to vector<1x1x16xf32>
        tpu.vector_store %arg11[%swap3A_696, %swap3A_697, %swap3A_698], %swap3A_701 {strides = array<i32>} : memref<2x64x160xf32, #tpu.memory_space<vmem>>, vector<1x1x16xf32>,
        %swap3A_702 = arith.index_cast %rem3A_89 : i32 to index
        %swap3A_703 = arith.index_cast %add3A_665 : i32 to index
        %swap3A_704 = arith.constant 96 : index
        %swap3A_705 = tpu.vector_load %arg11[%swap3A_702, %swap3A_703, %swap3A_704] {strides = array<i32>} : memref<2x64x160xf32, #tpu.memory_space<vmem>>, vector<1x1x16xf32>,
        %swap3A_706 = vector.shape_cast %swap3A_705 : vector<1x1x16xf32> to vector<16xf32>
        %swap3A_707 = vector.shape_cast %get3A_536 : vector<16xf32> to vector<1x1x16xf32>
        tpu.vector_store %arg11[%swap3A_702, %swap3A_703, %swap3A_704], %swap3A_707 {strides = array<i32>} : memref<2x64x160xf32, #tpu.memory_space<vmem>>, vector<1x1x16xf32>,
        %swap3A_708 = arith.index_cast %rem3A_89 : i32 to index
        %swap3A_709 = arith.index_cast %add3A_665 : i32 to index
        %swap3A_710 = arith.constant 112 : index
        %swap3A_711 = tpu.vector_load %arg11[%swap3A_708, %swap3A_709, %swap3A_710] {strides = array<i32>} : memref<2x64x160xf32, #tpu.memory_space<vmem>>, vector<1x1x16xf32>,
        %swap3A_712 = vector.shape_cast %swap3A_711 : vector<1x1x16xf32> to vector<16xf32>
        %swap3A_713 = vector.shape_cast %get3A_541 : vector<16xf32> to vector<1x1x16xf32>
        tpu.vector_store %arg11[%swap3A_708, %swap3A_709, %swap3A_710], %swap3A_713 {strides = array<i32>} : memref<2x64x160xf32, #tpu.memory_space<vmem>>, vector<1x1x16xf32>,
        %swap3A_714 = arith.index_cast %rem3A_89 : i32 to index
        %swap3A_715 = arith.index_cast %add3A_665 : i32 to index
        %swap3A_716 = arith.constant 128 : index
        %swap3A_717 = tpu.vector_load %arg11[%swap3A_714, %swap3A_715, %swap3A_716] {strides = array<i32>} : memref<2x64x160xf32, #tpu.memory_space<vmem>>, vector<1x1x16xf32>,
        %swap3A_718 = vector.shape_cast %swap3A_717 : vector<1x1x16xf32> to vector<16xf32>
        %swap3A_719 = vector.shape_cast %get3A_546 : vector<16xf32> to vector<1x1x16xf32>
        tpu.vector_store %arg11[%swap3A_714, %swap3A_715, %swap3A_716], %swap3A_719 {strides = array<i32>} : memref<2x64x160xf32, #tpu.memory_space<vmem>>, vector<1x1x16xf32>,
        %swap3A_720 = arith.index_cast %rem3A_89 : i32 to index
        %swap3A_721 = arith.index_cast %add3A_665 : i32 to index
        %swap3A_722 = arith.constant 144 : index
        %swap3A_723 = tpu.vector_load %arg11[%swap3A_720, %swap3A_721, %swap3A_722] {strides = array<i32>} : memref<2x64x160xf32, #tpu.memory_space<vmem>>, vector<1x1x16xf32>,
        %swap3A_724 = vector.shape_cast %swap3A_723 : vector<1x1x16xf32> to vector<16xf32>
        %swap3A_725 = vector.shape_cast %get3A_551 : vector<16xf32> to vector<1x1x16xf32>
        tpu.vector_store %arg11[%swap3A_720, %swap3A_721, %swap3A_722], %swap3A_725 {strides = array<i32>} : memref<2x64x160xf32, #tpu.memory_space<vmem>>, vector<1x1x16xf32>,
        %slice3A_726 = vector.extract_strided_slice %add3A_184 {offsets = [5], sizes = [1], strides = [1]} : vector<16xi32> to vector<1xi32>
        %squeeze3A_727 = vector.extract %slice3A_726[0] : i32 from vector<1xi32>
        %slice3A_728 = vector.extract_strided_slice %add3A_196 {offsets = [5], sizes = [1], strides = [1]} : vector<16xi32> to vector<1xi32>
        %squeeze3A_729 = vector.extract %slice3A_728[0] : i32 from vector<1xi32>
        %slice3A_730 = vector.extract_strided_slice %add3A_218 {offsets = [5], sizes = [1], strides = [1]} : vector<16xi32> to vector<1xi32>
        %squeeze3A_731 = vector.extract %slice3A_730[0] : i32 from vector<1xi32>
        %slice3A_732 = vector.extract_strided_slice %add3A_230 {offsets = [5], sizes = [1], strides = [1]} : vector<16xi32> to vector<1xi32>
        %squeeze3A_733 = vector.extract %slice3A_732[0] : i32 from vector<1xi32>
        %get3A_734 = arith.index_cast %squeeze3A_727 : i32 to index
        %get3A_735 = tpu.vector_load %arg9[%get3A_734] {strides = array<i32>} : memref<93312xf32, #tpu.memory_space<vmem>>, vector<16xf32>,
        %get3A_736 = vector.shape_cast %get3A_735 : vector<16xf32> to vector<16xf32>
        %add3A_737 = arith.constant 16 : i32
        %add3A_738 = arith.addi %squeeze3A_727, %add3A_737 : i32
        %get3A_739 = arith.index_cast %add3A_738 : i32 to index
        %get3A_740 = tpu.vector_load %arg9[%get3A_739] {strides = array<i32>} : memref<93312xf32, #tpu.memory_space<vmem>>, vector<16xf32>,
        %get3A_741 = vector.shape_cast %get3A_740 : vector<16xf32> to vector<16xf32>
        %get3A_742 = arith.index_cast %squeeze3A_729 : i32 to index
        %get3A_743 = tpu.vector_load %arg9[%get3A_742] {strides = array<i32>} : memref<93312xf32, #tpu.memory_space<vmem>>, vector<16xf32>,
        %get3A_744 = vector.shape_cast %get3A_743 : vector<16xf32> to vector<16xf32>
        %add3A_745 = arith.constant 16 : i32
        %add3A_746 = arith.addi %squeeze3A_729, %add3A_745 : i32
        %get3A_747 = arith.index_cast %add3A_746 : i32 to index
        %get3A_748 = tpu.vector_load %arg9[%get3A_747] {strides = array<i32>} : memref<93312xf32, #tpu.memory_space<vmem>>, vector<16xf32>,
        %get3A_749 = vector.shape_cast %get3A_748 : vector<16xf32> to vector<16xf32>
        %get3A_750 = arith.index_cast %squeeze3A_731 : i32 to index
        %get3A_751 = tpu.vector_load %arg9[%get3A_750] {strides = array<i32>} : memref<93312xf32, #tpu.memory_space<vmem>>, vector<16xf32>,
        %get3A_752 = vector.shape_cast %get3A_751 : vector<16xf32> to vector<16xf32>
        %add3A_753 = arith.constant 16 : i32
        %add3A_754 = arith.addi %squeeze3A_731, %add3A_753 : i32
        %get3A_755 = arith.index_cast %add3A_754 : i32 to index
        %get3A_756 = tpu.vector_load %arg9[%get3A_755] {strides = array<i32>} : memref<93312xf32, #tpu.memory_space<vmem>>, vector<16xf32>,
        %get3A_757 = vector.shape_cast %get3A_756 : vector<16xf32> to vector<16xf32>
        %get3A_758 = arith.index_cast %squeeze3A_733 : i32 to index
        %get3A_759 = tpu.vector_load %arg9[%get3A_758] {strides = array<i32>} : memref<93312xf32, #tpu.memory_space<vmem>>, vector<16xf32>,
        %get3A_760 = vector.shape_cast %get3A_759 : vector<16xf32> to vector<16xf32>
        %add3A_761 = arith.constant 16 : i32
        %add3A_762 = arith.addi %squeeze3A_733, %add3A_761 : i32
        %get3A_763 = arith.index_cast %add3A_762 : i32 to index
        %get3A_764 = tpu.vector_load %arg9[%get3A_763] {strides = array<i32>} : memref<93312xf32, #tpu.memory_space<vmem>>, vector<16xf32>,
        %get3A_765 = vector.shape_cast %get3A_764 : vector<16xf32> to vector<16xf32>
        %add3A_766 = arith.constant 32 : i32
        %add3A_767 = arith.addi %squeeze3A_733, %add3A_766 : i32
        %get3A_768 = arith.index_cast %add3A_767 : i32 to index
        %get3A_769 = tpu.vector_load %arg9[%get3A_768] {strides = array<i32>} : memref<93312xf32, #tpu.memory_space<vmem>>, vector<16xf32>,
        %get3A_770 = vector.shape_cast %get3A_769 : vector<16xf32> to vector<16xf32>
        %add3A_771 = arith.constant 48 : i32
        %add3A_772 = arith.addi %squeeze3A_733, %add3A_771 : i32
        %get3A_773 = arith.index_cast %add3A_772 : i32 to index
        %get3A_774 = tpu.vector_load %arg9[%get3A_773] {strides = array<i32>} : memref<93312xf32, #tpu.memory_space<vmem>>, vector<16xf32>,
        %get3A_775 = vector.shape_cast %get3A_774 : vector<16xf32> to vector<16xf32>
        %add3A_776 = arith.constant 4 : i32
        %add3A_777 = arith.addi %mul3A_173, %add3A_776 : i32
        %swap3A_778 = arith.index_cast %rem3A_89 : i32 to index
        %swap3A_779 = arith.index_cast %add3A_777 : i32 to index
        %swap3A_780 = arith.constant 0 : index
        %swap3A_781 = tpu.vector_load %arg11[%swap3A_778, %swap3A_779, %swap3A_780] {strides = array<i32>} : memref<2x64x160xf32, #tpu.memory_space<vmem>>, vector<1x1x16xf32>,
        %swap3A_782 = vector.shape_cast %swap3A_781 : vector<1x1x16xf32> to vector<16xf32>
        %swap3A_783 = vector.shape_cast %get3A_624 : vector<16xf32> to vector<1x1x16xf32>
        tpu.vector_store %arg11[%swap3A_778, %swap3A_779, %swap3A_780], %swap3A_783 {strides = array<i32>} : memref<2x64x160xf32, #tpu.memory_space<vmem>>, vector<1x1x16xf32>,
        %swap3A_784 = arith.index_cast %rem3A_89 : i32 to index
        %swap3A_785 = arith.index_cast %add3A_777 : i32 to index
        %swap3A_786 = arith.constant 16 : index
        %swap3A_787 = tpu.vector_load %arg11[%swap3A_784, %swap3A_785, %swap3A_786] {strides = array<i32>} : memref<2x64x160xf32, #tpu.memory_space<vmem>>, vector<1x1x16xf32>,
        %swap3A_788 = vector.shape_cast %swap3A_787 : vector<1x1x16xf32> to vector<16xf32>
        %swap3A_789 = vector.shape_cast %get3A_629 : vector<16xf32> to vector<1x1x16xf32>
        tpu.vector_store %arg11[%swap3A_784, %swap3A_785, %swap3A_786], %swap3A_789 {strides = array<i32>} : memref<2x64x160xf32, #tpu.memory_space<vmem>>, vector<1x1x16xf32>,
        %swap3A_790 = arith.index_cast %rem3A_89 : i32 to index
        %swap3A_791 = arith.index_cast %add3A_777 : i32 to index
        %swap3A_792 = arith.constant 32 : index
        %swap3A_793 = tpu.vector_load %arg11[%swap3A_790, %swap3A_791, %swap3A_792] {strides = array<i32>} : memref<2x64x160xf32, #tpu.memory_space<vmem>>, vector<1x1x16xf32>,
        %swap3A_794 = vector.shape_cast %swap3A_793 : vector<1x1x16xf32> to vector<16xf32>
        %swap3A_795 = vector.shape_cast %get3A_632 : vector<16xf32> to vector<1x1x16xf32>
        tpu.vector_store %arg11[%swap3A_790, %swap3A_791, %swap3A_792], %swap3A_795 {strides = array<i32>} : memref<2x64x160xf32, #tpu.memory_space<vmem>>, vector<1x1x16xf32>,
        %swap3A_796 = arith.index_cast %rem3A_89 : i32 to index
        %swap3A_797 = arith.index_cast %add3A_777 : i32 to index
        %swap3A_798 = arith.constant 48 : index
        %swap3A_799 = tpu.vector_load %arg11[%swap3A_796, %swap3A_797, %swap3A_798] {strides = array<i32>} : memref<2x64x160xf32, #tpu.memory_space<vmem>>, vector<1x1x16xf32>,
        %swap3A_800 = vector.shape_cast %swap3A_799 : vector<1x1x16xf32> to vector<16xf32>
        %swap3A_801 = vector.shape_cast %get3A_637 : vector<16xf32> to vector<1x1x16xf32>
        tpu.vector_store %arg11[%swap3A_796, %swap3A_797, %swap3A_798], %swap3A_801 {strides = array<i32>} : memref<2x64x160xf32, #tpu.memory_space<vmem>>, vector<1x1x16xf32>,
        %swap3A_802 = arith.index_cast %rem3A_89 : i32 to index
        %swap3A_803 = arith.index_cast %add3A_777 : i32 to index
        %swap3A_804 = arith.constant 64 : index
        %swap3A_805 = tpu.vector_load %arg11[%swap3A_802, %swap3A_803, %swap3A_804] {strides = array<i32>} : memref<2x64x160xf32, #tpu.memory_space<vmem>>, vector<1x1x16xf32>,
        %swap3A_806 = vector.shape_cast %swap3A_805 : vector<1x1x16xf32> to vector<16xf32>
        %swap3A_807 = vector.shape_cast %get3A_640 : vector<16xf32> to vector<1x1x16xf32>
        tpu.vector_store %arg11[%swap3A_802, %swap3A_803, %swap3A_804], %swap3A_807 {strides = array<i32>} : memref<2x64x160xf32, #tpu.memory_space<vmem>>, vector<1x1x16xf32>,
        %swap3A_808 = arith.index_cast %rem3A_89 : i32 to index
        %swap3A_809 = arith.index_cast %add3A_777 : i32 to index
        %swap3A_810 = arith.constant 80 : index
        %swap3A_811 = tpu.vector_load %arg11[%swap3A_808, %swap3A_809, %swap3A_810] {strides = array<i32>} : memref<2x64x160xf32, #tpu.memory_space<vmem>>, vector<1x1x16xf32>,
        %swap3A_812 = vector.shape_cast %swap3A_811 : vector<1x1x16xf32> to vector<16xf32>
        %swap3A_813 = vector.shape_cast %get3A_645 : vector<16xf32> to vector<1x1x16xf32>
        tpu.vector_store %arg11[%swap3A_808, %swap3A_809, %swap3A_810], %swap3A_813 {strides = array<i32>} : memref<2x64x160xf32, #tpu.memory_space<vmem>>, vector<1x1x16xf32>,
        %swap3A_814 = arith.index_cast %rem3A_89 : i32 to index
        %swap3A_815 = arith.index_cast %add3A_777 : i32 to index
        %swap3A_816 = arith.constant 96 : index
        %swap3A_817 = tpu.vector_load %arg11[%swap3A_814, %swap3A_815, %swap3A_816] {strides = array<i32>} : memref<2x64x160xf32, #tpu.memory_space<vmem>>, vector<1x1x16xf32>,
        %swap3A_818 = vector.shape_cast %swap3A_817 : vector<1x1x16xf32> to vector<16xf32>
        %swap3A_819 = vector.shape_cast %get3A_648 : vector<16xf32> to vector<1x1x16xf32>
        tpu.vector_store %arg11[%swap3A_814, %swap3A_815, %swap3A_816], %swap3A_819 {strides = array<i32>} : memref<2x64x160xf32, #tpu.memory_space<vmem>>, vector<1x1x16xf32>,
        %swap3A_820 = arith.index_cast %rem3A_89 : i32 to index
        %swap3A_821 = arith.index_cast %add3A_777 : i32 to index
        %swap3A_822 = arith.constant 112 : index
        %swap3A_823 = tpu.vector_load %arg11[%swap3A_820, %swap3A_821, %swap3A_822] {strides = array<i32>} : memref<2x64x160xf32, #tpu.memory_space<vmem>>, vector<1x1x16xf32>,
        %swap3A_824 = vector.shape_cast %swap3A_823 : vector<1x1x16xf32> to vector<16xf32>
        %swap3A_825 = vector.shape_cast %get3A_653 : vector<16xf32> to vector<1x1x16xf32>
        tpu.vector_store %arg11[%swap3A_820, %swap3A_821, %swap3A_822], %swap3A_825 {strides = array<i32>} : memref<2x64x160xf32, #tpu.memory_space<vmem>>, vector<1x1x16xf32>,
        %swap3A_826 = arith.index_cast %rem3A_89 : i32 to index
        %swap3A_827 = arith.index_cast %add3A_777 : i32 to index
        %swap3A_828 = arith.constant 128 : index
        %swap3A_829 = tpu.vector_load %arg11[%swap3A_826, %swap3A_827, %swap3A_828] {strides = array<i32>} : memref<2x64x160xf32, #tpu.memory_space<vmem>>, vector<1x1x16xf32>,
        %swap3A_830 = vector.shape_cast %swap3A_829 : vector<1x1x16xf32> to vector<16xf32>
        %swap3A_831 = vector.shape_cast %get3A_658 : vector<16xf32> to vector<1x1x16xf32>
        tpu.vector_store %arg11[%swap3A_826, %swap3A_827, %swap3A_828], %swap3A_831 {strides = array<i32>} : memref<2x64x160xf32, #tpu.memory_space<vmem>>, vector<1x1x16xf32>,
        %swap3A_832 = arith.index_cast %rem3A_89 : i32 to index
        %swap3A_833 = arith.index_cast %add3A_777 : i32 to index
        %swap3A_834 = arith.constant 144 : index
        %swap3A_835 = tpu.vector_load %arg11[%swap3A_832, %swap3A_833, %swap3A_834] {strides = array<i32>} : memref<2x64x160xf32, #tpu.memory_space<vmem>>, vector<1x1x16xf32>,
        %swap3A_836 = vector.shape_cast %swap3A_835 : vector<1x1x16xf32> to vector<16xf32>
        %swap3A_837 = vector.shape_cast %get3A_663 : vector<16xf32> to vector<1x1x16xf32>
        tpu.vector_store %arg11[%swap3A_832, %swap3A_833, %swap3A_834], %swap3A_837 {strides = array<i32>} : memref<2x64x160xf32, #tpu.memory_space<vmem>>, vector<1x1x16xf32>,
        %slice3A_838 = vector.extract_strided_slice %add3A_184 {offsets = [6], sizes = [1], strides = [1]} : vector<16xi32> to vector<1xi32>
        %squeeze3A_839 = vector.extract %slice3A_838[0] : i32 from vector<1xi32>
        %slice3A_840 = vector.extract_strided_slice %add3A_196 {offsets = [6], sizes = [1], strides = [1]} : vector<16xi32> to vector<1xi32>
        %squeeze3A_841 = vector.extract %slice3A_840[0] : i32 from vector<1xi32>
        %slice3A_842 = vector.extract_strided_slice %add3A_218 {offsets = [6], sizes = [1], strides = [1]} : vector<16xi32> to vector<1xi32>
        %squeeze3A_843 = vector.extract %slice3A_842[0] : i32 from vector<1xi32>
        %slice3A_844 = vector.extract_strided_slice %add3A_230 {offsets = [6], sizes = [1], strides = [1]} : vector<16xi32> to vector<1xi32>
        %squeeze3A_845 = vector.extract %slice3A_844[0] : i32 from vector<1xi32>
        %get3A_846 = arith.index_cast %squeeze3A_839 : i32 to index
        %get3A_847 = tpu.vector_load %arg9[%get3A_846] {strides = array<i32>} : memref<93312xf32, #tpu.memory_space<vmem>>, vector<16xf32>,
        %get3A_848 = vector.shape_cast %get3A_847 : vector<16xf32> to vector<16xf32>
        %add3A_849 = arith.constant 16 : i32
        %add3A_850 = arith.addi %squeeze3A_839, %add3A_849 : i32
        %get3A_851 = arith.index_cast %add3A_850 : i32 to index
        %get3A_852 = tpu.vector_load %arg9[%get3A_851] {strides = array<i32>} : memref<93312xf32, #tpu.memory_space<vmem>>, vector<16xf32>,
        %get3A_853 = vector.shape_cast %get3A_852 : vector<16xf32> to vector<16xf32>
        %get3A_854 = arith.index_cast %squeeze3A_841 : i32 to index
        %get3A_855 = tpu.vector_load %arg9[%get3A_854] {strides = array<i32>} : memref<93312xf32, #tpu.memory_space<vmem>>, vector<16xf32>,
        %get3A_856 = vector.shape_cast %get3A_855 : vector<16xf32> to vector<16xf32>
        %add3A_857 = arith.constant 16 : i32
        %add3A_858 = arith.addi %squeeze3A_841, %add3A_857 : i32
        %get3A_859 = arith.index_cast %add3A_858 : i32 to index
        %get3A_860 = tpu.vector_load %arg9[%get3A_859] {strides = array<i32>} : memref<93312xf32, #tpu.memory_space<vmem>>, vector<16xf32>,
        %get3A_861 = vector.shape_cast %get3A_860 : vector<16xf32> to vector<16xf32>
        %get3A_862 = arith.index_cast %squeeze3A_843 : i32 to index
        %get3A_863 = tpu.vector_load %arg9[%get3A_862] {strides = array<i32>} : memref<93312xf32, #tpu.memory_space<vmem>>, vector<16xf32>,
        %get3A_864 = vector.shape_cast %get3A_863 : vector<16xf32> to vector<16xf32>
        %add3A_865 = arith.constant 16 : i32
        %add3A_866 = arith.addi %squeeze3A_843, %add3A_865 : i32
        %get3A_867 = arith.index_cast %add3A_866 : i32 to index
        %get3A_868 = tpu.vector_load %arg9[%get3A_867] {strides = array<i32>} : memref<93312xf32, #tpu.memory_space<vmem>>, vector<16xf32>,
        %get3A_869 = vector.shape_cast %get3A_868 : vector<16xf32> to vector<16xf32>
        %get3A_870 = arith.index_cast %squeeze3A_845 : i32 to index
        %get3A_871 = tpu.vector_load %arg9[%get3A_870] {strides = array<i32>} : memref<93312xf32, #tpu.memory_space<vmem>>, vector<16xf32>,
        %get3A_872 = vector.shape_cast %get3A_871 : vector<16xf32> to vector<16xf32>
        %add3A_873 = arith.constant 16 : i32
        %add3A_874 = arith.addi %squeeze3A_845, %add3A_873 : i32
        %get3A_875 = arith.index_cast %add3A_874 : i32 to index
        %get3A_876 = tpu.vector_load %arg9[%get3A_875] {strides = array<i32>} : memref<93312xf32, #tpu.memory_space<vmem>>, vector<16xf32>,
        %get3A_877 = vector.shape_cast %get3A_876 : vector<16xf32> to vector<16xf32>
        %add3A_878 = arith.constant 32 : i32
        %add3A_879 = arith.addi %squeeze3A_845, %add3A_878 : i32
        %get3A_880 = arith.index_cast %add3A_879 : i32 to index
        %get3A_881 = tpu.vector_load %arg9[%get3A_880] {strides = array<i32>} : memref<93312xf32, #tpu.memory_space<vmem>>, vector<16xf32>,
        %get3A_882 = vector.shape_cast %get3A_881 : vector<16xf32> to vector<16xf32>
        %add3A_883 = arith.constant 48 : i32
        %add3A_884 = arith.addi %squeeze3A_845, %add3A_883 : i32
        %get3A_885 = arith.index_cast %add3A_884 : i32 to index
        %get3A_886 = tpu.vector_load %arg9[%get3A_885] {strides = array<i32>} : memref<93312xf32, #tpu.memory_space<vmem>>, vector<16xf32>,
        %get3A_887 = vector.shape_cast %get3A_886 : vector<16xf32> to vector<16xf32>
        %add3A_888 = arith.constant 5 : i32
        %add3A_889 = arith.addi %mul3A_173, %add3A_888 : i32
        %swap3A_890 = arith.index_cast %rem3A_89 : i32 to index
        %swap3A_891 = arith.index_cast %add3A_889 : i32 to index
        %swap3A_892 = arith.constant 0 : index
        %swap3A_893 = tpu.vector_load %arg11[%swap3A_890, %swap3A_891, %swap3A_892] {strides = array<i32>} : memref<2x64x160xf32, #tpu.memory_space<vmem>>, vector<1x1x16xf32>,
        %swap3A_894 = vector.shape_cast %swap3A_893 : vector<1x1x16xf32> to vector<16xf32>
        %swap3A_895 = vector.shape_cast %get3A_736 : vector<16xf32> to vector<1x1x16xf32>
        tpu.vector_store %arg11[%swap3A_890, %swap3A_891, %swap3A_892], %swap3A_895 {strides = array<i32>} : memref<2x64x160xf32, #tpu.memory_space<vmem>>, vector<1x1x16xf32>,
        %swap3A_896 = arith.index_cast %rem3A_89 : i32 to index
        %swap3A_897 = arith.index_cast %add3A_889 : i32 to index
        %swap3A_898 = arith.constant 16 : index
        %swap3A_899 = tpu.vector_load %arg11[%swap3A_896, %swap3A_897, %swap3A_898] {strides = array<i32>} : memref<2x64x160xf32, #tpu.memory_space<vmem>>, vector<1x1x16xf32>,
        %swap3A_900 = vector.shape_cast %swap3A_899 : vector<1x1x16xf32> to vector<16xf32>
        %swap3A_901 = vector.shape_cast %get3A_741 : vector<16xf32> to vector<1x1x16xf32>
        tpu.vector_store %arg11[%swap3A_896, %swap3A_897, %swap3A_898], %swap3A_901 {strides = array<i32>} : memref<2x64x160xf32, #tpu.memory_space<vmem>>, vector<1x1x16xf32>,
        %swap3A_902 = arith.index_cast %rem3A_89 : i32 to index
        %swap3A_903 = arith.index_cast %add3A_889 : i32 to index
        %swap3A_904 = arith.constant 32 : index
        %swap3A_905 = tpu.vector_load %arg11[%swap3A_902, %swap3A_903, %swap3A_904] {strides = array<i32>} : memref<2x64x160xf32, #tpu.memory_space<vmem>>, vector<1x1x16xf32>,
        %swap3A_906 = vector.shape_cast %swap3A_905 : vector<1x1x16xf32> to vector<16xf32>
        %swap3A_907 = vector.shape_cast %get3A_744 : vector<16xf32> to vector<1x1x16xf32>
        tpu.vector_store %arg11[%swap3A_902, %swap3A_903, %swap3A_904], %swap3A_907 {strides = array<i32>} : memref<2x64x160xf32, #tpu.memory_space<vmem>>, vector<1x1x16xf32>,
        %swap3A_908 = arith.index_cast %rem3A_89 : i32 to index
        %swap3A_909 = arith.index_cast %add3A_889 : i32 to index
        %swap3A_910 = arith.constant 48 : index
        %swap3A_911 = tpu.vector_load %arg11[%swap3A_908, %swap3A_909, %swap3A_910] {strides = array<i32>} : memref<2x64x160xf32, #tpu.memory_space<vmem>>, vector<1x1x16xf32>,
        %swap3A_912 = vector.shape_cast %swap3A_911 : vector<1x1x16xf32> to vector<16xf32>
        %swap3A_913 = vector.shape_cast %get3A_749 : vector<16xf32> to vector<1x1x16xf32>
        tpu.vector_store %arg11[%swap3A_908, %swap3A_909, %swap3A_910], %swap3A_913 {strides = array<i32>} : memref<2x64x160xf32, #tpu.memory_space<vmem>>, vector<1x1x16xf32>,
        %swap3A_914 = arith.index_cast %rem3A_89 : i32 to index
        %swap3A_915 = arith.index_cast %add3A_889 : i32 to index
        %swap3A_916 = arith.constant 64 : index
        %swap3A_917 = tpu.vector_load %arg11[%swap3A_914, %swap3A_915, %swap3A_916] {strides = array<i32>} : memref<2x64x160xf32, #tpu.memory_space<vmem>>, vector<1x1x16xf32>,
        %swap3A_918 = vector.shape_cast %swap3A_917 : vector<1x1x16xf32> to vector<16xf32>
        %swap3A_919 = vector.shape_cast %get3A_752 : vector<16xf32> to vector<1x1x16xf32>
        tpu.vector_store %arg11[%swap3A_914, %swap3A_915, %swap3A_916], %swap3A_919 {strides = array<i32>} : memref<2x64x160xf32, #tpu.memory_space<vmem>>, vector<1x1x16xf32>,
        %swap3A_920 = arith.index_cast %rem3A_89 : i32 to index
        %swap3A_921 = arith.index_cast %add3A_889 : i32 to index
        %swap3A_922 = arith.constant 80 : index
        %swap3A_923 = tpu.vector_load %arg11[%swap3A_920, %swap3A_921, %swap3A_922] {strides = array<i32>} : memref<2x64x160xf32, #tpu.memory_space<vmem>>, vector<1x1x16xf32>,
        %swap3A_924 = vector.shape_cast %swap3A_923 : vector<1x1x16xf32> to vector<16xf32>
        %swap3A_925 = vector.shape_cast %get3A_757 : vector<16xf32> to vector<1x1x16xf32>
        tpu.vector_store %arg11[%swap3A_920, %swap3A_921, %swap3A_922], %swap3A_925 {strides = array<i32>} : memref<2x64x160xf32, #tpu.memory_space<vmem>>, vector<1x1x16xf32>,
        %swap3A_926 = arith.index_cast %rem3A_89 : i32 to index
        %swap3A_927 = arith.index_cast %add3A_889 : i32 to index
        %swap3A_928 = arith.constant 96 : index
        %swap3A_929 = tpu.vector_load %arg11[%swap3A_926, %swap3A_927, %swap3A_928] {strides = array<i32>} : memref<2x64x160xf32, #tpu.memory_space<vmem>>, vector<1x1x16xf32>,
        %swap3A_930 = vector.shape_cast %swap3A_929 : vector<1x1x16xf32> to vector<16xf32>
        %swap3A_931 = vector.shape_cast %get3A_760 : vector<16xf32> to vector<1x1x16xf32>
        tpu.vector_store %arg11[%swap3A_926, %swap3A_927, %swap3A_928], %swap3A_931 {strides = array<i32>} : memref<2x64x160xf32, #tpu.memory_space<vmem>>, vector<1x1x16xf32>,
        %swap3A_932 = arith.index_cast %rem3A_89 : i32 to index
        %swap3A_933 = arith.index_cast %add3A_889 : i32 to index
        %swap3A_934 = arith.constant 112 : index
        %swap3A_935 = tpu.vector_load %arg11[%swap3A_932, %swap3A_933, %swap3A_934] {strides = array<i32>} : memref<2x64x160xf32, #tpu.memory_space<vmem>>, vector<1x1x16xf32>,
        %swap3A_936 = vector.shape_cast %swap3A_935 : vector<1x1x16xf32> to vector<16xf32>
        %swap3A_937 = vector.shape_cast %get3A_765 : vector<16xf32> to vector<1x1x16xf32>
        tpu.vector_store %arg11[%swap3A_932, %swap3A_933, %swap3A_934], %swap3A_937 {strides = array<i32>} : memref<2x64x160xf32, #tpu.memory_space<vmem>>, vector<1x1x16xf32>,
        %swap3A_938 = arith.index_cast %rem3A_89 : i32 to index
        %swap3A_939 = arith.index_cast %add3A_889 : i32 to index
        %swap3A_940 = arith.constant 128 : index
        %swap3A_941 = tpu.vector_load %arg11[%swap3A_938, %swap3A_939, %swap3A_940] {strides = array<i32>} : memref<2x64x160xf32, #tpu.memory_space<vmem>>, vector<1x1x16xf32>,
        %swap3A_942 = vector.shape_cast %swap3A_941 : vector<1x1x16xf32> to vector<16xf32>
        %swap3A_943 = vector.shape_cast %get3A_770 : vector<16xf32> to vector<1x1x16xf32>
        tpu.vector_store %arg11[%swap3A_938, %swap3A_939, %swap3A_940], %swap3A_943 {strides = array<i32>} : memref<2x64x160xf32, #tpu.memory_space<vmem>>, vector<1x1x16xf32>,
        %swap3A_944 = arith.index_cast %rem3A_89 : i32 to index
        %swap3A_945 = arith.index_cast %add3A_889 : i32 to index
        %swap3A_946 = arith.constant 144 : index
        %swap3A_947 = tpu.vector_load %arg11[%swap3A_944, %swap3A_945, %swap3A_946] {strides = array<i32>} : memref<2x64x160xf32, #tpu.memory_space<vmem>>, vector<1x1x16xf32>,
        %swap3A_948 = vector.shape_cast %swap3A_947 : vector<1x1x16xf32> to vector<16xf32>
        %swap3A_949 = vector.shape_cast %get3A_775 : vector<16xf32> to vector<1x1x16xf32>
        tpu.vector_store %arg11[%swap3A_944, %swap3A_945, %swap3A_946], %swap3A_949 {strides = array<i32>} : memref<2x64x160xf32, #tpu.memory_space<vmem>>, vector<1x1x16xf32>,
        %slice3A_950 = vector.extract_strided_slice %add3A_184 {offsets = [7], sizes = [1], strides = [1]} : vector<16xi32> to vector<1xi32>
        %squeeze3A_951 = vector.extract %slice3A_950[0] : i32 from vector<1xi32>
        %slice3A_952 = vector.extract_strided_slice %add3A_196 {offsets = [7], sizes = [1], strides = [1]} : vector<16xi32> to vector<1xi32>
        %squeeze3A_953 = vector.extract %slice3A_952[0] : i32 from vector<1xi32>
        %slice3A_954 = vector.extract_strided_slice %add3A_218 {offsets = [7], sizes = [1], strides = [1]} : vector<16xi32> to vector<1xi32>
        %squeeze3A_955 = vector.extract %slice3A_954[0] : i32 from vector<1xi32>
        %slice3A_956 = vector.extract_strided_slice %add3A_230 {offsets = [7], sizes = [1], strides = [1]} : vector<16xi32> to vector<1xi32>
        %squeeze3A_957 = vector.extract %slice3A_956[0] : i32 from vector<1xi32>
        %get3A_958 = arith.index_cast %squeeze3A_951 : i32 to index
        %get3A_959 = tpu.vector_load %arg9[%get3A_958] {strides = array<i32>} : memref<93312xf32, #tpu.memory_space<vmem>>, vector<16xf32>,
        %get3A_960 = vector.shape_cast %get3A_959 : vector<16xf32> to vector<16xf32>
        %add3A_961 = arith.constant 16 : i32
        %add3A_962 = arith.addi %squeeze3A_951, %add3A_961 : i32
        %get3A_963 = arith.index_cast %add3A_962 : i32 to index
        %get3A_964 = tpu.vector_load %arg9[%get3A_963] {strides = array<i32>} : memref<93312xf32, #tpu.memory_space<vmem>>, vector<16xf32>,
        %get3A_965 = vector.shape_cast %get3A_964 : vector<16xf32> to vector<16xf32>
        %get3A_966 = arith.index_cast %squeeze3A_953 : i32 to index
        %get3A_967 = tpu.vector_load %arg9[%get3A_966] {strides = array<i32>} : memref<93312xf32, #tpu.memory_space<vmem>>, vector<16xf32>,
        %get3A_968 = vector.shape_cast %get3A_967 : vector<16xf32> to vector<16xf32>
        %add3A_969 = arith.constant 16 : i32
        %add3A_970 = arith.addi %squeeze3A_953, %add3A_969 : i32
        %get3A_971 = arith.index_cast %add3A_970 : i32 to index
        %get3A_972 = tpu.vector_load %arg9[%get3A_971] {strides = array<i32>} : memref<93312xf32, #tpu.memory_space<vmem>>, vector<16xf32>,
        %get3A_973 = vector.shape_cast %get3A_972 : vector<16xf32> to vector<16xf32>
        %get3A_974 = arith.index_cast %squeeze3A_955 : i32 to index
        %get3A_975 = tpu.vector_load %arg9[%get3A_974] {strides = array<i32>} : memref<93312xf32, #tpu.memory_space<vmem>>, vector<16xf32>,
        %get3A_976 = vector.shape_cast %get3A_975 : vector<16xf32> to vector<16xf32>
        %add3A_977 = arith.constant 16 : i32
        %add3A_978 = arith.addi %squeeze3A_955, %add3A_977 : i32
        %get3A_979 = arith.index_cast %add3A_978 : i32 to index
        %get3A_980 = tpu.vector_load %arg9[%get3A_979] {strides = array<i32>} : memref<93312xf32, #tpu.memory_space<vmem>>, vector<16xf32>,
        %get3A_981 = vector.shape_cast %get3A_980 : vector<16xf32> to vector<16xf32>
        %get3A_982 = arith.index_cast %squeeze3A_957 : i32 to index
        %get3A_983 = tpu.vector_load %arg9[%get3A_982] {strides = array<i32>} : memref<93312xf32, #tpu.memory_space<vmem>>, vector<16xf32>,
        %get3A_984 = vector.shape_cast %get3A_983 : vector<16xf32> to vector<16xf32>
        %add3A_985 = arith.constant 16 : i32
        %add3A_986 = arith.addi %squeeze3A_957, %add3A_985 : i32
        %get3A_987 = arith.index_cast %add3A_986 : i32 to index
        %get3A_988 = tpu.vector_load %arg9[%get3A_987] {strides = array<i32>} : memref<93312xf32, #tpu.memory_space<vmem>>, vector<16xf32>,
        %get3A_989 = vector.shape_cast %get3A_988 : vector<16xf32> to vector<16xf32>
        %add3A_990 = arith.constant 32 : i32
        %add3A_991 = arith.addi %squeeze3A_957, %add3A_990 : i32
        %get3A_992 = arith.index_cast %add3A_991 : i32 to index
        %get3A_993 = tpu.vector_load %arg9[%get3A_992] {strides = array<i32>} : memref<93312xf32, #tpu.memory_space<vmem>>, vector<16xf32>,
        %get3A_994 = vector.shape_cast %get3A_993 : vector<16xf32> to vector<16xf32>
        %add3A_995 = arith.constant 48 : i32
        %add3A_996 = arith.addi %squeeze3A_957, %add3A_995 : i32
        %get3A_997 = arith.index_cast %add3A_996 : i32 to index
        %get3A_998 = tpu.vector_load %arg9[%get3A_997] {strides = array<i32>} : memref<93312xf32, #tpu.memory_space<vmem>>, vector<16xf32>,
        %get3A_999 = vector.shape_cast %get3A_998 : vector<16xf32> to vector<16xf32>
        %add3A_1000 = arith.constant 6 : i32
        %add3A_1001 = arith.addi %mul3A_173, %add3A_1000 : i32
        %swap3A_1002 = arith.index_cast %rem3A_89 : i32 to index
        %swap3A_1003 = arith.index_cast %add3A_1001 : i32 to index
        %swap3A_1004 = arith.constant 0 : index
        %swap3A_1005 = tpu.vector_load %arg11[%swap3A_1002, %swap3A_1003, %swap3A_1004] {strides = array<i32>} : memref<2x64x160xf32, #tpu.memory_space<vmem>>, vector<1x1x16xf32>,
        %swap3A_1006 = vector.shape_cast %swap3A_1005 : vector<1x1x16xf32> to vector<16xf32>
        %swap3A_1007 = vector.shape_cast %get3A_848 : vector<16xf32> to vector<1x1x16xf32>
        tpu.vector_store %arg11[%swap3A_1002, %swap3A_1003, %swap3A_1004], %swap3A_1007 {strides = array<i32>} : memref<2x64x160xf32, #tpu.memory_space<vmem>>, vector<1x1x16xf32>,
        %swap3A_1008 = arith.index_cast %rem3A_89 : i32 to index
        %swap3A_1009 = arith.index_cast %add3A_1001 : i32 to index
        %swap3A_1010 = arith.constant 16 : index
        %swap3A_1011 = tpu.vector_load %arg11[%swap3A_1008, %swap3A_1009, %swap3A_1010] {strides = array<i32>} : memref<2x64x160xf32, #tpu.memory_space<vmem>>, vector<1x1x16xf32>,
        %swap3A_1012 = vector.shape_cast %swap3A_1011 : vector<1x1x16xf32> to vector<16xf32>
        %swap3A_1013 = vector.shape_cast %get3A_853 : vector<16xf32> to vector<1x1x16xf32>
        tpu.vector_store %arg11[%swap3A_1008, %swap3A_1009, %swap3A_1010], %swap3A_1013 {strides = array<i32>} : memref<2x64x160xf32, #tpu.memory_space<vmem>>, vector<1x1x16xf32>,
        %swap3A_1014 = arith.index_cast %rem3A_89 : i32 to index
        %swap3A_1015 = arith.index_cast %add3A_1001 : i32 to index
        %swap3A_1016 = arith.constant 32 : index
        %swap3A_1017 = tpu.vector_load %arg11[%swap3A_1014, %swap3A_1015, %swap3A_1016] {strides = array<i32>} : memref<2x64x160xf32, #tpu.memory_space<vmem>>, vector<1x1x16xf32>,
        %swap3A_1018 = vector.shape_cast %swap3A_1017 : vector<1x1x16xf32> to vector<16xf32>
        %swap3A_1019 = vector.shape_cast %get3A_856 : vector<16xf32> to vector<1x1x16xf32>
        tpu.vector_store %arg11[%swap3A_1014, %swap3A_1015, %swap3A_1016], %swap3A_1019 {strides = array<i32>} : memref<2x64x160xf32, #tpu.memory_space<vmem>>, vector<1x1x16xf32>,
        %swap3A_1020 = arith.index_cast %rem3A_89 : i32 to index
        %swap3A_1021 = arith.index_cast %add3A_1001 : i32 to index
        %swap3A_1022 = arith.constant 48 : index
        %swap3A_1023 = tpu.vector_load %arg11[%swap3A_1020, %swap3A_1021, %swap3A_1022] {strides = array<i32>} : memref<2x64x160xf32, #tpu.memory_space<vmem>>, vector<1x1x16xf32>,
        %swap3A_1024 = vector.shape_cast %swap3A_1023 : vector<1x1x16xf32> to vector<16xf32>
        %swap3A_1025 = vector.shape_cast %get3A_861 : vector<16xf32> to vector<1x1x16xf32>
        tpu.vector_store %arg11[%swap3A_1020, %swap3A_1021, %swap3A_1022], %swap3A_1025 {strides = array<i32>} : memref<2x64x160xf32, #tpu.memory_space<vmem>>, vector<1x1x16xf32>,
        %swap3A_1026 = arith.index_cast %rem3A_89 : i32 to index
        %swap3A_1027 = arith.index_cast %add3A_1001 : i32 to index
        %swap3A_1028 = arith.constant 64 : index
        %swap3A_1029 = tpu.vector_load %arg11[%swap3A_1026, %swap3A_1027, %swap3A_1028] {strides = array<i32>} : memref<2x64x160xf32, #tpu.memory_space<vmem>>, vector<1x1x16xf32>,
        %swap3A_1030 = vector.shape_cast %swap3A_1029 : vector<1x1x16xf32> to vector<16xf32>
        %swap3A_1031 = vector.shape_cast %get3A_864 : vector<16xf32> to vector<1x1x16xf32>
        tpu.vector_store %arg11[%swap3A_1026, %swap3A_1027, %swap3A_1028], %swap3A_1031 {strides = array<i32>} : memref<2x64x160xf32, #tpu.memory_space<vmem>>, vector<1x1x16xf32>,
        %swap3A_1032 = arith.index_cast %rem3A_89 : i32 to index
        %swap3A_1033 = arith.index_cast %add3A_1001 : i32 to index
        %swap3A_1034 = arith.constant 80 : index
        %swap3A_1035 = tpu.vector_load %arg11[%swap3A_1032, %swap3A_1033, %swap3A_1034] {strides = array<i32>} : memref<2x64x160xf32, #tpu.memory_space<vmem>>, vector<1x1x16xf32>,
        %swap3A_1036 = vector.shape_cast %swap3A_1035 : vector<1x1x16xf32> to vector<16xf32>
        %swap3A_1037 = vector.shape_cast %get3A_869 : vector<16xf32> to vector<1x1x16xf32>
        tpu.vector_store %arg11[%swap3A_1032, %swap3A_1033, %swap3A_1034], %swap3A_1037 {strides = array<i32>} : memref<2x64x160xf32, #tpu.memory_space<vmem>>, vector<1x1x16xf32>,
        %swap3A_1038 = arith.index_cast %rem3A_89 : i32 to index
        %swap3A_1039 = arith.index_cast %add3A_1001 : i32 to index
        %swap3A_1040 = arith.constant 96 : index
        %swap3A_1041 = tpu.vector_load %arg11[%swap3A_1038, %swap3A_1039, %swap3A_1040] {strides = array<i32>} : memref<2x64x160xf32, #tpu.memory_space<vmem>>, vector<1x1x16xf32>,
        %swap3A_1042 = vector.shape_cast %swap3A_1041 : vector<1x1x16xf32> to vector<16xf32>
        %swap3A_1043 = vector.shape_cast %get3A_872 : vector<16xf32> to vector<1x1x16xf32>
        tpu.vector_store %arg11[%swap3A_1038, %swap3A_1039, %swap3A_1040], %swap3A_1043 {strides = array<i32>} : memref<2x64x160xf32, #tpu.memory_space<vmem>>, vector<1x1x16xf32>,
        %swap3A_1044 = arith.index_cast %rem3A_89 : i32 to index
        %swap3A_1045 = arith.index_cast %add3A_1001 : i32 to index
        %swap3A_1046 = arith.constant 112 : index
        %swap3A_1047 = tpu.vector_load %arg11[%swap3A_1044, %swap3A_1045, %swap3A_1046] {strides = array<i32>} : memref<2x64x160xf32, #tpu.memory_space<vmem>>, vector<1x1x16xf32>,
        %swap3A_1048 = vector.shape_cast %swap3A_1047 : vector<1x1x16xf32> to vector<16xf32>
        %swap3A_1049 = vector.shape_cast %get3A_877 : vector<16xf32> to vector<1x1x16xf32>
        tpu.vector_store %arg11[%swap3A_1044, %swap3A_1045, %swap3A_1046], %swap3A_1049 {strides = array<i32>} : memref<2x64x160xf32, #tpu.memory_space<vmem>>, vector<1x1x16xf32>,
        %swap3A_1050 = arith.index_cast %rem3A_89 : i32 to index
        %swap3A_1051 = arith.index_cast %add3A_1001 : i32 to index
        %swap3A_1052 = arith.constant 128 : index
        %swap3A_1053 = tpu.vector_load %arg11[%swap3A_1050, %swap3A_1051, %swap3A_1052] {strides = array<i32>} : memref<2x64x160xf32, #tpu.memory_space<vmem>>, vector<1x1x16xf32>,
        %swap3A_1054 = vector.shape_cast %swap3A_1053 : vector<1x1x16xf32> to vector<16xf32>
        %swap3A_1055 = vector.shape_cast %get3A_882 : vector<16xf32> to vector<1x1x16xf32>
        tpu.vector_store %arg11[%swap3A_1050, %swap3A_1051, %swap3A_1052], %swap3A_1055 {strides = array<i32>} : memref<2x64x160xf32, #tpu.memory_space<vmem>>, vector<1x1x16xf32>,
        %swap3A_1056 = arith.index_cast %rem3A_89 : i32 to index
        %swap3A_1057 = arith.index_cast %add3A_1001 : i32 to index
        %swap3A_1058 = arith.constant 144 : index
        %swap3A_1059 = tpu.vector_load %arg11[%swap3A_1056, %swap3A_1057, %swap3A_1058] {strides = array<i32>} : memref<2x64x160xf32, #tpu.memory_space<vmem>>, vector<1x1x16xf32>,
        %swap3A_1060 = vector.shape_cast %swap3A_1059 : vector<1x1x16xf32> to vector<16xf32>
        %swap3A_1061 = vector.shape_cast %get3A_887 : vector<16xf32> to vector<1x1x16xf32>
        tpu.vector_store %arg11[%swap3A_1056, %swap3A_1057, %swap3A_1058], %swap3A_1061 {strides = array<i32>} : memref<2x64x160xf32, #tpu.memory_space<vmem>>, vector<1x1x16xf32>,
        %slice3A_1062 = vector.extract_strided_slice %add3A_184 {offsets = [8], sizes = [1], strides = [1]} : vector<16xi32> to vector<1xi32>
        %squeeze3A_1063 = vector.extract %slice3A_1062[0] : i32 from vector<1xi32>
        %slice3A_1064 = vector.extract_strided_slice %add3A_196 {offsets = [8], sizes = [1], strides = [1]} : vector<16xi32> to vector<1xi32>
        %squeeze3A_1065 = vector.extract %slice3A_1064[0] : i32 from vector<1xi32>
        %slice3A_1066 = vector.extract_strided_slice %add3A_218 {offsets = [8], sizes = [1], strides = [1]} : vector<16xi32> to vector<1xi32>
        %squeeze3A_1067 = vector.extract %slice3A_1066[0] : i32 from vector<1xi32>
        %slice3A_1068 = vector.extract_strided_slice %add3A_230 {offsets = [8], sizes = [1], strides = [1]} : vector<16xi32> to vector<1xi32>
        %squeeze3A_1069 = vector.extract %slice3A_1068[0] : i32 from vector<1xi32>
        %get3A_1070 = arith.index_cast %squeeze3A_1063 : i32 to index
        %get3A_1071 = tpu.vector_load %arg9[%get3A_1070] {strides = array<i32>} : memref<93312xf32, #tpu.memory_space<vmem>>, vector<16xf32>,
        %get3A_1072 = vector.shape_cast %get3A_1071 : vector<16xf32> to vector<16xf32>
        %add3A_1073 = arith.constant 16 : i32
        %add3A_1074 = arith.addi %squeeze3A_1063, %add3A_1073 : i32
        %get3A_1075 = arith.index_cast %add3A_1074 : i32 to index
        %get3A_1076 = tpu.vector_load %arg9[%get3A_1075] {strides = array<i32>} : memref<93312xf32, #tpu.memory_space<vmem>>, vector<16xf32>,
        %get3A_1077 = vector.shape_cast %get3A_1076 : vector<16xf32> to vector<16xf32>
        %get3A_1078 = arith.index_cast %squeeze3A_1065 : i32 to index
        %get3A_1079 = tpu.vector_load %arg9[%get3A_1078] {strides = array<i32>} : memref<93312xf32, #tpu.memory_space<vmem>>, vector<16xf32>,
        %get3A_1080 = vector.shape_cast %get3A_1079 : vector<16xf32> to vector<16xf32>
        %add3A_1081 = arith.constant 16 : i32
        %add3A_1082 = arith.addi %squeeze3A_1065, %add3A_1081 : i32
        %get3A_1083 = arith.index_cast %add3A_1082 : i32 to index
        %get3A_1084 = tpu.vector_load %arg9[%get3A_1083] {strides = array<i32>} : memref<93312xf32, #tpu.memory_space<vmem>>, vector<16xf32>,
        %get3A_1085 = vector.shape_cast %get3A_1084 : vector<16xf32> to vector<16xf32>
        %get3A_1086 = arith.index_cast %squeeze3A_1067 : i32 to index
        %get3A_1087 = tpu.vector_load %arg9[%get3A_1086] {strides = array<i32>} : memref<93312xf32, #tpu.memory_space<vmem>>, vector<16xf32>,
        %get3A_1088 = vector.shape_cast %get3A_1087 : vector<16xf32> to vector<16xf32>
        %add3A_1089 = arith.constant 16 : i32
        %add3A_1090 = arith.addi %squeeze3A_1067, %add3A_1089 : i32
        %get3A_1091 = arith.index_cast %add3A_1090 : i32 to index
        %get3A_1092 = tpu.vector_load %arg9[%get3A_1091] {strides = array<i32>} : memref<93312xf32, #tpu.memory_space<vmem>>, vector<16xf32>,
        %get3A_1093 = vector.shape_cast %get3A_1092 : vector<16xf32> to vector<16xf32>
        %get3A_1094 = arith.index_cast %squeeze3A_1069 : i32 to index
        %get3A_1095 = tpu.vector_load %arg9[%get3A_1094] {strides = array<i32>} : memref<93312xf32, #tpu.memory_space<vmem>>, vector<16xf32>,
        %get3A_1096 = vector.shape_cast %get3A_1095 : vector<16xf32> to vector<16xf32>
        %add3A_1097 = arith.constant 16 : i32
        %add3A_1098 = arith.addi %squeeze3A_1069, %add3A_1097 : i32
        %get3A_1099 = arith.index_cast %add3A_1098 : i32 to index
        %get3A_1100 = tpu.vector_load %arg9[%get3A_1099] {strides = array<i32>} : memref<93312xf32, #tpu.memory_space<vmem>>, vector<16xf32>,
        %get3A_1101 = vector.shape_cast %get3A_1100 : vector<16xf32> to vector<16xf32>
        %add3A_1102 = arith.constant 32 : i32
        %add3A_1103 = arith.addi %squeeze3A_1069, %add3A_1102 : i32
        %get3A_1104 = arith.index_cast %add3A_1103 : i32 to index
        %get3A_1105 = tpu.vector_load %arg9[%get3A_1104] {strides = array<i32>} : memref<93312xf32, #tpu.memory_space<vmem>>, vector<16xf32>,
        %get3A_1106 = vector.shape_cast %get3A_1105 : vector<16xf32> to vector<16xf32>
        %add3A_1107 = arith.constant 48 : i32
        %add3A_1108 = arith.addi %squeeze3A_1069, %add3A_1107 : i32
        %get3A_1109 = arith.index_cast %add3A_1108 : i32 to index
        %get3A_1110 = tpu.vector_load %arg9[%get3A_1109] {strides = array<i32>} : memref<93312xf32, #tpu.memory_space<vmem>>, vector<16xf32>,
        %get3A_1111 = vector.shape_cast %get3A_1110 : vector<16xf32> to vector<16xf32>
        %add3A_1112 = arith.constant 7 : i32
        %add3A_1113 = arith.addi %mul3A_173, %add3A_1112 : i32
        %swap3A_1114 = arith.index_cast %rem3A_89 : i32 to index
        %swap3A_1115 = arith.index_cast %add3A_1113 : i32 to index
        %swap3A_1116 = arith.constant 0 : index
        %swap3A_1117 = tpu.vector_load %arg11[%swap3A_1114, %swap3A_1115, %swap3A_1116] {strides = array<i32>} : memref<2x64x160xf32, #tpu.memory_space<vmem>>, vector<1x1x16xf32>,
        %swap3A_1118 = vector.shape_cast %swap3A_1117 : vector<1x1x16xf32> to vector<16xf32>
        %swap3A_1119 = vector.shape_cast %get3A_960 : vector<16xf32> to vector<1x1x16xf32>
        tpu.vector_store %arg11[%swap3A_1114, %swap3A_1115, %swap3A_1116], %swap3A_1119 {strides = array<i32>} : memref<2x64x160xf32, #tpu.memory_space<vmem>>, vector<1x1x16xf32>,
        %swap3A_1120 = arith.index_cast %rem3A_89 : i32 to index
        %swap3A_1121 = arith.index_cast %add3A_1113 : i32 to index
        %swap3A_1122 = arith.constant 16 : index
        %swap3A_1123 = tpu.vector_load %arg11[%swap3A_1120, %swap3A_1121, %swap3A_1122] {strides = array<i32>} : memref<2x64x160xf32, #tpu.memory_space<vmem>>, vector<1x1x16xf32>,
        %swap3A_1124 = vector.shape_cast %swap3A_1123 : vector<1x1x16xf32> to vector<16xf32>
        %swap3A_1125 = vector.shape_cast %get3A_965 : vector<16xf32> to vector<1x1x16xf32>
        tpu.vector_store %arg11[%swap3A_1120, %swap3A_1121, %swap3A_1122], %swap3A_1125 {strides = array<i32>} : memref<2x64x160xf32, #tpu.memory_space<vmem>>, vector<1x1x16xf32>,
        %swap3A_1126 = arith.index_cast %rem3A_89 : i32 to index
        %swap3A_1127 = arith.index_cast %add3A_1113 : i32 to index
        %swap3A_1128 = arith.constant 32 : index
        %swap3A_1129 = tpu.vector_load %arg11[%swap3A_1126, %swap3A_1127, %swap3A_1128] {strides = array<i32>} : memref<2x64x160xf32, #tpu.memory_space<vmem>>, vector<1x1x16xf32>,
        %swap3A_1130 = vector.shape_cast %swap3A_1129 : vector<1x1x16xf32> to vector<16xf32>
        %swap3A_1131 = vector.shape_cast %get3A_968 : vector<16xf32> to vector<1x1x16xf32>
        tpu.vector_store %arg11[%swap3A_1126, %swap3A_1127, %swap3A_1128], %swap3A_1131 {strides = array<i32>} : memref<2x64x160xf32, #tpu.memory_space<vmem>>, vector<1x1x16xf32>,
        %swap3A_1132 = arith.index_cast %rem3A_89 : i32 to index
        %swap3A_1133 = arith.index_cast %add3A_1113 : i32 to index
        %swap3A_1134 = arith.constant 48 : index
        %swap3A_1135 = tpu.vector_load %arg11[%swap3A_1132, %swap3A_1133, %swap3A_1134] {strides = array<i32>} : memref<2x64x160xf32, #tpu.memory_space<vmem>>, vector<1x1x16xf32>,
        %swap3A_1136 = vector.shape_cast %swap3A_1135 : vector<1x1x16xf32> to vector<16xf32>
        %swap3A_1137 = vector.shape_cast %get3A_973 : vector<16xf32> to vector<1x1x16xf32>
        tpu.vector_store %arg11[%swap3A_1132, %swap3A_1133, %swap3A_1134], %swap3A_1137 {strides = array<i32>} : memref<2x64x160xf32, #tpu.memory_space<vmem>>, vector<1x1x16xf32>,
        %swap3A_1138 = arith.index_cast %rem3A_89 : i32 to index
        %swap3A_1139 = arith.index_cast %add3A_1113 : i32 to index
        %swap3A_1140 = arith.constant 64 : index
        %swap3A_1141 = tpu.vector_load %arg11[%swap3A_1138, %swap3A_1139, %swap3A_1140] {strides = array<i32>} : memref<2x64x160xf32, #tpu.memory_space<vmem>>, vector<1x1x16xf32>,
        %swap3A_1142 = vector.shape_cast %swap3A_1141 : vector<1x1x16xf32> to vector<16xf32>
        %swap3A_1143 = vector.shape_cast %get3A_976 : vector<16xf32> to vector<1x1x16xf32>
        tpu.vector_store %arg11[%swap3A_1138, %swap3A_1139, %swap3A_1140], %swap3A_1143 {strides = array<i32>} : memref<2x64x160xf32, #tpu.memory_space<vmem>>, vector<1x1x16xf32>,
        %swap3A_1144 = arith.index_cast %rem3A_89 : i32 to index
        %swap3A_1145 = arith.index_cast %add3A_1113 : i32 to index
        %swap3A_1146 = arith.constant 80 : index
        %swap3A_1147 = tpu.vector_load %arg11[%swap3A_1144, %swap3A_1145, %swap3A_1146] {strides = array<i32>} : memref<2x64x160xf32, #tpu.memory_space<vmem>>, vector<1x1x16xf32>,
        %swap3A_1148 = vector.shape_cast %swap3A_1147 : vector<1x1x16xf32> to vector<16xf32>
        %swap3A_1149 = vector.shape_cast %get3A_981 : vector<16xf32> to vector<1x1x16xf32>
        tpu.vector_store %arg11[%swap3A_1144, %swap3A_1145, %swap3A_1146], %swap3A_1149 {strides = array<i32>} : memref<2x64x160xf32, #tpu.memory_space<vmem>>, vector<1x1x16xf32>,
        %swap3A_1150 = arith.index_cast %rem3A_89 : i32 to index
        %swap3A_1151 = arith.index_cast %add3A_1113 : i32 to index
        %swap3A_1152 = arith.constant 96 : index
        %swap3A_1153 = tpu.vector_load %arg11[%swap3A_1150, %swap3A_1151, %swap3A_1152] {strides = array<i32>} : memref<2x64x160xf32, #tpu.memory_space<vmem>>, vector<1x1x16xf32>,
        %swap3A_1154 = vector.shape_cast %swap3A_1153 : vector<1x1x16xf32> to vector<16xf32>
        %swap3A_1155 = vector.shape_cast %get3A_984 : vector<16xf32> to vector<1x1x16xf32>
        tpu.vector_store %arg11[%swap3A_1150, %swap3A_1151, %swap3A_1152], %swap3A_1155 {strides = array<i32>} : memref<2x64x160xf32, #tpu.memory_space<vmem>>, vector<1x1x16xf32>,
        %swap3A_1156 = arith.index_cast %rem3A_89 : i32 to index
        %swap3A_1157 = arith.index_cast %add3A_1113 : i32 to index
        %swap3A_1158 = arith.constant 112 : index
        %swap3A_1159 = tpu.vector_load %arg11[%swap3A_1156, %swap3A_1157, %swap3A_1158] {strides = array<i32>} : memref<2x64x160xf32, #tpu.memory_space<vmem>>, vector<1x1x16xf32>,
        %swap3A_1160 = vector.shape_cast %swap3A_1159 : vector<1x1x16xf32> to vector<16xf32>
        %swap3A_1161 = vector.shape_cast %get3A_989 : vector<16xf32> to vector<1x1x16xf32>
        tpu.vector_store %arg11[%swap3A_1156, %swap3A_1157, %swap3A_1158], %swap3A_1161 {strides = array<i32>} : memref<2x64x160xf32, #tpu.memory_space<vmem>>, vector<1x1x16xf32>,
        %swap3A_1162 = arith.index_cast %rem3A_89 : i32 to index
        %swap3A_1163 = arith.index_cast %add3A_1113 : i32 to index
        %swap3A_1164 = arith.constant 128 : index
        %swap3A_1165 = tpu.vector_load %arg11[%swap3A_1162, %swap3A_1163, %swap3A_1164] {strides = array<i32>} : memref<2x64x160xf32, #tpu.memory_space<vmem>>, vector<1x1x16xf32>,
        %swap3A_1166 = vector.shape_cast %swap3A_1165 : vector<1x1x16xf32> to vector<16xf32>
        %swap3A_1167 = vector.shape_cast %get3A_994 : vector<16xf32> to vector<1x1x16xf32>
        tpu.vector_store %arg11[%swap3A_1162, %swap3A_1163, %swap3A_1164], %swap3A_1167 {strides = array<i32>} : memref<2x64x160xf32, #tpu.memory_space<vmem>>, vector<1x1x16xf32>,
        %swap3A_1168 = arith.index_cast %rem3A_89 : i32 to index
        %swap3A_1169 = arith.index_cast %add3A_1113 : i32 to index
        %swap3A_1170 = arith.constant 144 : index
        %swap3A_1171 = tpu.vector_load %arg11[%swap3A_1168, %swap3A_1169, %swap3A_1170] {strides = array<i32>} : memref<2x64x160xf32, #tpu.memory_space<vmem>>, vector<1x1x16xf32>,
        %swap3A_1172 = vector.shape_cast %swap3A_1171 : vector<1x1x16xf32> to vector<16xf32>
        %swap3A_1173 = vector.shape_cast %get3A_999 : vector<16xf32> to vector<1x1x16xf32>
        tpu.vector_store %arg11[%swap3A_1168, %swap3A_1169, %swap3A_1170], %swap3A_1173 {strides = array<i32>} : memref<2x64x160xf32, #tpu.memory_space<vmem>>, vector<1x1x16xf32>,
        %slice3A_1174 = vector.extract_strided_slice %add3A_184 {offsets = [9], sizes = [1], strides = [1]} : vector<16xi32> to vector<1xi32>
        %squeeze3A_1175 = vector.extract %slice3A_1174[0] : i32 from vector<1xi32>
        %slice3A_1176 = vector.extract_strided_slice %add3A_196 {offsets = [9], sizes = [1], strides = [1]} : vector<16xi32> to vector<1xi32>
        %squeeze3A_1177 = vector.extract %slice3A_1176[0] : i32 from vector<1xi32>
        %slice3A_1178 = vector.extract_strided_slice %add3A_218 {offsets = [9], sizes = [1], strides = [1]} : vector<16xi32> to vector<1xi32>
        %squeeze3A_1179 = vector.extract %slice3A_1178[0] : i32 from vector<1xi32>
        %slice3A_1180 = vector.extract_strided_slice %add3A_230 {offsets = [9], sizes = [1], strides = [1]} : vector<16xi32> to vector<1xi32>
        %squeeze3A_1181 = vector.extract %slice3A_1180[0] : i32 from vector<1xi32>
        %get3A_1182 = arith.index_cast %squeeze3A_1175 : i32 to index
        %get3A_1183 = tpu.vector_load %arg9[%get3A_1182] {strides = array<i32>} : memref<93312xf32, #tpu.memory_space<vmem>>, vector<16xf32>,
        %get3A_1184 = vector.shape_cast %get3A_1183 : vector<16xf32> to vector<16xf32>
        %add3A_1185 = arith.constant 16 : i32
        %add3A_1186 = arith.addi %squeeze3A_1175, %add3A_1185 : i32
        %get3A_1187 = arith.index_cast %add3A_1186 : i32 to index
        %get3A_1188 = tpu.vector_load %arg9[%get3A_1187] {strides = array<i32>} : memref<93312xf32, #tpu.memory_space<vmem>>, vector<16xf32>,
        %get3A_1189 = vector.shape_cast %get3A_1188 : vector<16xf32> to vector<16xf32>
        %get3A_1190 = arith.index_cast %squeeze3A_1177 : i32 to index
        %get3A_1191 = tpu.vector_load %arg9[%get3A_1190] {strides = array<i32>} : memref<93312xf32, #tpu.memory_space<vmem>>, vector<16xf32>,
        %get3A_1192 = vector.shape_cast %get3A_1191 : vector<16xf32> to vector<16xf32>
        %add3A_1193 = arith.constant 16 : i32
        %add3A_1194 = arith.addi %squeeze3A_1177, %add3A_1193 : i32
        %get3A_1195 = arith.index_cast %add3A_1194 : i32 to index
        %get3A_1196 = tpu.vector_load %arg9[%get3A_1195] {strides = array<i32>} : memref<93312xf32, #tpu.memory_space<vmem>>, vector<16xf32>,
        %get3A_1197 = vector.shape_cast %get3A_1196 : vector<16xf32> to vector<16xf32>
        %get3A_1198 = arith.index_cast %squeeze3A_1179 : i32 to index
        %get3A_1199 = tpu.vector_load %arg9[%get3A_1198] {strides = array<i32>} : memref<93312xf32, #tpu.memory_space<vmem>>, vector<16xf32>,
        %get3A_1200 = vector.shape_cast %get3A_1199 : vector<16xf32> to vector<16xf32>
        %add3A_1201 = arith.constant 16 : i32
        %add3A_1202 = arith.addi %squeeze3A_1179, %add3A_1201 : i32
        %get3A_1203 = arith.index_cast %add3A_1202 : i32 to index
        %get3A_1204 = tpu.vector_load %arg9[%get3A_1203] {strides = array<i32>} : memref<93312xf32, #tpu.memory_space<vmem>>, vector<16xf32>,
        %get3A_1205 = vector.shape_cast %get3A_1204 : vector<16xf32> to vector<16xf32>
        %get3A_1206 = arith.index_cast %squeeze3A_1181 : i32 to index
        %get3A_1207 = tpu.vector_load %arg9[%get3A_1206] {strides = array<i32>} : memref<93312xf32, #tpu.memory_space<vmem>>, vector<16xf32>,
        %get3A_1208 = vector.shape_cast %get3A_1207 : vector<16xf32> to vector<16xf32>
        %add3A_1209 = arith.constant 16 : i32
        %add3A_1210 = arith.addi %squeeze3A_1181, %add3A_1209 : i32
        %get3A_1211 = arith.index_cast %add3A_1210 : i32 to index
        %get3A_1212 = tpu.vector_load %arg9[%get3A_1211] {strides = array<i32>} : memref<93312xf32, #tpu.memory_space<vmem>>, vector<16xf32>,
        %get3A_1213 = vector.shape_cast %get3A_1212 : vector<16xf32> to vector<16xf32>
        %add3A_1214 = arith.constant 32 : i32
        %add3A_1215 = arith.addi %squeeze3A_1181, %add3A_1214 : i32
        %get3A_1216 = arith.index_cast %add3A_1215 : i32 to index
        %get3A_1217 = tpu.vector_load %arg9[%get3A_1216] {strides = array<i32>} : memref<93312xf32, #tpu.memory_space<vmem>>, vector<16xf32>,
        %get3A_1218 = vector.shape_cast %get3A_1217 : vector<16xf32> to vector<16xf32>
        %add3A_1219 = arith.constant 48 : i32
        %add3A_1220 = arith.addi %squeeze3A_1181, %add3A_1219 : i32
        %get3A_1221 = arith.index_cast %add3A_1220 : i32 to index
        %get3A_1222 = tpu.vector_load %arg9[%get3A_1221] {strides = array<i32>} : memref<93312xf32, #tpu.memory_space<vmem>>, vector<16xf32>,
        %get3A_1223 = vector.shape_cast %get3A_1222 : vector<16xf32> to vector<16xf32>
        %add3A_1224 = arith.constant 8 : i32
        %add3A_1225 = arith.addi %mul3A_173, %add3A_1224 : i32
        %swap3A_1226 = arith.index_cast %rem3A_89 : i32 to index
        %swap3A_1227 = arith.index_cast %add3A_1225 : i32 to index
        %swap3A_1228 = arith.constant 0 : index
        %swap3A_1229 = tpu.vector_load %arg11[%swap3A_1226, %swap3A_1227, %swap3A_1228] {strides = array<i32>} : memref<2x64x160xf32, #tpu.memory_space<vmem>>, vector<1x1x16xf32>,
        %swap3A_1230 = vector.shape_cast %swap3A_1229 : vector<1x1x16xf32> to vector<16xf32>
        %swap3A_1231 = vector.shape_cast %get3A_1072 : vector<16xf32> to vector<1x1x16xf32>
        tpu.vector_store %arg11[%swap3A_1226, %swap3A_1227, %swap3A_1228], %swap3A_1231 {strides = array<i32>} : memref<2x64x160xf32, #tpu.memory_space<vmem>>, vector<1x1x16xf32>,
        %swap3A_1232 = arith.index_cast %rem3A_89 : i32 to index
        %swap3A_1233 = arith.index_cast %add3A_1225 : i32 to index
        %swap3A_1234 = arith.constant 16 : index
        %swap3A_1235 = tpu.vector_load %arg11[%swap3A_1232, %swap3A_1233, %swap3A_1234] {strides = array<i32>} : memref<2x64x160xf32, #tpu.memory_space<vmem>>, vector<1x1x16xf32>,
        %swap3A_1236 = vector.shape_cast %swap3A_1235 : vector<1x1x16xf32> to vector<16xf32>
        %swap3A_1237 = vector.shape_cast %get3A_1077 : vector<16xf32> to vector<1x1x16xf32>
        tpu.vector_store %arg11[%swap3A_1232, %swap3A_1233, %swap3A_1234], %swap3A_1237 {strides = array<i32>} : memref<2x64x160xf32, #tpu.memory_space<vmem>>, vector<1x1x16xf32>,
        %swap3A_1238 = arith.index_cast %rem3A_89 : i32 to index
        %swap3A_1239 = arith.index_cast %add3A_1225 : i32 to index
        %swap3A_1240 = arith.constant 32 : index
        %swap3A_1241 = tpu.vector_load %arg11[%swap3A_1238, %swap3A_1239, %swap3A_1240] {strides = array<i32>} : memref<2x64x160xf32, #tpu.memory_space<vmem>>, vector<1x1x16xf32>,
        %swap3A_1242 = vector.shape_cast %swap3A_1241 : vector<1x1x16xf32> to vector<16xf32>
        %swap3A_1243 = vector.shape_cast %get3A_1080 : vector<16xf32> to vector<1x1x16xf32>
        tpu.vector_store %arg11[%swap3A_1238, %swap3A_1239, %swap3A_1240], %swap3A_1243 {strides = array<i32>} : memref<2x64x160xf32, #tpu.memory_space<vmem>>, vector<1x1x16xf32>,
        %swap3A_1244 = arith.index_cast %rem3A_89 : i32 to index
        %swap3A_1245 = arith.index_cast %add3A_1225 : i32 to index
        %swap3A_1246 = arith.constant 48 : index
        %swap3A_1247 = tpu.vector_load %arg11[%swap3A_1244, %swap3A_1245, %swap3A_1246] {strides = array<i32>} : memref<2x64x160xf32, #tpu.memory_space<vmem>>, vector<1x1x16xf32>,
        %swap3A_1248 = vector.shape_cast %swap3A_1247 : vector<1x1x16xf32> to vector<16xf32>
        %swap3A_1249 = vector.shape_cast %get3A_1085 : vector<16xf32> to vector<1x1x16xf32>
        tpu.vector_store %arg11[%swap3A_1244, %swap3A_1245, %swap3A_1246], %swap3A_1249 {strides = array<i32>} : memref<2x64x160xf32, #tpu.memory_space<vmem>>, vector<1x1x16xf32>,
        %swap3A_1250 = arith.index_cast %rem3A_89 : i32 to index
        %swap3A_1251 = arith.index_cast %add3A_1225 : i32 to index
        %swap3A_1252 = arith.constant 64 : index
        %swap3A_1253 = tpu.vector_load %arg11[%swap3A_1250, %swap3A_1251, %swap3A_1252] {strides = array<i32>} : memref<2x64x160xf32, #tpu.memory_space<vmem>>, vector<1x1x16xf32>,
        %swap3A_1254 = vector.shape_cast %swap3A_1253 : vector<1x1x16xf32> to vector<16xf32>
        %swap3A_1255 = vector.shape_cast %get3A_1088 : vector<16xf32> to vector<1x1x16xf32>
        tpu.vector_store %arg11[%swap3A_1250, %swap3A_1251, %swap3A_1252], %swap3A_1255 {strides = array<i32>} : memref<2x64x160xf32, #tpu.memory_space<vmem>>, vector<1x1x16xf32>,
        %swap3A_1256 = arith.index_cast %rem3A_89 : i32 to index
        %swap3A_1257 = arith.index_cast %add3A_1225 : i32 to index
        %swap3A_1258 = arith.constant 80 : index
        %swap3A_1259 = tpu.vector_load %arg11[%swap3A_1256, %swap3A_1257, %swap3A_1258] {strides = array<i32>} : memref<2x64x160xf32, #tpu.memory_space<vmem>>, vector<1x1x16xf32>,
        %swap3A_1260 = vector.shape_cast %swap3A_1259 : vector<1x1x16xf32> to vector<16xf32>
        %swap3A_1261 = vector.shape_cast %get3A_1093 : vector<16xf32> to vector<1x1x16xf32>
        tpu.vector_store %arg11[%swap3A_1256, %swap3A_1257, %swap3A_1258], %swap3A_1261 {strides = array<i32>} : memref<2x64x160xf32, #tpu.memory_space<vmem>>, vector<1x1x16xf32>,
        %swap3A_1262 = arith.index_cast %rem3A_89 : i32 to index
        %swap3A_1263 = arith.index_cast %add3A_1225 : i32 to index
        %swap3A_1264 = arith.constant 96 : index
        %swap3A_1265 = tpu.vector_load %arg11[%swap3A_1262, %swap3A_1263, %swap3A_1264] {strides = array<i32>} : memref<2x64x160xf32, #tpu.memory_space<vmem>>, vector<1x1x16xf32>,
        %swap3A_1266 = vector.shape_cast %swap3A_1265 : vector<1x1x16xf32> to vector<16xf32>
        %swap3A_1267 = vector.shape_cast %get3A_1096 : vector<16xf32> to vector<1x1x16xf32>
        tpu.vector_store %arg11[%swap3A_1262, %swap3A_1263, %swap3A_1264], %swap3A_1267 {strides = array<i32>} : memref<2x64x160xf32, #tpu.memory_space<vmem>>, vector<1x1x16xf32>,
        %swap3A_1268 = arith.index_cast %rem3A_89 : i32 to index
        %swap3A_1269 = arith.index_cast %add3A_1225 : i32 to index
        %swap3A_1270 = arith.constant 112 : index
        %swap3A_1271 = tpu.vector_load %arg11[%swap3A_1268, %swap3A_1269, %swap3A_1270] {strides = array<i32>} : memref<2x64x160xf32, #tpu.memory_space<vmem>>, vector<1x1x16xf32>,
        %swap3A_1272 = vector.shape_cast %swap3A_1271 : vector<1x1x16xf32> to vector<16xf32>
        %swap3A_1273 = vector.shape_cast %get3A_1101 : vector<16xf32> to vector<1x1x16xf32>
        tpu.vector_store %arg11[%swap3A_1268, %swap3A_1269, %swap3A_1270], %swap3A_1273 {strides = array<i32>} : memref<2x64x160xf32, #tpu.memory_space<vmem>>, vector<1x1x16xf32>,
        %swap3A_1274 = arith.index_cast %rem3A_89 : i32 to index
        %swap3A_1275 = arith.index_cast %add3A_1225 : i32 to index
        %swap3A_1276 = arith.constant 128 : index
        %swap3A_1277 = tpu.vector_load %arg11[%swap3A_1274, %swap3A_1275, %swap3A_1276] {strides = array<i32>} : memref<2x64x160xf32, #tpu.memory_space<vmem>>, vector<1x1x16xf32>,
        %swap3A_1278 = vector.shape_cast %swap3A_1277 : vector<1x1x16xf32> to vector<16xf32>
        %swap3A_1279 = vector.shape_cast %get3A_1106 : vector<16xf32> to vector<1x1x16xf32>
        tpu.vector_store %arg11[%swap3A_1274, %swap3A_1275, %swap3A_1276], %swap3A_1279 {strides = array<i32>} : memref<2x64x160xf32, #tpu.memory_space<vmem>>, vector<1x1x16xf32>,
        %swap3A_1280 = arith.index_cast %rem3A_89 : i32 to index
        %swap3A_1281 = arith.index_cast %add3A_1225 : i32 to index
        %swap3A_1282 = arith.constant 144 : index
        %swap3A_1283 = tpu.vector_load %arg11[%swap3A_1280, %swap3A_1281, %swap3A_1282] {strides = array<i32>} : memref<2x64x160xf32, #tpu.memory_space<vmem>>, vector<1x1x16xf32>,
        %swap3A_1284 = vector.shape_cast %swap3A_1283 : vector<1x1x16xf32> to vector<16xf32>
        %swap3A_1285 = vector.shape_cast %get3A_1111 : vector<16xf32> to vector<1x1x16xf32>
        tpu.vector_store %arg11[%swap3A_1280, %swap3A_1281, %swap3A_1282], %swap3A_1285 {strides = array<i32>} : memref<2x64x160xf32, #tpu.memory_space<vmem>>, vector<1x1x16xf32>,
        %slice3A_1286 = vector.extract_strided_slice %add3A_184 {offsets = [10], sizes = [1], strides = [1]} : vector<16xi32> to vector<1xi32>
        %squeeze3A_1287 = vector.extract %slice3A_1286[0] : i32 from vector<1xi32>
        %slice3A_1288 = vector.extract_strided_slice %add3A_196 {offsets = [10], sizes = [1], strides = [1]} : vector<16xi32> to vector<1xi32>
        %squeeze3A_1289 = vector.extract %slice3A_1288[0] : i32 from vector<1xi32>
        %slice3A_1290 = vector.extract_strided_slice %add3A_218 {offsets = [10], sizes = [1], strides = [1]} : vector<16xi32> to vector<1xi32>
        %squeeze3A_1291 = vector.extract %slice3A_1290[0] : i32 from vector<1xi32>
        %slice3A_1292 = vector.extract_strided_slice %add3A_230 {offsets = [10], sizes = [1], strides = [1]} : vector<16xi32> to vector<1xi32>
        %squeeze3A_1293 = vector.extract %slice3A_1292[0] : i32 from vector<1xi32>
        %get3A_1294 = arith.index_cast %squeeze3A_1287 : i32 to index
        %get3A_1295 = tpu.vector_load %arg9[%get3A_1294] {strides = array<i32>} : memref<93312xf32, #tpu.memory_space<vmem>>, vector<16xf32>,
        %get3A_1296 = vector.shape_cast %get3A_1295 : vector<16xf32> to vector<16xf32>
        %add3A_1297 = arith.constant 16 : i32
        %add3A_1298 = arith.addi %squeeze3A_1287, %add3A_1297 : i32
        %get3A_1299 = arith.index_cast %add3A_1298 : i32 to index
        %get3A_1300 = tpu.vector_load %arg9[%get3A_1299] {strides = array<i32>} : memref<93312xf32, #tpu.memory_space<vmem>>, vector<16xf32>,
        %get3A_1301 = vector.shape_cast %get3A_1300 : vector<16xf32> to vector<16xf32>
        %get3A_1302 = arith.index_cast %squeeze3A_1289 : i32 to index
        %get3A_1303 = tpu.vector_load %arg9[%get3A_1302] {strides = array<i32>} : memref<93312xf32, #tpu.memory_space<vmem>>, vector<16xf32>,
        %get3A_1304 = vector.shape_cast %get3A_1303 : vector<16xf32> to vector<16xf32>
        %add3A_1305 = arith.constant 16 : i32
        %add3A_1306 = arith.addi %squeeze3A_1289, %add3A_1305 : i32
        %get3A_1307 = arith.index_cast %add3A_1306 : i32 to index
        %get3A_1308 = tpu.vector_load %arg9[%get3A_1307] {strides = array<i32>} : memref<93312xf32, #tpu.memory_space<vmem>>, vector<16xf32>,
        %get3A_1309 = vector.shape_cast %get3A_1308 : vector<16xf32> to vector<16xf32>
        %get3A_1310 = arith.index_cast %squeeze3A_1291 : i32 to index
        %get3A_1311 = tpu.vector_load %arg9[%get3A_1310] {strides = array<i32>} : memref<93312xf32, #tpu.memory_space<vmem>>, vector<16xf32>,
        %get3A_1312 = vector.shape_cast %get3A_1311 : vector<16xf32> to vector<16xf32>
        %add3A_1313 = arith.constant 16 : i32
        %add3A_1314 = arith.addi %squeeze3A_1291, %add3A_1313 : i32
        %get3A_1315 = arith.index_cast %add3A_1314 : i32 to index
        %get3A_1316 = tpu.vector_load %arg9[%get3A_1315] {strides = array<i32>} : memref<93312xf32, #tpu.memory_space<vmem>>, vector<16xf32>,
        %get3A_1317 = vector.shape_cast %get3A_1316 : vector<16xf32> to vector<16xf32>
        %get3A_1318 = arith.index_cast %squeeze3A_1293 : i32 to index
        %get3A_1319 = tpu.vector_load %arg9[%get3A_1318] {strides = array<i32>} : memref<93312xf32, #tpu.memory_space<vmem>>, vector<16xf32>,
        %get3A_1320 = vector.shape_cast %get3A_1319 : vector<16xf32> to vector<16xf32>
        %add3A_1321 = arith.constant 16 : i32
        %add3A_1322 = arith.addi %squeeze3A_1293, %add3A_1321 : i32
        %get3A_1323 = arith.index_cast %add3A_1322 : i32 to index
        %get3A_1324 = tpu.vector_load %arg9[%get3A_1323] {strides = array<i32>} : memref<93312xf32, #tpu.memory_space<vmem>>, vector<16xf32>,
        %get3A_1325 = vector.shape_cast %get3A_1324 : vector<16xf32> to vector<16xf32>
        %add3A_1326 = arith.constant 32 : i32
        %add3A_1327 = arith.addi %squeeze3A_1293, %add3A_1326 : i32
        %get3A_1328 = arith.index_cast %add3A_1327 : i32 to index
        %get3A_1329 = tpu.vector_load %arg9[%get3A_1328] {strides = array<i32>} : memref<93312xf32, #tpu.memory_space<vmem>>, vector<16xf32>,
        %get3A_1330 = vector.shape_cast %get3A_1329 : vector<16xf32> to vector<16xf32>
        %add3A_1331 = arith.constant 48 : i32
        %add3A_1332 = arith.addi %squeeze3A_1293, %add3A_1331 : i32
        %get3A_1333 = arith.index_cast %add3A_1332 : i32 to index
        %get3A_1334 = tpu.vector_load %arg9[%get3A_1333] {strides = array<i32>} : memref<93312xf32, #tpu.memory_space<vmem>>, vector<16xf32>,
        %get3A_1335 = vector.shape_cast %get3A_1334 : vector<16xf32> to vector<16xf32>
        %add3A_1336 = arith.constant 9 : i32
        %add3A_1337 = arith.addi %mul3A_173, %add3A_1336 : i32
        %swap3A_1338 = arith.index_cast %rem3A_89 : i32 to index
        %swap3A_1339 = arith.index_cast %add3A_1337 : i32 to index
        %swap3A_1340 = arith.constant 0 : index
        %swap3A_1341 = tpu.vector_load %arg11[%swap3A_1338, %swap3A_1339, %swap3A_1340] {strides = array<i32>} : memref<2x64x160xf32, #tpu.memory_space<vmem>>, vector<1x1x16xf32>,
        %swap3A_1342 = vector.shape_cast %swap3A_1341 : vector<1x1x16xf32> to vector<16xf32>
        %swap3A_1343 = vector.shape_cast %get3A_1184 : vector<16xf32> to vector<1x1x16xf32>
        tpu.vector_store %arg11[%swap3A_1338, %swap3A_1339, %swap3A_1340], %swap3A_1343 {strides = array<i32>} : memref<2x64x160xf32, #tpu.memory_space<vmem>>, vector<1x1x16xf32>,
        %swap3A_1344 = arith.index_cast %rem3A_89 : i32 to index
        %swap3A_1345 = arith.index_cast %add3A_1337 : i32 to index
        %swap3A_1346 = arith.constant 16 : index
        %swap3A_1347 = tpu.vector_load %arg11[%swap3A_1344, %swap3A_1345, %swap3A_1346] {strides = array<i32>} : memref<2x64x160xf32, #tpu.memory_space<vmem>>, vector<1x1x16xf32>,
        %swap3A_1348 = vector.shape_cast %swap3A_1347 : vector<1x1x16xf32> to vector<16xf32>
        %swap3A_1349 = vector.shape_cast %get3A_1189 : vector<16xf32> to vector<1x1x16xf32>
        tpu.vector_store %arg11[%swap3A_1344, %swap3A_1345, %swap3A_1346], %swap3A_1349 {strides = array<i32>} : memref<2x64x160xf32, #tpu.memory_space<vmem>>, vector<1x1x16xf32>,
        %swap3A_1350 = arith.index_cast %rem3A_89 : i32 to index
        %swap3A_1351 = arith.index_cast %add3A_1337 : i32 to index
        %swap3A_1352 = arith.constant 32 : index
        %swap3A_1353 = tpu.vector_load %arg11[%swap3A_1350, %swap3A_1351, %swap3A_1352] {strides = array<i32>} : memref<2x64x160xf32, #tpu.memory_space<vmem>>, vector<1x1x16xf32>,
        %swap3A_1354 = vector.shape_cast %swap3A_1353 : vector<1x1x16xf32> to vector<16xf32>
        %swap3A_1355 = vector.shape_cast %get3A_1192 : vector<16xf32> to vector<1x1x16xf32>
        tpu.vector_store %arg11[%swap3A_1350, %swap3A_1351, %swap3A_1352], %swap3A_1355 {strides = array<i32>} : memref<2x64x160xf32, #tpu.memory_space<vmem>>, vector<1x1x16xf32>,
        %swap3A_1356 = arith.index_cast %rem3A_89 : i32 to index
        %swap3A_1357 = arith.index_cast %add3A_1337 : i32 to index
        %swap3A_1358 = arith.constant 48 : index
        %swap3A_1359 = tpu.vector_load %arg11[%swap3A_1356, %swap3A_1357, %swap3A_1358] {strides = array<i32>} : memref<2x64x160xf32, #tpu.memory_space<vmem>>, vector<1x1x16xf32>,
        %swap3A_1360 = vector.shape_cast %swap3A_1359 : vector<1x1x16xf32> to vector<16xf32>
        %swap3A_1361 = vector.shape_cast %get3A_1197 : vector<16xf32> to vector<1x1x16xf32>
        tpu.vector_store %arg11[%swap3A_1356, %swap3A_1357, %swap3A_1358], %swap3A_1361 {strides = array<i32>} : memref<2x64x160xf32, #tpu.memory_space<vmem>>, vector<1x1x16xf32>,
        %swap3A_1362 = arith.index_cast %rem3A_89 : i32 to index
        %swap3A_1363 = arith.index_cast %add3A_1337 : i32 to index
        %swap3A_1364 = arith.constant 64 : index
        %swap3A_1365 = tpu.vector_load %arg11[%swap3A_1362, %swap3A_1363, %swap3A_1364] {strides = array<i32>} : memref<2x64x160xf32, #tpu.memory_space<vmem>>, vector<1x1x16xf32>,
        %swap3A_1366 = vector.shape_cast %swap3A_1365 : vector<1x1x16xf32> to vector<16xf32>
        %swap3A_1367 = vector.shape_cast %get3A_1200 : vector<16xf32> to vector<1x1x16xf32>
        tpu.vector_store %arg11[%swap3A_1362, %swap3A_1363, %swap3A_1364], %swap3A_1367 {strides = array<i32>} : memref<2x64x160xf32, #tpu.memory_space<vmem>>, vector<1x1x16xf32>,
        %swap3A_1368 = arith.index_cast %rem3A_89 : i32 to index
        %swap3A_1369 = arith.index_cast %add3A_1337 : i32 to index
        %swap3A_1370 = arith.constant 80 : index
        %swap3A_1371 = tpu.vector_load %arg11[%swap3A_1368, %swap3A_1369, %swap3A_1370] {strides = array<i32>} : memref<2x64x160xf32, #tpu.memory_space<vmem>>, vector<1x1x16xf32>,
        %swap3A_1372 = vector.shape_cast %swap3A_1371 : vector<1x1x16xf32> to vector<16xf32>
        %swap3A_1373 = vector.shape_cast %get3A_1205 : vector<16xf32> to vector<1x1x16xf32>
        tpu.vector_store %arg11[%swap3A_1368, %swap3A_1369, %swap3A_1370], %swap3A_1373 {strides = array<i32>} : memref<2x64x160xf32, #tpu.memory_space<vmem>>, vector<1x1x16xf32>,
        %swap3A_1374 = arith.index_cast %rem3A_89 : i32 to index
        %swap3A_1375 = arith.index_cast %add3A_1337 : i32 to index
        %swap3A_1376 = arith.constant 96 : index
        %swap3A_1377 = tpu.vector_load %arg11[%swap3A_1374, %swap3A_1375, %swap3A_1376] {strides = array<i32>} : memref<2x64x160xf32, #tpu.memory_space<vmem>>, vector<1x1x16xf32>,
        %swap3A_1378 = vector.shape_cast %swap3A_1377 : vector<1x1x16xf32> to vector<16xf32>
        %swap3A_1379 = vector.shape_cast %get3A_1208 : vector<16xf32> to vector<1x1x16xf32>
        tpu.vector_store %arg11[%swap3A_1374, %swap3A_1375, %swap3A_1376], %swap3A_1379 {strides = array<i32>} : memref<2x64x160xf32, #tpu.memory_space<vmem>>, vector<1x1x16xf32>,
        %swap3A_1380 = arith.index_cast %rem3A_89 : i32 to index
        %swap3A_1381 = arith.index_cast %add3A_1337 : i32 to index
        %swap3A_1382 = arith.constant 112 : index
        %swap3A_1383 = tpu.vector_load %arg11[%swap3A_1380, %swap3A_1381, %swap3A_1382] {strides = array<i32>} : memref<2x64x160xf32, #tpu.memory_space<vmem>>, vector<1x1x16xf32>,
        %swap3A_1384 = vector.shape_cast %swap3A_1383 : vector<1x1x16xf32> to vector<16xf32>
        %swap3A_1385 = vector.shape_cast %get3A_1213 : vector<16xf32> to vector<1x1x16xf32>
        tpu.vector_store %arg11[%swap3A_1380, %swap3A_1381, %swap3A_1382], %swap3A_1385 {strides = array<i32>} : memref<2x64x160xf32, #tpu.memory_space<vmem>>, vector<1x1x16xf32>,
        %swap3A_1386 = arith.index_cast %rem3A_89 : i32 to index
        %swap3A_1387 = arith.index_cast %add3A_1337 : i32 to index
        %swap3A_1388 = arith.constant 128 : index
        %swap3A_1389 = tpu.vector_load %arg11[%swap3A_1386, %swap3A_1387, %swap3A_1388] {strides = array<i32>} : memref<2x64x160xf32, #tpu.memory_space<vmem>>, vector<1x1x16xf32>,
        %swap3A_1390 = vector.shape_cast %swap3A_1389 : vector<1x1x16xf32> to vector<16xf32>
        %swap3A_1391 = vector.shape_cast %get3A_1218 : vector<16xf32> to vector<1x1x16xf32>
        tpu.vector_store %arg11[%swap3A_1386, %swap3A_1387, %swap3A_1388], %swap3A_1391 {strides = array<i32>} : memref<2x64x160xf32, #tpu.memory_space<vmem>>, vector<1x1x16xf32>,
        %swap3A_1392 = arith.index_cast %rem3A_89 : i32 to index
        %swap3A_1393 = arith.index_cast %add3A_1337 : i32 to index
        %swap3A_1394 = arith.constant 144 : index
        %swap3A_1395 = tpu.vector_load %arg11[%swap3A_1392, %swap3A_1393, %swap3A_1394] {strides = array<i32>} : memref<2x64x160xf32, #tpu.memory_space<vmem>>, vector<1x1x16xf32>,
        %swap3A_1396 = vector.shape_cast %swap3A_1395 : vector<1x1x16xf32> to vector<16xf32>
        %swap3A_1397 = vector.shape_cast %get3A_1223 : vector<16xf32> to vector<1x1x16xf32>
        tpu.vector_store %arg11[%swap3A_1392, %swap3A_1393, %swap3A_1394], %swap3A_1397 {strides = array<i32>} : memref<2x64x160xf32, #tpu.memory_space<vmem>>, vector<1x1x16xf32>,
        %slice3A_1398 = vector.extract_strided_slice %add3A_184 {offsets = [11], sizes = [1], strides = [1]} : vector<16xi32> to vector<1xi32>
        %squeeze3A_1399 = vector.extract %slice3A_1398[0] : i32 from vector<1xi32>
        %slice3A_1400 = vector.extract_strided_slice %add3A_196 {offsets = [11], sizes = [1], strides = [1]} : vector<16xi32> to vector<1xi32>
        %squeeze3A_1401 = vector.extract %slice3A_1400[0] : i32 from vector<1xi32>
        %slice3A_1402 = vector.extract_strided_slice %add3A_218 {offsets = [11], sizes = [1], strides = [1]} : vector<16xi32> to vector<1xi32>
        %squeeze3A_1403 = vector.extract %slice3A_1402[0] : i32 from vector<1xi32>
        %slice3A_1404 = vector.extract_strided_slice %add3A_230 {offsets = [11], sizes = [1], strides = [1]} : vector<16xi32> to vector<1xi32>
        %squeeze3A_1405 = vector.extract %slice3A_1404[0] : i32 from vector<1xi32>
        %get3A_1406 = arith.index_cast %squeeze3A_1399 : i32 to index
        %get3A_1407 = tpu.vector_load %arg9[%get3A_1406] {strides = array<i32>} : memref<93312xf32, #tpu.memory_space<vmem>>, vector<16xf32>,
        %get3A_1408 = vector.shape_cast %get3A_1407 : vector<16xf32> to vector<16xf32>
        %add3A_1409 = arith.constant 16 : i32
        %add3A_1410 = arith.addi %squeeze3A_1399, %add3A_1409 : i32
        %get3A_1411 = arith.index_cast %add3A_1410 : i32 to index
        %get3A_1412 = tpu.vector_load %arg9[%get3A_1411] {strides = array<i32>} : memref<93312xf32, #tpu.memory_space<vmem>>, vector<16xf32>,
        %get3A_1413 = vector.shape_cast %get3A_1412 : vector<16xf32> to vector<16xf32>
        %get3A_1414 = arith.index_cast %squeeze3A_1401 : i32 to index
        %get3A_1415 = tpu.vector_load %arg9[%get3A_1414] {strides = array<i32>} : memref<93312xf32, #tpu.memory_space<vmem>>, vector<16xf32>,
        %get3A_1416 = vector.shape_cast %get3A_1415 : vector<16xf32> to vector<16xf32>
        %add3A_1417 = arith.constant 16 : i32
        %add3A_1418 = arith.addi %squeeze3A_1401, %add3A_1417 : i32
        %get3A_1419 = arith.index_cast %add3A_1418 : i32 to index
        %get3A_1420 = tpu.vector_load %arg9[%get3A_1419] {strides = array<i32>} : memref<93312xf32, #tpu.memory_space<vmem>>, vector<16xf32>,
        %get3A_1421 = vector.shape_cast %get3A_1420 : vector<16xf32> to vector<16xf32>
        %get3A_1422 = arith.index_cast %squeeze3A_1403 : i32 to index
        %get3A_1423 = tpu.vector_load %arg9[%get3A_1422] {strides = array<i32>} : memref<93312xf32, #tpu.memory_space<vmem>>, vector<16xf32>,
        %get3A_1424 = vector.shape_cast %get3A_1423 : vector<16xf32> to vector<16xf32>
        %add3A_1425 = arith.constant 16 : i32
        %add3A_1426 = arith.addi %squeeze3A_1403, %add3A_1425 : i32
        %get3A_1427 = arith.index_cast %add3A_1426 : i32 to index
        %get3A_1428 = tpu.vector_load %arg9[%get3A_1427] {strides = array<i32>} : memref<93312xf32, #tpu.memory_space<vmem>>, vector<16xf32>,
        %get3A_1429 = vector.shape_cast %get3A_1428 : vector<16xf32> to vector<16xf32>
        %get3A_1430 = arith.index_cast %squeeze3A_1405 : i32 to index
        %get3A_1431 = tpu.vector_load %arg9[%get3A_1430] {strides = array<i32>} : memref<93312xf32, #tpu.memory_space<vmem>>, vector<16xf32>,
        %get3A_1432 = vector.shape_cast %get3A_1431 : vector<16xf32> to vector<16xf32>
        %add3A_1433 = arith.constant 16 : i32
        %add3A_1434 = arith.addi %squeeze3A_1405, %add3A_1433 : i32
        %get3A_1435 = arith.index_cast %add3A_1434 : i32 to index
        %get3A_1436 = tpu.vector_load %arg9[%get3A_1435] {strides = array<i32>} : memref<93312xf32, #tpu.memory_space<vmem>>, vector<16xf32>,
        %get3A_1437 = vector.shape_cast %get3A_1436 : vector<16xf32> to vector<16xf32>
        %add3A_1438 = arith.constant 32 : i32
        %add3A_1439 = arith.addi %squeeze3A_1405, %add3A_1438 : i32
        %get3A_1440 = arith.index_cast %add3A_1439 : i32 to index
        %get3A_1441 = tpu.vector_load %arg9[%get3A_1440] {strides = array<i32>} : memref<93312xf32, #tpu.memory_space<vmem>>, vector<16xf32>,
        %get3A_1442 = vector.shape_cast %get3A_1441 : vector<16xf32> to vector<16xf32>
        %add3A_1443 = arith.constant 48 : i32
        %add3A_1444 = arith.addi %squeeze3A_1405, %add3A_1443 : i32
        %get3A_1445 = arith.index_cast %add3A_1444 : i32 to index
        %get3A_1446 = tpu.vector_load %arg9[%get3A_1445] {strides = array<i32>} : memref<93312xf32, #tpu.memory_space<vmem>>, vector<16xf32>,
        %get3A_1447 = vector.shape_cast %get3A_1446 : vector<16xf32> to vector<16xf32>
        %add3A_1448 = arith.constant 10 : i32
        %add3A_1449 = arith.addi %mul3A_173, %add3A_1448 : i32
        %swap3A_1450 = arith.index_cast %rem3A_89 : i32 to index
        %swap3A_1451 = arith.index_cast %add3A_1449 : i32 to index
        %swap3A_1452 = arith.constant 0 : index
        %swap3A_1453 = tpu.vector_load %arg11[%swap3A_1450, %swap3A_1451, %swap3A_1452] {strides = array<i32>} : memref<2x64x160xf32, #tpu.memory_space<vmem>>, vector<1x1x16xf32>,
        %swap3A_1454 = vector.shape_cast %swap3A_1453 : vector<1x1x16xf32> to vector<16xf32>
        %swap3A_1455 = vector.shape_cast %get3A_1296 : vector<16xf32> to vector<1x1x16xf32>
        tpu.vector_store %arg11[%swap3A_1450, %swap3A_1451, %swap3A_1452], %swap3A_1455 {strides = array<i32>} : memref<2x64x160xf32, #tpu.memory_space<vmem>>, vector<1x1x16xf32>,
        %swap3A_1456 = arith.index_cast %rem3A_89 : i32 to index
        %swap3A_1457 = arith.index_cast %add3A_1449 : i32 to index
        %swap3A_1458 = arith.constant 16 : index
        %swap3A_1459 = tpu.vector_load %arg11[%swap3A_1456, %swap3A_1457, %swap3A_1458] {strides = array<i32>} : memref<2x64x160xf32, #tpu.memory_space<vmem>>, vector<1x1x16xf32>,
        %swap3A_1460 = vector.shape_cast %swap3A_1459 : vector<1x1x16xf32> to vector<16xf32>
        %swap3A_1461 = vector.shape_cast %get3A_1301 : vector<16xf32> to vector<1x1x16xf32>
        tpu.vector_store %arg11[%swap3A_1456, %swap3A_1457, %swap3A_1458], %swap3A_1461 {strides = array<i32>} : memref<2x64x160xf32, #tpu.memory_space<vmem>>, vector<1x1x16xf32>,
        %swap3A_1462 = arith.index_cast %rem3A_89 : i32 to index
        %swap3A_1463 = arith.index_cast %add3A_1449 : i32 to index
        %swap3A_1464 = arith.constant 32 : index
        %swap3A_1465 = tpu.vector_load %arg11[%swap3A_1462, %swap3A_1463, %swap3A_1464] {strides = array<i32>} : memref<2x64x160xf32, #tpu.memory_space<vmem>>, vector<1x1x16xf32>,
        %swap3A_1466 = vector.shape_cast %swap3A_1465 : vector<1x1x16xf32> to vector<16xf32>
        %swap3A_1467 = vector.shape_cast %get3A_1304 : vector<16xf32> to vector<1x1x16xf32>
        tpu.vector_store %arg11[%swap3A_1462, %swap3A_1463, %swap3A_1464], %swap3A_1467 {strides = array<i32>} : memref<2x64x160xf32, #tpu.memory_space<vmem>>, vector<1x1x16xf32>,
        %swap3A_1468 = arith.index_cast %rem3A_89 : i32 to index
        %swap3A_1469 = arith.index_cast %add3A_1449 : i32 to index
        %swap3A_1470 = arith.constant 48 : index
        %swap3A_1471 = tpu.vector_load %arg11[%swap3A_1468, %swap3A_1469, %swap3A_1470] {strides = array<i32>} : memref<2x64x160xf32, #tpu.memory_space<vmem>>, vector<1x1x16xf32>,
        %swap3A_1472 = vector.shape_cast %swap3A_1471 : vector<1x1x16xf32> to vector<16xf32>
        %swap3A_1473 = vector.shape_cast %get3A_1309 : vector<16xf32> to vector<1x1x16xf32>
        tpu.vector_store %arg11[%swap3A_1468, %swap3A_1469, %swap3A_1470], %swap3A_1473 {strides = array<i32>} : memref<2x64x160xf32, #tpu.memory_space<vmem>>, vector<1x1x16xf32>,
        %swap3A_1474 = arith.index_cast %rem3A_89 : i32 to index
        %swap3A_1475 = arith.index_cast %add3A_1449 : i32 to index
        %swap3A_1476 = arith.constant 64 : index
        %swap3A_1477 = tpu.vector_load %arg11[%swap3A_1474, %swap3A_1475, %swap3A_1476] {strides = array<i32>} : memref<2x64x160xf32, #tpu.memory_space<vmem>>, vector<1x1x16xf32>,
        %swap3A_1478 = vector.shape_cast %swap3A_1477 : vector<1x1x16xf32> to vector<16xf32>
        %swap3A_1479 = vector.shape_cast %get3A_1312 : vector<16xf32> to vector<1x1x16xf32>
        tpu.vector_store %arg11[%swap3A_1474, %swap3A_1475, %swap3A_1476], %swap3A_1479 {strides = array<i32>} : memref<2x64x160xf32, #tpu.memory_space<vmem>>, vector<1x1x16xf32>,
        %swap3A_1480 = arith.index_cast %rem3A_89 : i32 to index
        %swap3A_1481 = arith.index_cast %add3A_1449 : i32 to index
        %swap3A_1482 = arith.constant 80 : index
        %swap3A_1483 = tpu.vector_load %arg11[%swap3A_1480, %swap3A_1481, %swap3A_1482] {strides = array<i32>} : memref<2x64x160xf32, #tpu.memory_space<vmem>>, vector<1x1x16xf32>,
        %swap3A_1484 = vector.shape_cast %swap3A_1483 : vector<1x1x16xf32> to vector<16xf32>
        %swap3A_1485 = vector.shape_cast %get3A_1317 : vector<16xf32> to vector<1x1x16xf32>
        tpu.vector_store %arg11[%swap3A_1480, %swap3A_1481, %swap3A_1482], %swap3A_1485 {strides = array<i32>} : memref<2x64x160xf32, #tpu.memory_space<vmem>>, vector<1x1x16xf32>,
        %swap3A_1486 = arith.index_cast %rem3A_89 : i32 to index
        %swap3A_1487 = arith.index_cast %add3A_1449 : i32 to index
        %swap3A_1488 = arith.constant 96 : index
        %swap3A_1489 = tpu.vector_load %arg11[%swap3A_1486, %swap3A_1487, %swap3A_1488] {strides = array<i32>} : memref<2x64x160xf32, #tpu.memory_space<vmem>>, vector<1x1x16xf32>,
        %swap3A_1490 = vector.shape_cast %swap3A_1489 : vector<1x1x16xf32> to vector<16xf32>
        %swap3A_1491 = vector.shape_cast %get3A_1320 : vector<16xf32> to vector<1x1x16xf32>
        tpu.vector_store %arg11[%swap3A_1486, %swap3A_1487, %swap3A_1488], %swap3A_1491 {strides = array<i32>} : memref<2x64x160xf32, #tpu.memory_space<vmem>>, vector<1x1x16xf32>,
        %swap3A_1492 = arith.index_cast %rem3A_89 : i32 to index
        %swap3A_1493 = arith.index_cast %add3A_1449 : i32 to index
        %swap3A_1494 = arith.constant 112 : index
        %swap3A_1495 = tpu.vector_load %arg11[%swap3A_1492, %swap3A_1493, %swap3A_1494] {strides = array<i32>} : memref<2x64x160xf32, #tpu.memory_space<vmem>>, vector<1x1x16xf32>,
        %swap3A_1496 = vector.shape_cast %swap3A_1495 : vector<1x1x16xf32> to vector<16xf32>
        %swap3A_1497 = vector.shape_cast %get3A_1325 : vector<16xf32> to vector<1x1x16xf32>
        tpu.vector_store %arg11[%swap3A_1492, %swap3A_1493, %swap3A_1494], %swap3A_1497 {strides = array<i32>} : memref<2x64x160xf32, #tpu.memory_space<vmem>>, vector<1x1x16xf32>,
        %swap3A_1498 = arith.index_cast %rem3A_89 : i32 to index
        %swap3A_1499 = arith.index_cast %add3A_1449 : i32 to index
        %swap3A_1500 = arith.constant 128 : index
        %swap3A_1501 = tpu.vector_load %arg11[%swap3A_1498, %swap3A_1499, %swap3A_1500] {strides = array<i32>} : memref<2x64x160xf32, #tpu.memory_space<vmem>>, vector<1x1x16xf32>,
        %swap3A_1502 = vector.shape_cast %swap3A_1501 : vector<1x1x16xf32> to vector<16xf32>
        %swap3A_1503 = vector.shape_cast %get3A_1330 : vector<16xf32> to vector<1x1x16xf32>
        tpu.vector_store %arg11[%swap3A_1498, %swap3A_1499, %swap3A_1500], %swap3A_1503 {strides = array<i32>} : memref<2x64x160xf32, #tpu.memory_space<vmem>>, vector<1x1x16xf32>,
        %swap3A_1504 = arith.index_cast %rem3A_89 : i32 to index
        %swap3A_1505 = arith.index_cast %add3A_1449 : i32 to index
        %swap3A_1506 = arith.constant 144 : index
        %swap3A_1507 = tpu.vector_load %arg11[%swap3A_1504, %swap3A_1505, %swap3A_1506] {strides = array<i32>} : memref<2x64x160xf32, #tpu.memory_space<vmem>>, vector<1x1x16xf32>,
        %swap3A_1508 = vector.shape_cast %swap3A_1507 : vector<1x1x16xf32> to vector<16xf32>
        %swap3A_1509 = vector.shape_cast %get3A_1335 : vector<16xf32> to vector<1x1x16xf32>
        tpu.vector_store %arg11[%swap3A_1504, %swap3A_1505, %swap3A_1506], %swap3A_1509 {strides = array<i32>} : memref<2x64x160xf32, #tpu.memory_space<vmem>>, vector<1x1x16xf32>,
        %slice3A_1510 = vector.extract_strided_slice %add3A_184 {offsets = [12], sizes = [1], strides = [1]} : vector<16xi32> to vector<1xi32>
        %squeeze3A_1511 = vector.extract %slice3A_1510[0] : i32 from vector<1xi32>
        %slice3A_1512 = vector.extract_strided_slice %add3A_196 {offsets = [12], sizes = [1], strides = [1]} : vector<16xi32> to vector<1xi32>
        %squeeze3A_1513 = vector.extract %slice3A_1512[0] : i32 from vector<1xi32>
        %slice3A_1514 = vector.extract_strided_slice %add3A_218 {offsets = [12], sizes = [1], strides = [1]} : vector<16xi32> to vector<1xi32>
        %squeeze3A_1515 = vector.extract %slice3A_1514[0] : i32 from vector<1xi32>
        %slice3A_1516 = vector.extract_strided_slice %add3A_230 {offsets = [12], sizes = [1], strides = [1]} : vector<16xi32> to vector<1xi32>
        %squeeze3A_1517 = vector.extract %slice3A_1516[0] : i32 from vector<1xi32>
        %get3A_1518 = arith.index_cast %squeeze3A_1511 : i32 to index
        %get3A_1519 = tpu.vector_load %arg9[%get3A_1518] {strides = array<i32>} : memref<93312xf32, #tpu.memory_space<vmem>>, vector<16xf32>,
        %get3A_1520 = vector.shape_cast %get3A_1519 : vector<16xf32> to vector<16xf32>
        %add3A_1521 = arith.constant 16 : i32
        %add3A_1522 = arith.addi %squeeze3A_1511, %add3A_1521 : i32
        %get3A_1523 = arith.index_cast %add3A_1522 : i32 to index
        %get3A_1524 = tpu.vector_load %arg9[%get3A_1523] {strides = array<i32>} : memref<93312xf32, #tpu.memory_space<vmem>>, vector<16xf32>,
        %get3A_1525 = vector.shape_cast %get3A_1524 : vector<16xf32> to vector<16xf32>
        %get3A_1526 = arith.index_cast %squeeze3A_1513 : i32 to index
        %get3A_1527 = tpu.vector_load %arg9[%get3A_1526] {strides = array<i32>} : memref<93312xf32, #tpu.memory_space<vmem>>, vector<16xf32>,
        %get3A_1528 = vector.shape_cast %get3A_1527 : vector<16xf32> to vector<16xf32>
        %add3A_1529 = arith.constant 16 : i32
        %add3A_1530 = arith.addi %squeeze3A_1513, %add3A_1529 : i32
        %get3A_1531 = arith.index_cast %add3A_1530 : i32 to index
        %get3A_1532 = tpu.vector_load %arg9[%get3A_1531] {strides = array<i32>} : memref<93312xf32, #tpu.memory_space<vmem>>, vector<16xf32>,
        %get3A_1533 = vector.shape_cast %get3A_1532 : vector<16xf32> to vector<16xf32>
        %get3A_1534 = arith.index_cast %squeeze3A_1515 : i32 to index
        %get3A_1535 = tpu.vector_load %arg9[%get3A_1534] {strides = array<i32>} : memref<93312xf32, #tpu.memory_space<vmem>>, vector<16xf32>,
        %get3A_1536 = vector.shape_cast %get3A_1535 : vector<16xf32> to vector<16xf32>
        %add3A_1537 = arith.constant 16 : i32
        %add3A_1538 = arith.addi %squeeze3A_1515, %add3A_1537 : i32
        %get3A_1539 = arith.index_cast %add3A_1538 : i32 to index
        %get3A_1540 = tpu.vector_load %arg9[%get3A_1539] {strides = array<i32>} : memref<93312xf32, #tpu.memory_space<vmem>>, vector<16xf32>,
        %get3A_1541 = vector.shape_cast %get3A_1540 : vector<16xf32> to vector<16xf32>
        %get3A_1542 = arith.index_cast %squeeze3A_1517 : i32 to index
        %get3A_1543 = tpu.vector_load %arg9[%get3A_1542] {strides = array<i32>} : memref<93312xf32, #tpu.memory_space<vmem>>, vector<16xf32>,
        %get3A_1544 = vector.shape_cast %get3A_1543 : vector<16xf32> to vector<16xf32>
        %add3A_1545 = arith.constant 16 : i32
        %add3A_1546 = arith.addi %squeeze3A_1517, %add3A_1545 : i32
        %get3A_1547 = arith.index_cast %add3A_1546 : i32 to index
        %get3A_1548 = tpu.vector_load %arg9[%get3A_1547] {strides = array<i32>} : memref<93312xf32, #tpu.memory_space<vmem>>, vector<16xf32>,
        %get3A_1549 = vector.shape_cast %get3A_1548 : vector<16xf32> to vector<16xf32>
        %add3A_1550 = arith.constant 32 : i32
        %add3A_1551 = arith.addi %squeeze3A_1517, %add3A_1550 : i32
        %get3A_1552 = arith.index_cast %add3A_1551 : i32 to index
        %get3A_1553 = tpu.vector_load %arg9[%get3A_1552] {strides = array<i32>} : memref<93312xf32, #tpu.memory_space<vmem>>, vector<16xf32>,
        %get3A_1554 = vector.shape_cast %get3A_1553 : vector<16xf32> to vector<16xf32>
        %add3A_1555 = arith.constant 48 : i32
        %add3A_1556 = arith.addi %squeeze3A_1517, %add3A_1555 : i32
        %get3A_1557 = arith.index_cast %add3A_1556 : i32 to index
        %get3A_1558 = tpu.vector_load %arg9[%get3A_1557] {strides = array<i32>} : memref<93312xf32, #tpu.memory_space<vmem>>, vector<16xf32>,
        %get3A_1559 = vector.shape_cast %get3A_1558 : vector<16xf32> to vector<16xf32>
        %add3A_1560 = arith.constant 11 : i32
        %add3A_1561 = arith.addi %mul3A_173, %add3A_1560 : i32
        %swap3A_1562 = arith.index_cast %rem3A_89 : i32 to index
        %swap3A_1563 = arith.index_cast %add3A_1561 : i32 to index
        %swap3A_1564 = arith.constant 0 : index
        %swap3A_1565 = tpu.vector_load %arg11[%swap3A_1562, %swap3A_1563, %swap3A_1564] {strides = array<i32>} : memref<2x64x160xf32, #tpu.memory_space<vmem>>, vector<1x1x16xf32>,
        %swap3A_1566 = vector.shape_cast %swap3A_1565 : vector<1x1x16xf32> to vector<16xf32>
        %swap3A_1567 = vector.shape_cast %get3A_1408 : vector<16xf32> to vector<1x1x16xf32>
        tpu.vector_store %arg11[%swap3A_1562, %swap3A_1563, %swap3A_1564], %swap3A_1567 {strides = array<i32>} : memref<2x64x160xf32, #tpu.memory_space<vmem>>, vector<1x1x16xf32>,
        %swap3A_1568 = arith.index_cast %rem3A_89 : i32 to index
        %swap3A_1569 = arith.index_cast %add3A_1561 : i32 to index
        %swap3A_1570 = arith.constant 16 : index
        %swap3A_1571 = tpu.vector_load %arg11[%swap3A_1568, %swap3A_1569, %swap3A_1570] {strides = array<i32>} : memref<2x64x160xf32, #tpu.memory_space<vmem>>, vector<1x1x16xf32>,
        %swap3A_1572 = vector.shape_cast %swap3A_1571 : vector<1x1x16xf32> to vector<16xf32>
        %swap3A_1573 = vector.shape_cast %get3A_1413 : vector<16xf32> to vector<1x1x16xf32>
        tpu.vector_store %arg11[%swap3A_1568, %swap3A_1569, %swap3A_1570], %swap3A_1573 {strides = array<i32>} : memref<2x64x160xf32, #tpu.memory_space<vmem>>, vector<1x1x16xf32>,
        %swap3A_1574 = arith.index_cast %rem3A_89 : i32 to index
        %swap3A_1575 = arith.index_cast %add3A_1561 : i32 to index
        %swap3A_1576 = arith.constant 32 : index
        %swap3A_1577 = tpu.vector_load %arg11[%swap3A_1574, %swap3A_1575, %swap3A_1576] {strides = array<i32>} : memref<2x64x160xf32, #tpu.memory_space<vmem>>, vector<1x1x16xf32>,
        %swap3A_1578 = vector.shape_cast %swap3A_1577 : vector<1x1x16xf32> to vector<16xf32>
        %swap3A_1579 = vector.shape_cast %get3A_1416 : vector<16xf32> to vector<1x1x16xf32>
        tpu.vector_store %arg11[%swap3A_1574, %swap3A_1575, %swap3A_1576], %swap3A_1579 {strides = array<i32>} : memref<2x64x160xf32, #tpu.memory_space<vmem>>, vector<1x1x16xf32>,
        %swap3A_1580 = arith.index_cast %rem3A_89 : i32 to index
        %swap3A_1581 = arith.index_cast %add3A_1561 : i32 to index
        %swap3A_1582 = arith.constant 48 : index
        %swap3A_1583 = tpu.vector_load %arg11[%swap3A_1580, %swap3A_1581, %swap3A_1582] {strides = array<i32>} : memref<2x64x160xf32, #tpu.memory_space<vmem>>, vector<1x1x16xf32>,
        %swap3A_1584 = vector.shape_cast %swap3A_1583 : vector<1x1x16xf32> to vector<16xf32>
        %swap3A_1585 = vector.shape_cast %get3A_1421 : vector<16xf32> to vector<1x1x16xf32>
        tpu.vector_store %arg11[%swap3A_1580, %swap3A_1581, %swap3A_1582], %swap3A_1585 {strides = array<i32>} : memref<2x64x160xf32, #tpu.memory_space<vmem>>, vector<1x1x16xf32>,
        %swap3A_1586 = arith.index_cast %rem3A_89 : i32 to index
        %swap3A_1587 = arith.index_cast %add3A_1561 : i32 to index
        %swap3A_1588 = arith.constant 64 : index
        %swap3A_1589 = tpu.vector_load %arg11[%swap3A_1586, %swap3A_1587, %swap3A_1588] {strides = array<i32>} : memref<2x64x160xf32, #tpu.memory_space<vmem>>, vector<1x1x16xf32>,
        %swap3A_1590 = vector.shape_cast %swap3A_1589 : vector<1x1x16xf32> to vector<16xf32>
        %swap3A_1591 = vector.shape_cast %get3A_1424 : vector<16xf32> to vector<1x1x16xf32>
        tpu.vector_store %arg11[%swap3A_1586, %swap3A_1587, %swap3A_1588], %swap3A_1591 {strides = array<i32>} : memref<2x64x160xf32, #tpu.memory_space<vmem>>, vector<1x1x16xf32>,
        %swap3A_1592 = arith.index_cast %rem3A_89 : i32 to index
        %swap3A_1593 = arith.index_cast %add3A_1561 : i32 to index
        %swap3A_1594 = arith.constant 80 : index
        %swap3A_1595 = tpu.vector_load %arg11[%swap3A_1592, %swap3A_1593, %swap3A_1594] {strides = array<i32>} : memref<2x64x160xf32, #tpu.memory_space<vmem>>, vector<1x1x16xf32>,
        %swap3A_1596 = vector.shape_cast %swap3A_1595 : vector<1x1x16xf32> to vector<16xf32>
        %swap3A_1597 = vector.shape_cast %get3A_1429 : vector<16xf32> to vector<1x1x16xf32>
        tpu.vector_store %arg11[%swap3A_1592, %swap3A_1593, %swap3A_1594], %swap3A_1597 {strides = array<i32>} : memref<2x64x160xf32, #tpu.memory_space<vmem>>, vector<1x1x16xf32>,
        %swap3A_1598 = arith.index_cast %rem3A_89 : i32 to index
        %swap3A_1599 = arith.index_cast %add3A_1561 : i32 to index
        %swap3A_1600 = arith.constant 96 : index
        %swap3A_1601 = tpu.vector_load %arg11[%swap3A_1598, %swap3A_1599, %swap3A_1600] {strides = array<i32>} : memref<2x64x160xf32, #tpu.memory_space<vmem>>, vector<1x1x16xf32>,
        %swap3A_1602 = vector.shape_cast %swap3A_1601 : vector<1x1x16xf32> to vector<16xf32>
        %swap3A_1603 = vector.shape_cast %get3A_1432 : vector<16xf32> to vector<1x1x16xf32>
        tpu.vector_store %arg11[%swap3A_1598, %swap3A_1599, %swap3A_1600], %swap3A_1603 {strides = array<i32>} : memref<2x64x160xf32, #tpu.memory_space<vmem>>, vector<1x1x16xf32>,
        %swap3A_1604 = arith.index_cast %rem3A_89 : i32 to index
        %swap3A_1605 = arith.index_cast %add3A_1561 : i32 to index
        %swap3A_1606 = arith.constant 112 : index
        %swap3A_1607 = tpu.vector_load %arg11[%swap3A_1604, %swap3A_1605, %swap3A_1606] {strides = array<i32>} : memref<2x64x160xf32, #tpu.memory_space<vmem>>, vector<1x1x16xf32>,
        %swap3A_1608 = vector.shape_cast %swap3A_1607 : vector<1x1x16xf32> to vector<16xf32>
        %swap3A_1609 = vector.shape_cast %get3A_1437 : vector<16xf32> to vector<1x1x16xf32>
        tpu.vector_store %arg11[%swap3A_1604, %swap3A_1605, %swap3A_1606], %swap3A_1609 {strides = array<i32>} : memref<2x64x160xf32, #tpu.memory_space<vmem>>, vector<1x1x16xf32>,
        %swap3A_1610 = arith.index_cast %rem3A_89 : i32 to index
        %swap3A_1611 = arith.index_cast %add3A_1561 : i32 to index
        %swap3A_1612 = arith.constant 128 : index
        %swap3A_1613 = tpu.vector_load %arg11[%swap3A_1610, %swap3A_1611, %swap3A_1612] {strides = array<i32>} : memref<2x64x160xf32, #tpu.memory_space<vmem>>, vector<1x1x16xf32>,
        %swap3A_1614 = vector.shape_cast %swap3A_1613 : vector<1x1x16xf32> to vector<16xf32>
        %swap3A_1615 = vector.shape_cast %get3A_1442 : vector<16xf32> to vector<1x1x16xf32>
        tpu.vector_store %arg11[%swap3A_1610, %swap3A_1611, %swap3A_1612], %swap3A_1615 {strides = array<i32>} : memref<2x64x160xf32, #tpu.memory_space<vmem>>, vector<1x1x16xf32>,
        %swap3A_1616 = arith.index_cast %rem3A_89 : i32 to index
        %swap3A_1617 = arith.index_cast %add3A_1561 : i32 to index
        %swap3A_1618 = arith.constant 144 : index
        %swap3A_1619 = tpu.vector_load %arg11[%swap3A_1616, %swap3A_1617, %swap3A_1618] {strides = array<i32>} : memref<2x64x160xf32, #tpu.memory_space<vmem>>, vector<1x1x16xf32>,
        %swap3A_1620 = vector.shape_cast %swap3A_1619 : vector<1x1x16xf32> to vector<16xf32>
        %swap3A_1621 = vector.shape_cast %get3A_1447 : vector<16xf32> to vector<1x1x16xf32>
        tpu.vector_store %arg11[%swap3A_1616, %swap3A_1617, %swap3A_1618], %swap3A_1621 {strides = array<i32>} : memref<2x64x160xf32, #tpu.memory_space<vmem>>, vector<1x1x16xf32>,
        %slice3A_1622 = vector.extract_strided_slice %add3A_184 {offsets = [13], sizes = [1], strides = [1]} : vector<16xi32> to vector<1xi32>
        %squeeze3A_1623 = vector.extract %slice3A_1622[0] : i32 from vector<1xi32>
        %slice3A_1624 = vector.extract_strided_slice %add3A_196 {offsets = [13], sizes = [1], strides = [1]} : vector<16xi32> to vector<1xi32>
        %squeeze3A_1625 = vector.extract %slice3A_1624[0] : i32 from vector<1xi32>
        %slice3A_1626 = vector.extract_strided_slice %add3A_218 {offsets = [13], sizes = [1], strides = [1]} : vector<16xi32> to vector<1xi32>
        %squeeze3A_1627 = vector.extract %slice3A_1626[0] : i32 from vector<1xi32>
        %slice3A_1628 = vector.extract_strided_slice %add3A_230 {offsets = [13], sizes = [1], strides = [1]} : vector<16xi32> to vector<1xi32>
        %squeeze3A_1629 = vector.extract %slice3A_1628[0] : i32 from vector<1xi32>
        %get3A_1630 = arith.index_cast %squeeze3A_1623 : i32 to index
        %get3A_1631 = tpu.vector_load %arg9[%get3A_1630] {strides = array<i32>} : memref<93312xf32, #tpu.memory_space<vmem>>, vector<16xf32>,
        %get3A_1632 = vector.shape_cast %get3A_1631 : vector<16xf32> to vector<16xf32>
        %add3A_1633 = arith.constant 16 : i32
        %add3A_1634 = arith.addi %squeeze3A_1623, %add3A_1633 : i32
        %get3A_1635 = arith.index_cast %add3A_1634 : i32 to index
        %get3A_1636 = tpu.vector_load %arg9[%get3A_1635] {strides = array<i32>} : memref<93312xf32, #tpu.memory_space<vmem>>, vector<16xf32>,
        %get3A_1637 = vector.shape_cast %get3A_1636 : vector<16xf32> to vector<16xf32>
        %get3A_1638 = arith.index_cast %squeeze3A_1625 : i32 to index
        %get3A_1639 = tpu.vector_load %arg9[%get3A_1638] {strides = array<i32>} : memref<93312xf32, #tpu.memory_space<vmem>>, vector<16xf32>,
        %get3A_1640 = vector.shape_cast %get3A_1639 : vector<16xf32> to vector<16xf32>
        %add3A_1641 = arith.constant 16 : i32
        %add3A_1642 = arith.addi %squeeze3A_1625, %add3A_1641 : i32
        %get3A_1643 = arith.index_cast %add3A_1642 : i32 to index
        %get3A_1644 = tpu.vector_load %arg9[%get3A_1643] {strides = array<i32>} : memref<93312xf32, #tpu.memory_space<vmem>>, vector<16xf32>,
        %get3A_1645 = vector.shape_cast %get3A_1644 : vector<16xf32> to vector<16xf32>
        %get3A_1646 = arith.index_cast %squeeze3A_1627 : i32 to index
        %get3A_1647 = tpu.vector_load %arg9[%get3A_1646] {strides = array<i32>} : memref<93312xf32, #tpu.memory_space<vmem>>, vector<16xf32>,
        %get3A_1648 = vector.shape_cast %get3A_1647 : vector<16xf32> to vector<16xf32>
        %add3A_1649 = arith.constant 16 : i32
        %add3A_1650 = arith.addi %squeeze3A_1627, %add3A_1649 : i32
        %get3A_1651 = arith.index_cast %add3A_1650 : i32 to index
        %get3A_1652 = tpu.vector_load %arg9[%get3A_1651] {strides = array<i32>} : memref<93312xf32, #tpu.memory_space<vmem>>, vector<16xf32>,
        %get3A_1653 = vector.shape_cast %get3A_1652 : vector<16xf32> to vector<16xf32>
        %get3A_1654 = arith.index_cast %squeeze3A_1629 : i32 to index
        %get3A_1655 = tpu.vector_load %arg9[%get3A_1654] {strides = array<i32>} : memref<93312xf32, #tpu.memory_space<vmem>>, vector<16xf32>,
        %get3A_1656 = vector.shape_cast %get3A_1655 : vector<16xf32> to vector<16xf32>
        %add3A_1657 = arith.constant 16 : i32
        %add3A_1658 = arith.addi %squeeze3A_1629, %add3A_1657 : i32
        %get3A_1659 = arith.index_cast %add3A_1658 : i32 to index
        %get3A_1660 = tpu.vector_load %arg9[%get3A_1659] {strides = array<i32>} : memref<93312xf32, #tpu.memory_space<vmem>>, vector<16xf32>,
        %get3A_1661 = vector.shape_cast %get3A_1660 : vector<16xf32> to vector<16xf32>
        %add3A_1662 = arith.constant 32 : i32
        %add3A_1663 = arith.addi %squeeze3A_1629, %add3A_1662 : i32
        %get3A_1664 = arith.index_cast %add3A_1663 : i32 to index
        %get3A_1665 = tpu.vector_load %arg9[%get3A_1664] {strides = array<i32>} : memref<93312xf32, #tpu.memory_space<vmem>>, vector<16xf32>,
        %get3A_1666 = vector.shape_cast %get3A_1665 : vector<16xf32> to vector<16xf32>
        %add3A_1667 = arith.constant 48 : i32
        %add3A_1668 = arith.addi %squeeze3A_1629, %add3A_1667 : i32
        %get3A_1669 = arith.index_cast %add3A_1668 : i32 to index
        %get3A_1670 = tpu.vector_load %arg9[%get3A_1669] {strides = array<i32>} : memref<93312xf32, #tpu.memory_space<vmem>>, vector<16xf32>,
        %get3A_1671 = vector.shape_cast %get3A_1670 : vector<16xf32> to vector<16xf32>
        %add3A_1672 = arith.constant 12 : i32
        %add3A_1673 = arith.addi %mul3A_173, %add3A_1672 : i32
        %swap3A_1674 = arith.index_cast %rem3A_89 : i32 to index
        %swap3A_1675 = arith.index_cast %add3A_1673 : i32 to index
        %swap3A_1676 = arith.constant 0 : index
        %swap3A_1677 = tpu.vector_load %arg11[%swap3A_1674, %swap3A_1675, %swap3A_1676] {strides = array<i32>} : memref<2x64x160xf32, #tpu.memory_space<vmem>>, vector<1x1x16xf32>,
        %swap3A_1678 = vector.shape_cast %swap3A_1677 : vector<1x1x16xf32> to vector<16xf32>
        %swap3A_1679 = vector.shape_cast %get3A_1520 : vector<16xf32> to vector<1x1x16xf32>
        tpu.vector_store %arg11[%swap3A_1674, %swap3A_1675, %swap3A_1676], %swap3A_1679 {strides = array<i32>} : memref<2x64x160xf32, #tpu.memory_space<vmem>>, vector<1x1x16xf32>,
        %swap3A_1680 = arith.index_cast %rem3A_89 : i32 to index
        %swap3A_1681 = arith.index_cast %add3A_1673 : i32 to index
        %swap3A_1682 = arith.constant 16 : index
        %swap3A_1683 = tpu.vector_load %arg11[%swap3A_1680, %swap3A_1681, %swap3A_1682] {strides = array<i32>} : memref<2x64x160xf32, #tpu.memory_space<vmem>>, vector<1x1x16xf32>,
        %swap3A_1684 = vector.shape_cast %swap3A_1683 : vector<1x1x16xf32> to vector<16xf32>
        %swap3A_1685 = vector.shape_cast %get3A_1525 : vector<16xf32> to vector<1x1x16xf32>
        tpu.vector_store %arg11[%swap3A_1680, %swap3A_1681, %swap3A_1682], %swap3A_1685 {strides = array<i32>} : memref<2x64x160xf32, #tpu.memory_space<vmem>>, vector<1x1x16xf32>,
        %swap3A_1686 = arith.index_cast %rem3A_89 : i32 to index
        %swap3A_1687 = arith.index_cast %add3A_1673 : i32 to index
        %swap3A_1688 = arith.constant 32 : index
        %swap3A_1689 = tpu.vector_load %arg11[%swap3A_1686, %swap3A_1687, %swap3A_1688] {strides = array<i32>} : memref<2x64x160xf32, #tpu.memory_space<vmem>>, vector<1x1x16xf32>,
        %swap3A_1690 = vector.shape_cast %swap3A_1689 : vector<1x1x16xf32> to vector<16xf32>
        %swap3A_1691 = vector.shape_cast %get3A_1528 : vector<16xf32> to vector<1x1x16xf32>
        tpu.vector_store %arg11[%swap3A_1686, %swap3A_1687, %swap3A_1688], %swap3A_1691 {strides = array<i32>} : memref<2x64x160xf32, #tpu.memory_space<vmem>>, vector<1x1x16xf32>,
        %swap3A_1692 = arith.index_cast %rem3A_89 : i32 to index
        %swap3A_1693 = arith.index_cast %add3A_1673 : i32 to index
        %swap3A_1694 = arith.constant 48 : index
        %swap3A_1695 = tpu.vector_load %arg11[%swap3A_1692, %swap3A_1693, %swap3A_1694] {strides = array<i32>} : memref<2x64x160xf32, #tpu.memory_space<vmem>>, vector<1x1x16xf32>,
        %swap3A_1696 = vector.shape_cast %swap3A_1695 : vector<1x1x16xf32> to vector<16xf32>
        %swap3A_1697 = vector.shape_cast %get3A_1533 : vector<16xf32> to vector<1x1x16xf32>
        tpu.vector_store %arg11[%swap3A_1692, %swap3A_1693, %swap3A_1694], %swap3A_1697 {strides = array<i32>} : memref<2x64x160xf32, #tpu.memory_space<vmem>>, vector<1x1x16xf32>,
        %swap3A_1698 = arith.index_cast %rem3A_89 : i32 to index
        %swap3A_1699 = arith.index_cast %add3A_1673 : i32 to index
        %swap3A_1700 = arith.constant 64 : index
        %swap3A_1701 = tpu.vector_load %arg11[%swap3A_1698, %swap3A_1699, %swap3A_1700] {strides = array<i32>} : memref<2x64x160xf32, #tpu.memory_space<vmem>>, vector<1x1x16xf32>,
        %swap3A_1702 = vector.shape_cast %swap3A_1701 : vector<1x1x16xf32> to vector<16xf32>
        %swap3A_1703 = vector.shape_cast %get3A_1536 : vector<16xf32> to vector<1x1x16xf32>
        tpu.vector_store %arg11[%swap3A_1698, %swap3A_1699, %swap3A_1700], %swap3A_1703 {strides = array<i32>} : memref<2x64x160xf32, #tpu.memory_space<vmem>>, vector<1x1x16xf32>,
        %swap3A_1704 = arith.index_cast %rem3A_89 : i32 to index
        %swap3A_1705 = arith.index_cast %add3A_1673 : i32 to index
        %swap3A_1706 = arith.constant 80 : index
        %swap3A_1707 = tpu.vector_load %arg11[%swap3A_1704, %swap3A_1705, %swap3A_1706] {strides = array<i32>} : memref<2x64x160xf32, #tpu.memory_space<vmem>>, vector<1x1x16xf32>,
        %swap3A_1708 = vector.shape_cast %swap3A_1707 : vector<1x1x16xf32> to vector<16xf32>
        %swap3A_1709 = vector.shape_cast %get3A_1541 : vector<16xf32> to vector<1x1x16xf32>
        tpu.vector_store %arg11[%swap3A_1704, %swap3A_1705, %swap3A_1706], %swap3A_1709 {strides = array<i32>} : memref<2x64x160xf32, #tpu.memory_space<vmem>>, vector<1x1x16xf32>,
        %swap3A_1710 = arith.index_cast %rem3A_89 : i32 to index
        %swap3A_1711 = arith.index_cast %add3A_1673 : i32 to index
        %swap3A_1712 = arith.constant 96 : index
        %swap3A_1713 = tpu.vector_load %arg11[%swap3A_1710, %swap3A_1711, %swap3A_1712] {strides = array<i32>} : memref<2x64x160xf32, #tpu.memory_space<vmem>>, vector<1x1x16xf32>,
        %swap3A_1714 = vector.shape_cast %swap3A_1713 : vector<1x1x16xf32> to vector<16xf32>
        %swap3A_1715 = vector.shape_cast %get3A_1544 : vector<16xf32> to vector<1x1x16xf32>
        tpu.vector_store %arg11[%swap3A_1710, %swap3A_1711, %swap3A_1712], %swap3A_1715 {strides = array<i32>} : memref<2x64x160xf32, #tpu.memory_space<vmem>>, vector<1x1x16xf32>,
        %swap3A_1716 = arith.index_cast %rem3A_89 : i32 to index
        %swap3A_1717 = arith.index_cast %add3A_1673 : i32 to index
        %swap3A_1718 = arith.constant 112 : index
        %swap3A_1719 = tpu.vector_load %arg11[%swap3A_1716, %swap3A_1717, %swap3A_1718] {strides = array<i32>} : memref<2x64x160xf32, #tpu.memory_space<vmem>>, vector<1x1x16xf32>,
        %swap3A_1720 = vector.shape_cast %swap3A_1719 : vector<1x1x16xf32> to vector<16xf32>
        %swap3A_1721 = vector.shape_cast %get3A_1549 : vector<16xf32> to vector<1x1x16xf32>
        tpu.vector_store %arg11[%swap3A_1716, %swap3A_1717, %swap3A_1718], %swap3A_1721 {strides = array<i32>} : memref<2x64x160xf32, #tpu.memory_space<vmem>>, vector<1x1x16xf32>,
        %swap3A_1722 = arith.index_cast %rem3A_89 : i32 to index
        %swap3A_1723 = arith.index_cast %add3A_1673 : i32 to index
        %swap3A_1724 = arith.constant 128 : index
        %swap3A_1725 = tpu.vector_load %arg11[%swap3A_1722, %swap3A_1723, %swap3A_1724] {strides = array<i32>} : memref<2x64x160xf32, #tpu.memory_space<vmem>>, vector<1x1x16xf32>,
        %swap3A_1726 = vector.shape_cast %swap3A_1725 : vector<1x1x16xf32> to vector<16xf32>
        %swap3A_1727 = vector.shape_cast %get3A_1554 : vector<16xf32> to vector<1x1x16xf32>
        tpu.vector_store %arg11[%swap3A_1722, %swap3A_1723, %swap3A_1724], %swap3A_1727 {strides = array<i32>} : memref<2x64x160xf32, #tpu.memory_space<vmem>>, vector<1x1x16xf32>,
        %swap3A_1728 = arith.index_cast %rem3A_89 : i32 to index
        %swap3A_1729 = arith.index_cast %add3A_1673 : i32 to index
        %swap3A_1730 = arith.constant 144 : index
        %swap3A_1731 = tpu.vector_load %arg11[%swap3A_1728, %swap3A_1729, %swap3A_1730] {strides = array<i32>} : memref<2x64x160xf32, #tpu.memory_space<vmem>>, vector<1x1x16xf32>,
        %swap3A_1732 = vector.shape_cast %swap3A_1731 : vector<1x1x16xf32> to vector<16xf32>
        %swap3A_1733 = vector.shape_cast %get3A_1559 : vector<16xf32> to vector<1x1x16xf32>
        tpu.vector_store %arg11[%swap3A_1728, %swap3A_1729, %swap3A_1730], %swap3A_1733 {strides = array<i32>} : memref<2x64x160xf32, #tpu.memory_space<vmem>>, vector<1x1x16xf32>,
        %slice3A_1734 = vector.extract_strided_slice %add3A_184 {offsets = [14], sizes = [1], strides = [1]} : vector<16xi32> to vector<1xi32>
        %squeeze3A_1735 = vector.extract %slice3A_1734[0] : i32 from vector<1xi32>
        %slice3A_1736 = vector.extract_strided_slice %add3A_196 {offsets = [14], sizes = [1], strides = [1]} : vector<16xi32> to vector<1xi32>
        %squeeze3A_1737 = vector.extract %slice3A_1736[0] : i32 from vector<1xi32>
        %slice3A_1738 = vector.extract_strided_slice %add3A_218 {offsets = [14], sizes = [1], strides = [1]} : vector<16xi32> to vector<1xi32>
        %squeeze3A_1739 = vector.extract %slice3A_1738[0] : i32 from vector<1xi32>
        %slice3A_1740 = vector.extract_strided_slice %add3A_230 {offsets = [14], sizes = [1], strides = [1]} : vector<16xi32> to vector<1xi32>
        %squeeze3A_1741 = vector.extract %slice3A_1740[0] : i32 from vector<1xi32>
        %get3A_1742 = arith.index_cast %squeeze3A_1735 : i32 to index
        %get3A_1743 = tpu.vector_load %arg9[%get3A_1742] {strides = array<i32>} : memref<93312xf32, #tpu.memory_space<vmem>>, vector<16xf32>,
        %get3A_1744 = vector.shape_cast %get3A_1743 : vector<16xf32> to vector<16xf32>
        %add3A_1745 = arith.constant 16 : i32
        %add3A_1746 = arith.addi %squeeze3A_1735, %add3A_1745 : i32
        %get3A_1747 = arith.index_cast %add3A_1746 : i32 to index
        %get3A_1748 = tpu.vector_load %arg9[%get3A_1747] {strides = array<i32>} : memref<93312xf32, #tpu.memory_space<vmem>>, vector<16xf32>,
        %get3A_1749 = vector.shape_cast %get3A_1748 : vector<16xf32> to vector<16xf32>
        %get3A_1750 = arith.index_cast %squeeze3A_1737 : i32 to index
        %get3A_1751 = tpu.vector_load %arg9[%get3A_1750] {strides = array<i32>} : memref<93312xf32, #tpu.memory_space<vmem>>, vector<16xf32>,
        %get3A_1752 = vector.shape_cast %get3A_1751 : vector<16xf32> to vector<16xf32>
        %add3A_1753 = arith.constant 16 : i32
        %add3A_1754 = arith.addi %squeeze3A_1737, %add3A_1753 : i32
        %get3A_1755 = arith.index_cast %add3A_1754 : i32 to index
        %get3A_1756 = tpu.vector_load %arg9[%get3A_1755] {strides = array<i32>} : memref<93312xf32, #tpu.memory_space<vmem>>, vector<16xf32>,
        %get3A_1757 = vector.shape_cast %get3A_1756 : vector<16xf32> to vector<16xf32>
        %get3A_1758 = arith.index_cast %squeeze3A_1739 : i32 to index
        %get3A_1759 = tpu.vector_load %arg9[%get3A_1758] {strides = array<i32>} : memref<93312xf32, #tpu.memory_space<vmem>>, vector<16xf32>,
        %get3A_1760 = vector.shape_cast %get3A_1759 : vector<16xf32> to vector<16xf32>
        %add3A_1761 = arith.constant 16 : i32
        %add3A_1762 = arith.addi %squeeze3A_1739, %add3A_1761 : i32
        %get3A_1763 = arith.index_cast %add3A_1762 : i32 to index
        %get3A_1764 = tpu.vector_load %arg9[%get3A_1763] {strides = array<i32>} : memref<93312xf32, #tpu.memory_space<vmem>>, vector<16xf32>,
        %get3A_1765 = vector.shape_cast %get3A_1764 : vector<16xf32> to vector<16xf32>
        %get3A_1766 = arith.index_cast %squeeze3A_1741 : i32 to index
        %get3A_1767 = tpu.vector_load %arg9[%get3A_1766] {strides = array<i32>} : memref<93312xf32, #tpu.memory_space<vmem>>, vector<16xf32>,
        %get3A_1768 = vector.shape_cast %get3A_1767 : vector<16xf32> to vector<16xf32>
        %add3A_1769 = arith.constant 16 : i32
        %add3A_1770 = arith.addi %squeeze3A_1741, %add3A_1769 : i32
        %get3A_1771 = arith.index_cast %add3A_1770 : i32 to index
        %get3A_1772 = tpu.vector_load %arg9[%get3A_1771] {strides = array<i32>} : memref<93312xf32, #tpu.memory_space<vmem>>, vector<16xf32>,
        %get3A_1773 = vector.shape_cast %get3A_1772 : vector<16xf32> to vector<16xf32>
        %add3A_1774 = arith.constant 32 : i32
        %add3A_1775 = arith.addi %squeeze3A_1741, %add3A_1774 : i32
        %get3A_1776 = arith.index_cast %add3A_1775 : i32 to index
        %get3A_1777 = tpu.vector_load %arg9[%get3A_1776] {strides = array<i32>} : memref<93312xf32, #tpu.memory_space<vmem>>, vector<16xf32>,
        %get3A_1778 = vector.shape_cast %get3A_1777 : vector<16xf32> to vector<16xf32>
        %add3A_1779 = arith.constant 48 : i32
        %add3A_1780 = arith.addi %squeeze3A_1741, %add3A_1779 : i32
        %get3A_1781 = arith.index_cast %add3A_1780 : i32 to index
        %get3A_1782 = tpu.vector_load %arg9[%get3A_1781] {strides = array<i32>} : memref<93312xf32, #tpu.memory_space<vmem>>, vector<16xf32>,
        %get3A_1783 = vector.shape_cast %get3A_1782 : vector<16xf32> to vector<16xf32>
        %add3A_1784 = arith.constant 13 : i32
        %add3A_1785 = arith.addi %mul3A_173, %add3A_1784 : i32
        %swap3A_1786 = arith.index_cast %rem3A_89 : i32 to index
        %swap3A_1787 = arith.index_cast %add3A_1785 : i32 to index
        %swap3A_1788 = arith.constant 0 : index
        %swap3A_1789 = tpu.vector_load %arg11[%swap3A_1786, %swap3A_1787, %swap3A_1788] {strides = array<i32>} : memref<2x64x160xf32, #tpu.memory_space<vmem>>, vector<1x1x16xf32>,
        %swap3A_1790 = vector.shape_cast %swap3A_1789 : vector<1x1x16xf32> to vector<16xf32>
        %swap3A_1791 = vector.shape_cast %get3A_1632 : vector<16xf32> to vector<1x1x16xf32>
        tpu.vector_store %arg11[%swap3A_1786, %swap3A_1787, %swap3A_1788], %swap3A_1791 {strides = array<i32>} : memref<2x64x160xf32, #tpu.memory_space<vmem>>, vector<1x1x16xf32>,
        %swap3A_1792 = arith.index_cast %rem3A_89 : i32 to index
        %swap3A_1793 = arith.index_cast %add3A_1785 : i32 to index
        %swap3A_1794 = arith.constant 16 : index
        %swap3A_1795 = tpu.vector_load %arg11[%swap3A_1792, %swap3A_1793, %swap3A_1794] {strides = array<i32>} : memref<2x64x160xf32, #tpu.memory_space<vmem>>, vector<1x1x16xf32>,
        %swap3A_1796 = vector.shape_cast %swap3A_1795 : vector<1x1x16xf32> to vector<16xf32>
        %swap3A_1797 = vector.shape_cast %get3A_1637 : vector<16xf32> to vector<1x1x16xf32>
        tpu.vector_store %arg11[%swap3A_1792, %swap3A_1793, %swap3A_1794], %swap3A_1797 {strides = array<i32>} : memref<2x64x160xf32, #tpu.memory_space<vmem>>, vector<1x1x16xf32>,
        %swap3A_1798 = arith.index_cast %rem3A_89 : i32 to index
        %swap3A_1799 = arith.index_cast %add3A_1785 : i32 to index
        %swap3A_1800 = arith.constant 32 : index
        %swap3A_1801 = tpu.vector_load %arg11[%swap3A_1798, %swap3A_1799, %swap3A_1800] {strides = array<i32>} : memref<2x64x160xf32, #tpu.memory_space<vmem>>, vector<1x1x16xf32>,
        %swap3A_1802 = vector.shape_cast %swap3A_1801 : vector<1x1x16xf32> to vector<16xf32>
        %swap3A_1803 = vector.shape_cast %get3A_1640 : vector<16xf32> to vector<1x1x16xf32>
        tpu.vector_store %arg11[%swap3A_1798, %swap3A_1799, %swap3A_1800], %swap3A_1803 {strides = array<i32>} : memref<2x64x160xf32, #tpu.memory_space<vmem>>, vector<1x1x16xf32>,
        %swap3A_1804 = arith.index_cast %rem3A_89 : i32 to index
        %swap3A_1805 = arith.index_cast %add3A_1785 : i32 to index
        %swap3A_1806 = arith.constant 48 : index
        %swap3A_1807 = tpu.vector_load %arg11[%swap3A_1804, %swap3A_1805, %swap3A_1806] {strides = array<i32>} : memref<2x64x160xf32, #tpu.memory_space<vmem>>, vector<1x1x16xf32>,
        %swap3A_1808 = vector.shape_cast %swap3A_1807 : vector<1x1x16xf32> to vector<16xf32>
        %swap3A_1809 = vector.shape_cast %get3A_1645 : vector<16xf32> to vector<1x1x16xf32>
        tpu.vector_store %arg11[%swap3A_1804, %swap3A_1805, %swap3A_1806], %swap3A_1809 {strides = array<i32>} : memref<2x64x160xf32, #tpu.memory_space<vmem>>, vector<1x1x16xf32>,
        %swap3A_1810 = arith.index_cast %rem3A_89 : i32 to index
        %swap3A_1811 = arith.index_cast %add3A_1785 : i32 to index
        %swap3A_1812 = arith.constant 64 : index
        %swap3A_1813 = tpu.vector_load %arg11[%swap3A_1810, %swap3A_1811, %swap3A_1812] {strides = array<i32>} : memref<2x64x160xf32, #tpu.memory_space<vmem>>, vector<1x1x16xf32>,
        %swap3A_1814 = vector.shape_cast %swap3A_1813 : vector<1x1x16xf32> to vector<16xf32>
        %swap3A_1815 = vector.shape_cast %get3A_1648 : vector<16xf32> to vector<1x1x16xf32>
        tpu.vector_store %arg11[%swap3A_1810, %swap3A_1811, %swap3A_1812], %swap3A_1815 {strides = array<i32>} : memref<2x64x160xf32, #tpu.memory_space<vmem>>, vector<1x1x16xf32>,
        %swap3A_1816 = arith.index_cast %rem3A_89 : i32 to index
        %swap3A_1817 = arith.index_cast %add3A_1785 : i32 to index
        %swap3A_1818 = arith.constant 80 : index
        %swap3A_1819 = tpu.vector_load %arg11[%swap3A_1816, %swap3A_1817, %swap3A_1818] {strides = array<i32>} : memref<2x64x160xf32, #tpu.memory_space<vmem>>, vector<1x1x16xf32>,
        %swap3A_1820 = vector.shape_cast %swap3A_1819 : vector<1x1x16xf32> to vector<16xf32>
        %swap3A_1821 = vector.shape_cast %get3A_1653 : vector<16xf32> to vector<1x1x16xf32>
        tpu.vector_store %arg11[%swap3A_1816, %swap3A_1817, %swap3A_1818], %swap3A_1821 {strides = array<i32>} : memref<2x64x160xf32, #tpu.memory_space<vmem>>, vector<1x1x16xf32>,
        %swap3A_1822 = arith.index_cast %rem3A_89 : i32 to index
        %swap3A_1823 = arith.index_cast %add3A_1785 : i32 to index
        %swap3A_1824 = arith.constant 96 : index
        %swap3A_1825 = tpu.vector_load %arg11[%swap3A_1822, %swap3A_1823, %swap3A_1824] {strides = array<i32>} : memref<2x64x160xf32, #tpu.memory_space<vmem>>, vector<1x1x16xf32>,
        %swap3A_1826 = vector.shape_cast %swap3A_1825 : vector<1x1x16xf32> to vector<16xf32>
        %swap3A_1827 = vector.shape_cast %get3A_1656 : vector<16xf32> to vector<1x1x16xf32>
        tpu.vector_store %arg11[%swap3A_1822, %swap3A_1823, %swap3A_1824], %swap3A_1827 {strides = array<i32>} : memref<2x64x160xf32, #tpu.memory_space<vmem>>, vector<1x1x16xf32>,
        %swap3A_1828 = arith.index_cast %rem3A_89 : i32 to index
        %swap3A_1829 = arith.index_cast %add3A_1785 : i32 to index
        %swap3A_1830 = arith.constant 112 : index
        %swap3A_1831 = tpu.vector_load %arg11[%swap3A_1828, %swap3A_1829, %swap3A_1830] {strides = array<i32>} : memref<2x64x160xf32, #tpu.memory_space<vmem>>, vector<1x1x16xf32>,
        %swap3A_1832 = vector.shape_cast %swap3A_1831 : vector<1x1x16xf32> to vector<16xf32>
        %swap3A_1833 = vector.shape_cast %get3A_1661 : vector<16xf32> to vector<1x1x16xf32>
        tpu.vector_store %arg11[%swap3A_1828, %swap3A_1829, %swap3A_1830], %swap3A_1833 {strides = array<i32>} : memref<2x64x160xf32, #tpu.memory_space<vmem>>, vector<1x1x16xf32>,
        %swap3A_1834 = arith.index_cast %rem3A_89 : i32 to index
        %swap3A_1835 = arith.index_cast %add3A_1785 : i32 to index
        %swap3A_1836 = arith.constant 128 : index
        %swap3A_1837 = tpu.vector_load %arg11[%swap3A_1834, %swap3A_1835, %swap3A_1836] {strides = array<i32>} : memref<2x64x160xf32, #tpu.memory_space<vmem>>, vector<1x1x16xf32>,
        %swap3A_1838 = vector.shape_cast %swap3A_1837 : vector<1x1x16xf32> to vector<16xf32>
        %swap3A_1839 = vector.shape_cast %get3A_1666 : vector<16xf32> to vector<1x1x16xf32>
        tpu.vector_store %arg11[%swap3A_1834, %swap3A_1835, %swap3A_1836], %swap3A_1839 {strides = array<i32>} : memref<2x64x160xf32, #tpu.memory_space<vmem>>, vector<1x1x16xf32>,
        %swap3A_1840 = arith.index_cast %rem3A_89 : i32 to index
        %swap3A_1841 = arith.index_cast %add3A_1785 : i32 to index
        %swap3A_1842 = arith.constant 144 : index
        %swap3A_1843 = tpu.vector_load %arg11[%swap3A_1840, %swap3A_1841, %swap3A_1842] {strides = array<i32>} : memref<2x64x160xf32, #tpu.memory_space<vmem>>, vector<1x1x16xf32>,
        %swap3A_1844 = vector.shape_cast %swap3A_1843 : vector<1x1x16xf32> to vector<16xf32>
        %swap3A_1845 = vector.shape_cast %get3A_1671 : vector<16xf32> to vector<1x1x16xf32>
        tpu.vector_store %arg11[%swap3A_1840, %swap3A_1841, %swap3A_1842], %swap3A_1845 {strides = array<i32>} : memref<2x64x160xf32, #tpu.memory_space<vmem>>, vector<1x1x16xf32>,
        %slice3A_1846 = vector.extract_strided_slice %add3A_184 {offsets = [15], sizes = [1], strides = [1]} : vector<16xi32> to vector<1xi32>
        %squeeze3A_1847 = vector.extract %slice3A_1846[0] : i32 from vector<1xi32>
        %slice3A_1848 = vector.extract_strided_slice %add3A_196 {offsets = [15], sizes = [1], strides = [1]} : vector<16xi32> to vector<1xi32>
        %squeeze3A_1849 = vector.extract %slice3A_1848[0] : i32 from vector<1xi32>
        %slice3A_1850 = vector.extract_strided_slice %add3A_218 {offsets = [15], sizes = [1], strides = [1]} : vector<16xi32> to vector<1xi32>
        %squeeze3A_1851 = vector.extract %slice3A_1850[0] : i32 from vector<1xi32>
        %slice3A_1852 = vector.extract_strided_slice %add3A_230 {offsets = [15], sizes = [1], strides = [1]} : vector<16xi32> to vector<1xi32>
        %squeeze3A_1853 = vector.extract %slice3A_1852[0] : i32 from vector<1xi32>
        %get3A_1854 = arith.index_cast %squeeze3A_1847 : i32 to index
        %get3A_1855 = tpu.vector_load %arg9[%get3A_1854] {strides = array<i32>} : memref<93312xf32, #tpu.memory_space<vmem>>, vector<16xf32>,
        %get3A_1856 = vector.shape_cast %get3A_1855 : vector<16xf32> to vector<16xf32>
        %add3A_1857 = arith.constant 16 : i32
        %add3A_1858 = arith.addi %squeeze3A_1847, %add3A_1857 : i32
        %get3A_1859 = arith.index_cast %add3A_1858 : i32 to index
        %get3A_1860 = tpu.vector_load %arg9[%get3A_1859] {strides = array<i32>} : memref<93312xf32, #tpu.memory_space<vmem>>, vector<16xf32>,
        %get3A_1861 = vector.shape_cast %get3A_1860 : vector<16xf32> to vector<16xf32>
        %get3A_1862 = arith.index_cast %squeeze3A_1849 : i32 to index
        %get3A_1863 = tpu.vector_load %arg9[%get3A_1862] {strides = array<i32>} : memref<93312xf32, #tpu.memory_space<vmem>>, vector<16xf32>,
        %get3A_1864 = vector.shape_cast %get3A_1863 : vector<16xf32> to vector<16xf32>
        %add3A_1865 = arith.constant 16 : i32
        %add3A_1866 = arith.addi %squeeze3A_1849, %add3A_1865 : i32
        %get3A_1867 = arith.index_cast %add3A_1866 : i32 to index
        %get3A_1868 = tpu.vector_load %arg9[%get3A_1867] {strides = array<i32>} : memref<93312xf32, #tpu.memory_space<vmem>>, vector<16xf32>,
        %get3A_1869 = vector.shape_cast %get3A_1868 : vector<16xf32> to vector<16xf32>
        %get3A_1870 = arith.index_cast %squeeze3A_1851 : i32 to index
        %get3A_1871 = tpu.vector_load %arg9[%get3A_1870] {strides = array<i32>} : memref<93312xf32, #tpu.memory_space<vmem>>, vector<16xf32>,
        %get3A_1872 = vector.shape_cast %get3A_1871 : vector<16xf32> to vector<16xf32>
        %add3A_1873 = arith.constant 16 : i32
        %add3A_1874 = arith.addi %squeeze3A_1851, %add3A_1873 : i32
        %get3A_1875 = arith.index_cast %add3A_1874 : i32 to index
        %get3A_1876 = tpu.vector_load %arg9[%get3A_1875] {strides = array<i32>} : memref<93312xf32, #tpu.memory_space<vmem>>, vector<16xf32>,
        %get3A_1877 = vector.shape_cast %get3A_1876 : vector<16xf32> to vector<16xf32>
        %get3A_1878 = arith.index_cast %squeeze3A_1853 : i32 to index
        %get3A_1879 = tpu.vector_load %arg9[%get3A_1878] {strides = array<i32>} : memref<93312xf32, #tpu.memory_space<vmem>>, vector<16xf32>,
        %get3A_1880 = vector.shape_cast %get3A_1879 : vector<16xf32> to vector<16xf32>
        %add3A_1881 = arith.constant 16 : i32
        %add3A_1882 = arith.addi %squeeze3A_1853, %add3A_1881 : i32
        %get3A_1883 = arith.index_cast %add3A_1882 : i32 to index
        %get3A_1884 = tpu.vector_load %arg9[%get3A_1883] {strides = array<i32>} : memref<93312xf32, #tpu.memory_space<vmem>>, vector<16xf32>,
        %get3A_1885 = vector.shape_cast %get3A_1884 : vector<16xf32> to vector<16xf32>
        %add3A_1886 = arith.constant 32 : i32
        %add3A_1887 = arith.addi %squeeze3A_1853, %add3A_1886 : i32
        %get3A_1888 = arith.index_cast %add3A_1887 : i32 to index
        %get3A_1889 = tpu.vector_load %arg9[%get3A_1888] {strides = array<i32>} : memref<93312xf32, #tpu.memory_space<vmem>>, vector<16xf32>,
        %get3A_1890 = vector.shape_cast %get3A_1889 : vector<16xf32> to vector<16xf32>
        %add3A_1891 = arith.constant 48 : i32
        %add3A_1892 = arith.addi %squeeze3A_1853, %add3A_1891 : i32
        %get3A_1893 = arith.index_cast %add3A_1892 : i32 to index
        %get3A_1894 = tpu.vector_load %arg9[%get3A_1893] {strides = array<i32>} : memref<93312xf32, #tpu.memory_space<vmem>>, vector<16xf32>,
        %get3A_1895 = vector.shape_cast %get3A_1894 : vector<16xf32> to vector<16xf32>
        %add3A_1896 = arith.constant 14 : i32
        %add3A_1897 = arith.addi %mul3A_173, %add3A_1896 : i32
        %swap3A_1898 = arith.index_cast %rem3A_89 : i32 to index
        %swap3A_1899 = arith.index_cast %add3A_1897 : i32 to index
        %swap3A_1900 = arith.constant 0 : index
        %swap3A_1901 = tpu.vector_load %arg11[%swap3A_1898, %swap3A_1899, %swap3A_1900] {strides = array<i32>} : memref<2x64x160xf32, #tpu.memory_space<vmem>>, vector<1x1x16xf32>,
        %swap3A_1902 = vector.shape_cast %swap3A_1901 : vector<1x1x16xf32> to vector<16xf32>
        %swap3A_1903 = vector.shape_cast %get3A_1744 : vector<16xf32> to vector<1x1x16xf32>
        tpu.vector_store %arg11[%swap3A_1898, %swap3A_1899, %swap3A_1900], %swap3A_1903 {strides = array<i32>} : memref<2x64x160xf32, #tpu.memory_space<vmem>>, vector<1x1x16xf32>,
        %swap3A_1904 = arith.index_cast %rem3A_89 : i32 to index
        %swap3A_1905 = arith.index_cast %add3A_1897 : i32 to index
        %swap3A_1906 = arith.constant 16 : index
        %swap3A_1907 = tpu.vector_load %arg11[%swap3A_1904, %swap3A_1905, %swap3A_1906] {strides = array<i32>} : memref<2x64x160xf32, #tpu.memory_space<vmem>>, vector<1x1x16xf32>,
        %swap3A_1908 = vector.shape_cast %swap3A_1907 : vector<1x1x16xf32> to vector<16xf32>
        %swap3A_1909 = vector.shape_cast %get3A_1749 : vector<16xf32> to vector<1x1x16xf32>
        tpu.vector_store %arg11[%swap3A_1904, %swap3A_1905, %swap3A_1906], %swap3A_1909 {strides = array<i32>} : memref<2x64x160xf32, #tpu.memory_space<vmem>>, vector<1x1x16xf32>,
        %swap3A_1910 = arith.index_cast %rem3A_89 : i32 to index
        %swap3A_1911 = arith.index_cast %add3A_1897 : i32 to index
        %swap3A_1912 = arith.constant 32 : index
        %swap3A_1913 = tpu.vector_load %arg11[%swap3A_1910, %swap3A_1911, %swap3A_1912] {strides = array<i32>} : memref<2x64x160xf32, #tpu.memory_space<vmem>>, vector<1x1x16xf32>,
        %swap3A_1914 = vector.shape_cast %swap3A_1913 : vector<1x1x16xf32> to vector<16xf32>
        %swap3A_1915 = vector.shape_cast %get3A_1752 : vector<16xf32> to vector<1x1x16xf32>
        tpu.vector_store %arg11[%swap3A_1910, %swap3A_1911, %swap3A_1912], %swap3A_1915 {strides = array<i32>} : memref<2x64x160xf32, #tpu.memory_space<vmem>>, vector<1x1x16xf32>,
        %swap3A_1916 = arith.index_cast %rem3A_89 : i32 to index
        %swap3A_1917 = arith.index_cast %add3A_1897 : i32 to index
        %swap3A_1918 = arith.constant 48 : index
        %swap3A_1919 = tpu.vector_load %arg11[%swap3A_1916, %swap3A_1917, %swap3A_1918] {strides = array<i32>} : memref<2x64x160xf32, #tpu.memory_space<vmem>>, vector<1x1x16xf32>,
        %swap3A_1920 = vector.shape_cast %swap3A_1919 : vector<1x1x16xf32> to vector<16xf32>
        %swap3A_1921 = vector.shape_cast %get3A_1757 : vector<16xf32> to vector<1x1x16xf32>
        tpu.vector_store %arg11[%swap3A_1916, %swap3A_1917, %swap3A_1918], %swap3A_1921 {strides = array<i32>} : memref<2x64x160xf32, #tpu.memory_space<vmem>>, vector<1x1x16xf32>,
        %swap3A_1922 = arith.index_cast %rem3A_89 : i32 to index
        %swap3A_1923 = arith.index_cast %add3A_1897 : i32 to index
        %swap3A_1924 = arith.constant 64 : index
        %swap3A_1925 = tpu.vector_load %arg11[%swap3A_1922, %swap3A_1923, %swap3A_1924] {strides = array<i32>} : memref<2x64x160xf32, #tpu.memory_space<vmem>>, vector<1x1x16xf32>,
        %swap3A_1926 = vector.shape_cast %swap3A_1925 : vector<1x1x16xf32> to vector<16xf32>
        %swap3A_1927 = vector.shape_cast %get3A_1760 : vector<16xf32> to vector<1x1x16xf32>
        tpu.vector_store %arg11[%swap3A_1922, %swap3A_1923, %swap3A_1924], %swap3A_1927 {strides = array<i32>} : memref<2x64x160xf32, #tpu.memory_space<vmem>>, vector<1x1x16xf32>,
        %swap3A_1928 = arith.index_cast %rem3A_89 : i32 to index
        %swap3A_1929 = arith.index_cast %add3A_1897 : i32 to index
        %swap3A_1930 = arith.constant 80 : index
        %swap3A_1931 = tpu.vector_load %arg11[%swap3A_1928, %swap3A_1929, %swap3A_1930] {strides = array<i32>} : memref<2x64x160xf32, #tpu.memory_space<vmem>>, vector<1x1x16xf32>,
        %swap3A_1932 = vector.shape_cast %swap3A_1931 : vector<1x1x16xf32> to vector<16xf32>
        %swap3A_1933 = vector.shape_cast %get3A_1765 : vector<16xf32> to vector<1x1x16xf32>
        tpu.vector_store %arg11[%swap3A_1928, %swap3A_1929, %swap3A_1930], %swap3A_1933 {strides = array<i32>} : memref<2x64x160xf32, #tpu.memory_space<vmem>>, vector<1x1x16xf32>,
        %swap3A_1934 = arith.index_cast %rem3A_89 : i32 to index
        %swap3A_1935 = arith.index_cast %add3A_1897 : i32 to index
        %swap3A_1936 = arith.constant 96 : index
        %swap3A_1937 = tpu.vector_load %arg11[%swap3A_1934, %swap3A_1935, %swap3A_1936] {strides = array<i32>} : memref<2x64x160xf32, #tpu.memory_space<vmem>>, vector<1x1x16xf32>,
        %swap3A_1938 = vector.shape_cast %swap3A_1937 : vector<1x1x16xf32> to vector<16xf32>
        %swap3A_1939 = vector.shape_cast %get3A_1768 : vector<16xf32> to vector<1x1x16xf32>
        tpu.vector_store %arg11[%swap3A_1934, %swap3A_1935, %swap3A_1936], %swap3A_1939 {strides = array<i32>} : memref<2x64x160xf32, #tpu.memory_space<vmem>>, vector<1x1x16xf32>,
        %swap3A_1940 = arith.index_cast %rem3A_89 : i32 to index
        %swap3A_1941 = arith.index_cast %add3A_1897 : i32 to index
        %swap3A_1942 = arith.constant 112 : index
        %swap3A_1943 = tpu.vector_load %arg11[%swap3A_1940, %swap3A_1941, %swap3A_1942] {strides = array<i32>} : memref<2x64x160xf32, #tpu.memory_space<vmem>>, vector<1x1x16xf32>,
        %swap3A_1944 = vector.shape_cast %swap3A_1943 : vector<1x1x16xf32> to vector<16xf32>
        %swap3A_1945 = vector.shape_cast %get3A_1773 : vector<16xf32> to vector<1x1x16xf32>
        tpu.vector_store %arg11[%swap3A_1940, %swap3A_1941, %swap3A_1942], %swap3A_1945 {strides = array<i32>} : memref<2x64x160xf32, #tpu.memory_space<vmem>>, vector<1x1x16xf32>,
        %swap3A_1946 = arith.index_cast %rem3A_89 : i32 to index
        %swap3A_1947 = arith.index_cast %add3A_1897 : i32 to index
        %swap3A_1948 = arith.constant 128 : index
        %swap3A_1949 = tpu.vector_load %arg11[%swap3A_1946, %swap3A_1947, %swap3A_1948] {strides = array<i32>} : memref<2x64x160xf32, #tpu.memory_space<vmem>>, vector<1x1x16xf32>,
        %swap3A_1950 = vector.shape_cast %swap3A_1949 : vector<1x1x16xf32> to vector<16xf32>
        %swap3A_1951 = vector.shape_cast %get3A_1778 : vector<16xf32> to vector<1x1x16xf32>
        tpu.vector_store %arg11[%swap3A_1946, %swap3A_1947, %swap3A_1948], %swap3A_1951 {strides = array<i32>} : memref<2x64x160xf32, #tpu.memory_space<vmem>>, vector<1x1x16xf32>,
        %swap3A_1952 = arith.index_cast %rem3A_89 : i32 to index
        %swap3A_1953 = arith.index_cast %add3A_1897 : i32 to index
        %swap3A_1954 = arith.constant 144 : index
        %swap3A_1955 = tpu.vector_load %arg11[%swap3A_1952, %swap3A_1953, %swap3A_1954] {strides = array<i32>} : memref<2x64x160xf32, #tpu.memory_space<vmem>>, vector<1x1x16xf32>,
        %swap3A_1956 = vector.shape_cast %swap3A_1955 : vector<1x1x16xf32> to vector<16xf32>
        %swap3A_1957 = vector.shape_cast %get3A_1783 : vector<16xf32> to vector<1x1x16xf32>
        tpu.vector_store %arg11[%swap3A_1952, %swap3A_1953, %swap3A_1954], %swap3A_1957 {strides = array<i32>} : memref<2x64x160xf32, #tpu.memory_space<vmem>>, vector<1x1x16xf32>,
        %add3A_1958 = arith.constant 15 : i32
        %add3A_1959 = arith.addi %mul3A_173, %add3A_1958 : i32
        %swap3A_1960 = arith.index_cast %rem3A_89 : i32 to index
        %swap3A_1961 = arith.index_cast %add3A_1959 : i32 to index
        %swap3A_1962 = arith.constant 0 : index
        %swap3A_1963 = tpu.vector_load %arg11[%swap3A_1960, %swap3A_1961, %swap3A_1962] {strides = array<i32>} : memref<2x64x160xf32, #tpu.memory_space<vmem>>, vector<1x1x16xf32>,
        %swap3A_1964 = vector.shape_cast %swap3A_1963 : vector<1x1x16xf32> to vector<16xf32>
        %swap3A_1965 = vector.shape_cast %get3A_1856 : vector<16xf32> to vector<1x1x16xf32>
        tpu.vector_store %arg11[%swap3A_1960, %swap3A_1961, %swap3A_1962], %swap3A_1965 {strides = array<i32>} : memref<2x64x160xf32, #tpu.memory_space<vmem>>, vector<1x1x16xf32>,
        %swap3A_1966 = arith.index_cast %rem3A_89 : i32 to index
        %swap3A_1967 = arith.index_cast %add3A_1959 : i32 to index
        %swap3A_1968 = arith.constant 16 : index
        %swap3A_1969 = tpu.vector_load %arg11[%swap3A_1966, %swap3A_1967, %swap3A_1968] {strides = array<i32>} : memref<2x64x160xf32, #tpu.memory_space<vmem>>, vector<1x1x16xf32>,
        %swap3A_1970 = vector.shape_cast %swap3A_1969 : vector<1x1x16xf32> to vector<16xf32>
        %swap3A_1971 = vector.shape_cast %get3A_1861 : vector<16xf32> to vector<1x1x16xf32>
        tpu.vector_store %arg11[%swap3A_1966, %swap3A_1967, %swap3A_1968], %swap3A_1971 {strides = array<i32>} : memref<2x64x160xf32, #tpu.memory_space<vmem>>, vector<1x1x16xf32>,
        %swap3A_1972 = arith.index_cast %rem3A_89 : i32 to index
        %swap3A_1973 = arith.index_cast %add3A_1959 : i32 to index
        %swap3A_1974 = arith.constant 32 : index
        %swap3A_1975 = tpu.vector_load %arg11[%swap3A_1972, %swap3A_1973, %swap3A_1974] {strides = array<i32>} : memref<2x64x160xf32, #tpu.memory_space<vmem>>, vector<1x1x16xf32>,
        %swap3A_1976 = vector.shape_cast %swap3A_1975 : vector<1x1x16xf32> to vector<16xf32>
        %swap3A_1977 = vector.shape_cast %get3A_1864 : vector<16xf32> to vector<1x1x16xf32>
        tpu.vector_store %arg11[%swap3A_1972, %swap3A_1973, %swap3A_1974], %swap3A_1977 {strides = array<i32>} : memref<2x64x160xf32, #tpu.memory_space<vmem>>, vector<1x1x16xf32>,
        %swap3A_1978 = arith.index_cast %rem3A_89 : i32 to index
        %swap3A_1979 = arith.index_cast %add3A_1959 : i32 to index
        %swap3A_1980 = arith.constant 48 : index
        %swap3A_1981 = tpu.vector_load %arg11[%swap3A_1978, %swap3A_1979, %swap3A_1980] {strides = array<i32>} : memref<2x64x160xf32, #tpu.memory_space<vmem>>, vector<1x1x16xf32>,
        %swap3A_1982 = vector.shape_cast %swap3A_1981 : vector<1x1x16xf32> to vector<16xf32>
        %swap3A_1983 = vector.shape_cast %get3A_1869 : vector<16xf32> to vector<1x1x16xf32>
        tpu.vector_store %arg11[%swap3A_1978, %swap3A_1979, %swap3A_1980], %swap3A_1983 {strides = array<i32>} : memref<2x64x160xf32, #tpu.memory_space<vmem>>, vector<1x1x16xf32>,
        %swap3A_1984 = arith.index_cast %rem3A_89 : i32 to index
        %swap3A_1985 = arith.index_cast %add3A_1959 : i32 to index
        %swap3A_1986 = arith.constant 64 : index
        %swap3A_1987 = tpu.vector_load %arg11[%swap3A_1984, %swap3A_1985, %swap3A_1986] {strides = array<i32>} : memref<2x64x160xf32, #tpu.memory_space<vmem>>, vector<1x1x16xf32>,
        %swap3A_1988 = vector.shape_cast %swap3A_1987 : vector<1x1x16xf32> to vector<16xf32>
        %swap3A_1989 = vector.shape_cast %get3A_1872 : vector<16xf32> to vector<1x1x16xf32>
        tpu.vector_store %arg11[%swap3A_1984, %swap3A_1985, %swap3A_1986], %swap3A_1989 {strides = array<i32>} : memref<2x64x160xf32, #tpu.memory_space<vmem>>, vector<1x1x16xf32>,
        %swap3A_1990 = arith.index_cast %rem3A_89 : i32 to index
        %swap3A_1991 = arith.index_cast %add3A_1959 : i32 to index
        %swap3A_1992 = arith.constant 80 : index
        %swap3A_1993 = tpu.vector_load %arg11[%swap3A_1990, %swap3A_1991, %swap3A_1992] {strides = array<i32>} : memref<2x64x160xf32, #tpu.memory_space<vmem>>, vector<1x1x16xf32>,
        %swap3A_1994 = vector.shape_cast %swap3A_1993 : vector<1x1x16xf32> to vector<16xf32>
        %swap3A_1995 = vector.shape_cast %get3A_1877 : vector<16xf32> to vector<1x1x16xf32>
        tpu.vector_store %arg11[%swap3A_1990, %swap3A_1991, %swap3A_1992], %swap3A_1995 {strides = array<i32>} : memref<2x64x160xf32, #tpu.memory_space<vmem>>, vector<1x1x16xf32>,
        %swap3A_1996 = arith.index_cast %rem3A_89 : i32 to index
        %swap3A_1997 = arith.index_cast %add3A_1959 : i32 to index
        %swap3A_1998 = arith.constant 96 : index
        %swap3A_1999 = tpu.vector_load %arg11[%swap3A_1996, %swap3A_1997, %swap3A_1998] {strides = array<i32>} : memref<2x64x160xf32, #tpu.memory_space<vmem>>, vector<1x1x16xf32>,
        %swap3A_2000 = vector.shape_cast %swap3A_1999 : vector<1x1x16xf32> to vector<16xf32>
        %swap3A_2001 = vector.shape_cast %get3A_1880 : vector<16xf32> to vector<1x1x16xf32>
        tpu.vector_store %arg11[%swap3A_1996, %swap3A_1997, %swap3A_1998], %swap3A_2001 {strides = array<i32>} : memref<2x64x160xf32, #tpu.memory_space<vmem>>, vector<1x1x16xf32>,
        %swap3A_2002 = arith.index_cast %rem3A_89 : i32 to index
        %swap3A_2003 = arith.index_cast %add3A_1959 : i32 to index
        %swap3A_2004 = arith.constant 112 : index
        %swap3A_2005 = tpu.vector_load %arg11[%swap3A_2002, %swap3A_2003, %swap3A_2004] {strides = array<i32>} : memref<2x64x160xf32, #tpu.memory_space<vmem>>, vector<1x1x16xf32>,
        %swap3A_2006 = vector.shape_cast %swap3A_2005 : vector<1x1x16xf32> to vector<16xf32>
        %swap3A_2007 = vector.shape_cast %get3A_1885 : vector<16xf32> to vector<1x1x16xf32>
        tpu.vector_store %arg11[%swap3A_2002, %swap3A_2003, %swap3A_2004], %swap3A_2007 {strides = array<i32>} : memref<2x64x160xf32, #tpu.memory_space<vmem>>, vector<1x1x16xf32>,
        %swap3A_2008 = arith.index_cast %rem3A_89 : i32 to index
        %swap3A_2009 = arith.index_cast %add3A_1959 : i32 to index
        %swap3A_2010 = arith.constant 128 : index
        %swap3A_2011 = tpu.vector_load %arg11[%swap3A_2008, %swap3A_2009, %swap3A_2010] {strides = array<i32>} : memref<2x64x160xf32, #tpu.memory_space<vmem>>, vector<1x1x16xf32>,
        %swap3A_2012 = vector.shape_cast %swap3A_2011 : vector<1x1x16xf32> to vector<16xf32>
        %swap3A_2013 = vector.shape_cast %get3A_1890 : vector<16xf32> to vector<1x1x16xf32>
        tpu.vector_store %arg11[%swap3A_2008, %swap3A_2009, %swap3A_2010], %swap3A_2013 {strides = array<i32>} : memref<2x64x160xf32, #tpu.memory_space<vmem>>, vector<1x1x16xf32>,
        %swap3A_2014 = arith.index_cast %rem3A_89 : i32 to index
        %swap3A_2015 = arith.index_cast %add3A_1959 : i32 to index
        %swap3A_2016 = arith.constant 144 : index
        %swap3A_2017 = tpu.vector_load %arg11[%swap3A_2014, %swap3A_2015, %swap3A_2016] {strides = array<i32>} : memref<2x64x160xf32, #tpu.memory_space<vmem>>, vector<1x1x16xf32>,
        %swap3A_2018 = vector.shape_cast %swap3A_2017 : vector<1x1x16xf32> to vector<16xf32>
        %swap3A_2019 = vector.shape_cast %get3A_1895 : vector<16xf32> to vector<1x1x16xf32>
        tpu.vector_store %arg11[%swap3A_2014, %swap3A_2015, %swap3A_2016], %swap3A_2019 {strides = array<i32>} : memref<2x64x160xf32, #tpu.memory_space<vmem>>, vector<1x1x16xf32>,
      }
      %scan3A_160 = arith.constant 4 : i32
      %eq3A_161 = arith.constant 0 : i32
      %eq3A_162 = arith.cmpi eq, %rem3A_89, %eq3A_161 : i32
      %convert_element_type3A_163 = arith.extui %eq3A_162 : i1 to i32
      %cond3A_164 = arith.constant 0 : i32
      %cond3A_165 = arith.cmpi ne, %convert_element_type3A_163, %cond3A_164 : i32
      scf.if %cond3A_165 {
        %dma_start3A_171 = arith.constant 0 : i32
        %dma_start3A_172 = arith.constant 0 : i32
        %dma_start3A_173 = arith.constant 0 : i32
        %dma_start3A_174 = tpu.memref_slice %arg11[%dma_start3A_171, %dma_start3A_172, %dma_start3A_173] : memref<2x64x160xf32, #tpu.memory_space<vmem>> -> memref<1x64x160xf32, #tpu.memory_space<vmem>>
        %dma_start3A_175 = tpu.memref_squeeze %dma_start3A_174 : memref<1x64x160xf32, #tpu.memory_space<vmem>> -> memref<64x160xf32, #tpu.memory_space<vmem>>
        %dma_start3A_176 = arith.constant 0 : i32
        %dma_start3A_177 = tpu.memref_slice %arg8[%add3A_92, %dma_start3A_176] : memref<524288x160xf32, #tpu.memory_space<hbm>> -> memref<64x160xf32, #tpu.memory_space<hbm>>
        %dma_start3A_178 = arith.constant 0 : i32
        %dma_start3A_179 = tpu.memref_slice %arg8[%add3A_92, %dma_start3A_178] : memref<524288x160xf32, #tpu.memory_space<hbm>> -> memref<64x160xf32, #tpu.memory_space<hbm>>
        %dma_start3A_180 = arith.constant 0 : i32
        %dma_start3A_181 = arith.constant 0 : i32
        %dma_start3A_182 = tpu.memref_slice %arg11[%dma_start3A_171, %dma_start3A_180, %dma_start3A_181] : memref<2x64x160xf32, #tpu.memory_space<vmem>> -> memref<1x64x160xf32, #tpu.memory_space<vmem>>
        %dma_start3A_183 = tpu.memref_squeeze %dma_start3A_182 : memref<1x64x160xf32, #tpu.memory_space<vmem>> -> memref<64x160xf32, #tpu.memory_space<vmem>>
        tpu.enqueue_dma source(%dma_start3A_183 : memref<64x160xf32, #tpu.memory_space<vmem>>) target(%dma_start3A_179 : memref<64x160xf32, #tpu.memory_space<hbm>>) target_semaphore(%arg13 : memref<!tpu.dma_semaphore, #tpu.memory_space<semaphore_mem>>)
      } else {
      }
      %eq3A_166 = arith.constant 1 : i32
      %eq3A_167 = arith.cmpi eq, %rem3A_89, %eq3A_166 : i32
      %convert_element_type3A_168 = arith.extui %eq3A_167 : i1 to i32
      %cond3A_169 = arith.constant 0 : i32
      %cond3A_170 = arith.cmpi ne, %convert_element_type3A_168, %cond3A_169 : i32
      scf.if %cond3A_170 {
        %dma_start3A_171 = arith.constant 1 : i32
        %dma_start3A_172 = arith.constant 0 : i32
        %dma_start3A_173 = arith.constant 0 : i32
        %dma_start3A_174 = tpu.memref_slice %arg11[%dma_start3A_171, %dma_start3A_172, %dma_start3A_173] : memref<2x64x160xf32, #tpu.memory_space<vmem>> -> memref<1x64x160xf32, #tpu.memory_space<vmem>>
        %dma_start3A_175 = tpu.memref_squeeze %dma_start3A_174 : memref<1x64x160xf32, #tpu.memory_space<vmem>> -> memref<64x160xf32, #tpu.memory_space<vmem>>
        %dma_start3A_176 = arith.constant 0 : i32
        %dma_start3A_177 = tpu.memref_slice %arg8[%add3A_92, %dma_start3A_176] : memref<524288x160xf32, #tpu.memory_space<hbm>> -> memref<64x160xf32, #tpu.memory_space<hbm>>
        %dma_start3A_178 = arith.constant 0 : i32
        %dma_start3A_179 = tpu.memref_slice %arg8[%add3A_92, %dma_start3A_178] : memref<524288x160xf32, #tpu.memory_space<hbm>> -> memref<64x160xf32, #tpu.memory_space<hbm>>
        %dma_start3A_180 = arith.constant 0 : i32
        %dma_start3A_181 = arith.constant 0 : i32
        %dma_start3A_182 = tpu.memref_slice %arg11[%dma_start3A_171, %dma_start3A_180, %dma_start3A_181] : memref<2x64x160xf32, #tpu.memory_space<vmem>> -> memref<1x64x160xf32, #tpu.memory_space<vmem>>
        %dma_start3A_183 = tpu.memref_squeeze %dma_start3A_182 : memref<1x64x160xf32, #tpu.memory_space<vmem>> -> memref<64x160xf32, #tpu.memory_space<vmem>>
        tpu.enqueue_dma source(%dma_start3A_183 : memref<64x160xf32, #tpu.memory_space<vmem>>) target(%dma_start3A_179 : memref<64x160xf32, #tpu.memory_space<hbm>>) target_semaphore(%arg14 : memref<!tpu.dma_semaphore, #tpu.memory_space<semaphore_mem>>)
      } else {
      }
    }
    %scan3A_58 = arith.constant 256 : i32
    %dma_wait3A = arith.constant 0 : i32
    %dma_wait3A_59 = arith.constant 0 : i32
    %dma_wait3A_60 = arith.constant 0 : i32
    %dma_wait3A_61 = tpu.memref_slice %arg11[%dma_wait3A, %dma_wait3A_59, %dma_wait3A_60] : memref<2x64x160xf32, #tpu.memory_space<vmem>> -> memref<1x64x160xf32, #tpu.memory_space<vmem>>
    %dma_wait3A_62 = tpu.memref_squeeze %dma_wait3A_61 : memref<1x64x160xf32, #tpu.memory_space<vmem>> -> memref<64x160xf32, #tpu.memory_space<vmem>>
    %dma_wait3A_63 = arith.constant 0 : i32
    %dma_wait3A_64 = arith.constant 0 : i32
    %dma_wait3A_65 = tpu.memref_slice %arg8[%dma_wait3A_63, %dma_wait3A_64] : memref<524288x160xf32, #tpu.memory_space<hbm>> -> memref<64x160xf32, #tpu.memory_space<hbm>>
    %dma_wait3A_66 = arith.constant 0 : i32
    %dma_wait3A_67 = arith.constant 0 : i32
    %dma_wait3A_68 = tpu.memref_slice %arg11[%dma_wait3A, %dma_wait3A_66, %dma_wait3A_67] : memref<2x64x160xf32, #tpu.memory_space<vmem>> -> memref<1x64x160xf32, #tpu.memory_space<vmem>>
    %dma_wait3A_69 = tpu.memref_squeeze %dma_wait3A_68 : memref<1x64x160xf32, #tpu.memory_space<vmem>> -> memref<64x160xf32, #tpu.memory_space<vmem>>
    %dma_wait3A_70 = arith.constant 0 : i32
    %dma_wait3A_71 = arith.constant 0 : i32
    %dma_wait3A_72 = tpu.memref_slice %arg8[%dma_wait3A_70, %dma_wait3A_71] : memref<524288x160xf32, #tpu.memory_space<hbm>> -> memref<64x160xf32, #tpu.memory_space<hbm>>
    tpu.wait_dma2 semaphore(%arg13 : memref<!tpu.dma_semaphore, #tpu.memory_space<semaphore_mem>>) src(%dma_wait3A_72 : memref<64x160xf32, #tpu.memory_space<hbm>>) dst(%dma_wait3A_69 : memref<64x160xf32, #tpu.memory_space<vmem>>)
    %dma_wait3A_73 = arith.constant 1 : i32
    %dma_wait3A_74 = arith.constant 0 : i32
    %dma_wait3A_75 = arith.constant 0 : i32
    %dma_wait3A_76 = tpu.memref_slice %arg11[%dma_wait3A_73, %dma_wait3A_74, %dma_wait3A_75] : memref<2x64x160xf32, #tpu.memory_space<vmem>> -> memref<1x64x160xf32, #tpu.memory_space<vmem>>
    %dma_wait3A_77 = tpu.memref_squeeze %dma_wait3A_76 : memref<1x64x160xf32, #tpu.memory_space<vmem>> -> memref<64x160xf32, #tpu.memory_space<vmem>>
    %dma_wait3A_78 = arith.constant 0 : i32
    %dma_wait3A_79 = arith.constant 0 : i32
    %dma_wait3A_80 = tpu.memref_slice %arg8[%dma_wait3A_78, %dma_wait3A_79] : memref<524288x160xf32, #tpu.memory_space<hbm>> -> memref<64x160xf32, #tpu.memory_space<hbm>>
    %dma_wait3A_81 = arith.constant 0 : i32
    %dma_wait3A_82 = arith.constant 0 : i32
    %dma_wait3A_83 = tpu.memref_slice %arg11[%dma_wait3A_73, %dma_wait3A_81, %dma_wait3A_82] : memref<2x64x160xf32, #tpu.memory_space<vmem>> -> memref<1x64x160xf32, #tpu.memory_space<vmem>>
    %dma_wait3A_84 = tpu.memref_squeeze %dma_wait3A_83 : memref<1x64x160xf32, #tpu.memory_space<vmem>> -> memref<64x160xf32, #tpu.memory_space<vmem>>
    %dma_wait3A_85 = arith.constant 0 : i32
    %dma_wait3A_86 = arith.constant 0 : i32
    %dma_wait3A_87 = tpu.memref_slice %arg8[%dma_wait3A_85, %dma_wait3A_86] : memref<524288x160xf32, #tpu.memory_space<hbm>> -> memref<64x160xf32, #tpu.memory_space<hbm>>
    tpu.wait_dma2 semaphore(%arg14 : memref<!tpu.dma_semaphore, #tpu.memory_space<semaphore_mem>>) src(%dma_wait3A_87 : memref<64x160xf32, #tpu.memory_space<hbm>>) dst(%dma_wait3A_84 : memref<64x160xf32, #tpu.memory_space<vmem>>)
    return
  }
}

module attributes {stable_mosaic.version = 14 : i64} {
  func.func @_mask_and_table_body(%arg0: i32, %arg1: memref<512x128xi32, #tpu.memory_space<vmem>>, %arg2: memref<1x32xf32, #tpu.memory_space<vmem>>, %arg3: memref<1x32xf32, #tpu.memory_space<vmem>>, %arg4: memref<32x64xf32, #tpu.memory_space<vmem>>, %arg5: memref<1x64xf32, #tpu.memory_space<vmem>>, %arg6: memref<512x128xi32, #tpu.memory_space<vmem>>, %arg7: memref<1024x64xf32, #tpu.memory_space<vmem>>) attributes {dimension_semantics = [#tpu.dimension_semantics<arbitrary>], iteration_bounds = array<i64: 8>, scalar_prefetch = 0 : i64, scratch_operands = 0 : i64, tpu.core_type = #tpu.core_type<tc>, window_params = [{transform_indices = @transform_0, window_bounds = array<i64: 512, 128>}, {pipeline_mode = #tpu.pipeline_mode<synchronous>, transform_indices = @transform_1, window_bounds = array<i64: 1, 32>}, {pipeline_mode = #tpu.pipeline_mode<synchronous>, transform_indices = @transform_2, window_bounds = array<i64: 1, 32>}, {pipeline_mode = #tpu.pipeline_mode<synchronous>, transform_indices = @transform_3, window_bounds = array<i64: 32, 64>}, {pipeline_mode = #tpu.pipeline_mode<synchronous>, transform_indices = @transform_4, window_bounds = array<i64: 1, 64>}, {transform_indices = @transform_5, window_bounds = array<i64: 512, 128>}, {pipeline_mode = #tpu.pipeline_mode<synchronous>, transform_indices = @transform_6, window_bounds = array<i64: 1024, 64>}]} {
    %get3A = arith.constant 0 : index
    %get3A_0 = arith.constant 0 : index
    %get3A_1 = vector.load %arg1[%get3A, %get3A_0] : memref<512x128xi32, #tpu.memory_space<vmem>>, vector<512x128xi32>
    %eq3A = arith.constant 0 : i32
    %eq3A_2 = vector.broadcast %eq3A : i32 to vector<512x128xi32>
    %eq3A_3 = arith.cmpi eq, %get3A_1, %eq3A_2 : vector<512x128xi32>
    %swap3A = arith.constant 0 : index
    %swap3A_4 = arith.constant 0 : index
    %swap3A_5 = vector.load %arg6[%swap3A, %swap3A_4] : memref<512x128xi32, #tpu.memory_space<vmem>>, vector<512x128xi32>
    %swap3A_6 = arith.extui %eq3A_3 : vector<512x128xi1> to vector<512x128xi32>
    %swap3A_7 = arith.constant dense<0> : vector<512x128xi32>
    %swap3A_8 = arith.cmpi ne, %swap3A_5, %swap3A_7 : vector<512x128xi32>
    tpu.vector_store %arg6[%swap3A, %swap3A_4], %swap3A_6 {strides = array<i32>} : memref<512x128xi32, #tpu.memory_space<vmem>>, vector<512x128xi32>,
    %eq3A_9 = arith.constant 0 : i32
    %eq3A_10 = arith.cmpi eq, %arg0, %eq3A_9 : i32
    %convert_element_type3A = arith.extui %eq3A_10 : i1 to i32
    %cond3A = arith.constant 0 : i32
    %cond3A_11 = arith.cmpi ne, %convert_element_type3A, %cond3A : i32
    scf.if %cond3A_11 {
      %iota3A = tpu.iota {dimensions = array<i32: 0>} : vector<1024x1xi32>
      %convert_element_type3A_12 = arith.sitofp %iota3A : vector<1024x1xi32> to vector<1024x1xf32>
      %mul3A = arith.constant 0.00100100099 : f32
      %mul3A_13 = vector.broadcast %mul3A : f32 to vector<1024x1xf32>
      %mul3A_14 = arith.mulf %convert_element_type3A_12, %mul3A_13 : vector<1024x1xf32>
      %get3A_15 = arith.constant 0 : index
      %get3A_16 = arith.constant 0 : index
      %get3A_17 = vector.load %arg2[%get3A_15, %get3A_16] : memref<1x32xf32, #tpu.memory_space<vmem>>, vector<1x32xf32>
      %mul3A_18 = vector.broadcast %mul3A_14 : vector<1024x1xf32> to vector<1024x32xf32>
      %mul3A_19 = vector.broadcast %get3A_17 : vector<1x32xf32> to vector<1024x32xf32>
      %mul3A_20 = arith.mulf %mul3A_18, %mul3A_19 : vector<1024x32xf32>
      %get3A_21 = arith.constant 0 : index
      %get3A_22 = arith.constant 0 : index
      %get3A_23 = vector.load %arg3[%get3A_21, %get3A_22] : memref<1x32xf32, #tpu.memory_space<vmem>>, vector<1x32xf32>
      %add3A = vector.broadcast %get3A_23 : vector<1x32xf32> to vector<1024x32xf32>
      %add3A_24 = arith.addf %mul3A_20, %add3A : vector<1024x32xf32>
      %max3A = arith.constant 0.000000e+00 : f32
      %max3A_25 = vector.broadcast %max3A : f32 to vector<1024x32xf32>
      %max3A_26 = arith.maximumf %add3A_24, %max3A_25 : vector<1024x32xf32>
      %get3A_27 = arith.constant 0 : index
      %get3A_28 = arith.constant 0 : index
      %get3A_29 = vector.load %arg4[%get3A_27, %get3A_28] : memref<32x64xf32, #tpu.memory_space<vmem>>, vector<32x64xf32>
      %dot_general3A = arith.constant dense<0.000000e+00> : vector<1024x64xf32>
      %dot_general3A_30 = tpu.matmul %max3A_26, %get3A_29, %dot_general3A {dimension_numbers = #tpu.dot_dimension_numbers<[1], [0], [0], [1], [0, 0, 1, 1], [], []>, transpose_lhs_hint = false} : vector<1024x32xf32>, vector<32x64xf32>, vector<1024x64xf32> -> vector<1024x64xf32>
      %get3A_31 = arith.constant 0 : index
      %get3A_32 = arith.constant 0 : index
      %get3A_33 = vector.load %arg5[%get3A_31, %get3A_32] : memref<1x64xf32, #tpu.memory_space<vmem>>, vector<1x64xf32>
      %add3A_34 = vector.broadcast %get3A_33 : vector<1x64xf32> to vector<1024x64xf32>
      %add3A_35 = arith.addf %dot_general3A_30, %add3A_34 : vector<1024x64xf32>
      %max3A_36 = arith.constant 0.000000e+00 : f32
      %max3A_37 = vector.broadcast %max3A_36 : f32 to vector<1024x64xf32>
      %max3A_38 = arith.maximumf %add3A_35, %max3A_37 : vector<1024x64xf32>
      %swap3A_39 = arith.constant 0 : index
      %swap3A_40 = arith.constant 0 : index
      %swap3A_41 = vector.load %arg7[%swap3A_39, %swap3A_40] : memref<1024x64xf32, #tpu.memory_space<vmem>>, vector<1024x64xf32>
      tpu.vector_store %arg7[%swap3A_39, %swap3A_40], %max3A_38 {strides = array<i32>} : memref<1024x64xf32, #tpu.memory_space<vmem>>, vector<1024x64xf32>,
    } else {
    }
    return
  }
  func.func @transform_0(%arg0: i32) -> (i32, i32) {
    %c0_i32 = arith.constant 0 : i32
    %c0_i32_0 = arith.constant 0 : i32
    return %arg0, %c0_i32 : i32, i32
  }
  func.func @transform_1(%arg0: i32) -> (i32, i32) {
    %c0_i32 = arith.constant 0 : i32
    %c0_i32_0 = arith.constant 0 : i32
    %c0_i32_1 = arith.constant 0 : i32
    return %c0_i32, %c0_i32_0 : i32, i32
  }
  func.func @transform_2(%arg0: i32) -> (i32, i32) {
    %c0_i32 = arith.constant 0 : i32
    %c0_i32_0 = arith.constant 0 : i32
    %c0_i32_1 = arith.constant 0 : i32
    return %c0_i32, %c0_i32_0 : i32, i32
  }
  func.func @transform_3(%arg0: i32) -> (i32, i32) {
    %c0_i32 = arith.constant 0 : i32
    %c0_i32_0 = arith.constant 0 : i32
    %c0_i32_1 = arith.constant 0 : i32
    return %c0_i32, %c0_i32_0 : i32, i32
  }
  func.func @transform_4(%arg0: i32) -> (i32, i32) {
    %c0_i32 = arith.constant 0 : i32
    %c0_i32_0 = arith.constant 0 : i32
    %c0_i32_1 = arith.constant 0 : i32
    return %c0_i32, %c0_i32_0 : i32, i32
  }
  func.func @transform_5(%arg0: i32) -> (i32, i32) {
    %c0_i32 = arith.constant 0 : i32
    %c0_i32_0 = arith.constant 0 : i32
    return %arg0, %c0_i32 : i32, i32
  }
  func.func @transform_6(%arg0: i32) -> (i32, i32) {
    %c0_i32 = arith.constant 0 : i32
    %c0_i32_0 = arith.constant 0 : i32
    %c0_i32_1 = arith.constant 0 : i32
    return %c0_i32, %c0_i32_0 : i32, i32
  }
}

</mosaic_0001>

<sc_bundles>
// kernel: kernel.4.cloned.1.call-start
scs
__scs_entry_jumppad:
0x0: {  	(pc) =	sbr.rel $0x88, $3  }
0x1: {  	(tag) =	ssettag $0x0;
	lr =	simm.s32 $0x1  }
0x2: {  	[smem:$0x3F94] =	sst lr;
	_ =	strace $0xD0000000  }
0x3: {  	_ = 	snop  }
0x4: {  	_ = 	snop  }
0x5: {  	_ = 	snop  }
0x6: {  	_ = 	snop  }
0x7: {  	_ = 	snop  }
__scs_overlays_trampoline_lowered:
0x8: {  	[smem:$0x3FA3] =	sst s0  }
0x9: {  	[smem:$0x3FA4] =	sst s1  }
0xa: {  	[smem:$0x3FA5] =	sst s2  }
0xb: {  	[smem:$0x3FA6] =	sst s3  }
0xc: {  	[smem:$0x3FA7] =	sst s4  }
0xd: {  	[smem:$0x3FA8] =	sst s5  }
0xe: {  	[smem:$0x3FA9] =	sst s6  }
0xf: {  	[smem:$0x3FAA] =	sst s7  }
0x10: {  	[smem:$0x3FAB] =	sst s8  }
0x11: {  	[smem:$0x3FAC] =	sst s9;
	s0 =	simm.s32 @!p0 $0x0  }
0x12: {  	s1 =	sld [smem:$0x3F92];
	s0 =	simm.s32 @p0 $0x1  }
0x13: {  	[smem:$0x3FAD] =	sst s0;
	s0 =	simm.s32 @!p1 $0x0  }
0x14: {  	s2 =	sld [smem:$0x3F91];
	s0 =	simm.s32 @p1 $0x1  }
0x15: {  	[smem:$0x3FAE] =	sst s0;
	s0 =	simm.s32 @!p2 $0x0  }
0x16: {  	s3 =	sld [smem:$0x3FDB];
	s0 =	simm.s32 @p2 $0x1  }
0x17: {  	s4 =	simm.s32 $0x1BF5;
	[smem:$0x3FB0] =	sst s0  }
0x18: {  	s0 =	sld [smem:$0x3F93];
	_ =	swait.ge [sflag:s4], $0x0  }
0x19: {  	s7 =	sld [smem:$0x3F94]  }
0x1a: {  	s8 =	sadd.s32 $0xFFFFE003, lr  }
0x1b: {  	s9 =	sadd.s32 $0xFFFFFEF7, lr;
	s5 =	simm.s32 $0xFFFFFFFF;
	p2 =	slt.u32 s8, $0xFFFFF086  }
0x1c: {  	p1 =	slt.u32 s9, $0xF7A;
	s5 =	simm.s32 @!p2 $0x0  }
0x1d: {  	s5 =	simm.s32 @p1 $0x1;
	p0 =	seq.s32 s7, s2  }
0x1e: {  	s7 =	smul.u32 @!p0 $0xF7A, s2;
	p2 =	seq.s32 @!p0 s5, $0x0  }
0x1f: {  	s9 =	smul.u32 $0xF7A, s1;
	s8 =	simm.s32 @!p0 $0x1BF5;
	p2 =	por !p2, p0  }
0x20: {  	[sflag:s8] =	ssyncset.s32 @!p0 $0xFFFFF086;
	s6 =	sadd.s32 @!p0 s3, s7;
	s7 =	simm.s32 @!p0 $0x108  }
0x21: {  	s3 =	sadd.s32 s3, s9;
	s6 =	sadd.s32 @!p0 $0x88, s6;
	s7 =	simm.s32 @p2 $0x1082  }
0x22: {  	[simem:s7], [sflag:s8] =	dma.local @!p0 [hbm:s6], $0xF7A  }
0x23: {  	s9 =	sor.u32 $0xD0000000, s2;
	s6 =	simm.s32 $0x108;
	_ =	swait.ge @!p0 [sflag:s8], $0x0  }
0x24: {  	s3 =	sadd.s32 $0x88, s3;
	s6 =	simm.s32 @!p1 $0x1082;
	[sflag:s4] =	ssyncset.s32 $0xFFFFF086  }
0x25: {  	[simem:s6], [sflag:s4] =	dma.local [hbm:s3], $0xF7A  }
0x26: {  	[smem:$0x3F94] =	sst s1;
	(tag) =	ssettag s2;
	_ =	strace s9  }
0x27: {  	s1 =	sld [smem:$0x3FA4]  }
0x28: {  	s2 =	sld [smem:$0x3FA5]  }
0x29: {  	s4 =	sld [smem:$0x3FA7]  }
0x2a: {  	p0 =	seq.s32 s5, $0x0;
	s5 =	sld [smem:$0x3FA8]  }
0x2b: {  	s6 =	sld [smem:$0x3FA9]  }
0x2c: {  	s7 =	sld [smem:$0x3FAA]  }
0x2d: {  	s3 =	simm.s32 $0x108;
	s8 =	sld [smem:$0x3FAB]  }
0x2e: {  	s3 =	simm.s32 @!p0 $0x1082;
	s9 =	sld [smem:$0x3FAC]  }
0x2f: {  	lr =	sadd.s32 s0, s3;
	s0 =	sld [smem:$0x3FA3]  }
0x30: {  	s3 =	sld [smem:$0x3FA6]  }
0x31: {  	[smem:$0x3FAF] =	sst s10  }
0x32: {  	s10 =	sld [smem:$0x3FAD];
	_ =	sdelay $0x3  }
0x33: {  	p0 =	seq.s32 s10, $0x1;
	s10 =	sld [smem:$0x3FAF];
	_ =	sdelay $0x3  }
0x34: {  	[smem:$0x3FAF] =	sst s10  }
0x35: {  	s10 =	sld [smem:$0x3FAE];
	_ =	sdelay $0x3  }
0x36: {  	p1 =	seq.s32 s10, $0x1;
	s10 =	sld [smem:$0x3FAF];
	_ =	sdelay $0x3  }
0x37: {  	[smem:$0x3FAF] =	sst s10  }
0x38: {  	s10 =	sld [smem:$0x3FB0]  }
0x39: {  	_ = 	snop;
	(pc) =	sbr.ind lr, $3  }
0x3a: {  	_ = 	snop  }
0x3b: {  	_ = 	snop  }
0x3c: {  	p2 =	seq.s32 s10, $0x1;
	s10 =	sld [smem:$0x3FAF]  }
0x3d: {  	_ =	shalt  }
0x3e: {  	_ =	shalt  }
0x3f: {  	_ =	shalt  }
0x40: {  	_ =	shalt  }
0x41: {  	_ =	shalt  }
0x42: {  	_ =	shalt  }
0x43: {  	_ =	shalt  }
0x44: {  	_ =	shalt  }
0x45: {  	_ =	shalt  }
0x46: {  	_ =	shalt  }
0x47: {  	_ =	shalt  }
0x48: {  	_ =	shalt  }
0x49: {  	_ =	shalt  }
0x4a: {  	_ =	shalt  }
0x4b: {  	_ =	shalt  }
0x4c: {  	_ =	shalt  }
0x4d: {  	_ =	shalt  }
0x4e: {  	_ =	shalt  }
0x4f: {  	_ =	shalt  }
0x50: {  	_ =	shalt  }
0x51: {  	_ =	shalt  }
0x52: {  	_ =	shalt  }
0x53: {  	_ =	shalt  }
0x54: {  	_ =	shalt  }
0x55: {  	_ =	shalt  }
0x56: {  	_ =	shalt  }
0x57: {  	_ =	shalt  }
0x58: {  	_ =	shalt  }
0x59: {  	_ =	shalt  }
0x5a: {  	_ =	shalt  }
0x5b: {  	_ =	shalt  }
0x5c: {  	_ =	shalt  }
0x5d: {  	_ =	shalt  }
0x5e: {  	_ =	shalt  }
0x5f: {  	_ =	shalt  }
0x60: {  	_ =	shalt  }
0x61: {  	_ =	shalt  }
0x62: {  	_ =	shalt  }
0x63: {  	_ =	shalt  }
0x64: {  	_ =	shalt  }
0x65: {  	_ =	shalt  }
0x66: {  	_ =	shalt  }
0x67: {  	_ =	shalt  }
0x68: {  	_ =	shalt  }
0x69: {  	_ =	shalt  }
0x6a: {  	_ =	shalt  }
0x6b: {  	_ =	shalt  }
0x6c: {  	_ =	shalt  }
0x6d: {  	_ =	shalt  }
0x6e: {  	_ =	shalt  }
0x6f: {  	_ =	shalt  }
0x70: {  	_ =	shalt  }
0x71: {  	_ =	shalt  }
0x72: {  	_ =	shalt  }
0x73: {  	_ =	shalt  }
0x74: {  	_ =	shalt  }
0x75: {  	_ =	shalt  }
0x76: {  	_ =	shalt  }
0x77: {  	_ =	shalt  }
0x78: {  	_ =	shalt  }
0x79: {  	_ =	shalt  }
0x7a: {  	_ =	shalt  }
0x7b: {  	_ =	shalt  }
0x7c: {  	_ =	shalt  }
0x7d: {  	_ =	shalt  }
0x7e: {  	_ =	shalt  }
0x7f: {  	_ =	shalt  }
0x80: {  	_ =	shalt  }
0x81: {  	_ =	shalt  }
0x82: {  	_ =	shalt  }
0x83: {  	_ =	shalt  }
0x84: {  	_ =	shalt  }
0x85: {  	_ =	shalt  }
0x86: {  	_ =	shalt  }
0x87: {  	_ =	shalt  }
.Lfunc_end0:
.L_simem_size_0:
called_computation.1_lowered:
.L_overlay_start_0:
0x88: {  	s2 =	sld [smem:$0x3FD9]  }
0x89: {  	s3 =	sld [smem:$0x3FFE];
	_ =	sdelay $0x1  }
0x8a: {  	s1 =	srdreg.scid  }
0x8b: {  	s0 =	sand.u32 $0x1, s1  }
0x8c: {  	s14 =	sshll.u32 s0, $0xA;
	s2 =	sadd.s32 s3, s2  }
0x8d: {  	s2 =	sadd.s32 s2, s14  }
0x8e: {  	[smem:$0x3FBB] =	sst s2  }
0x8f: {  	_ = 	snop  }
0x90: {  	s2 =	sld [smem:$0x3FC9]  }
0x91: {  	s15 =	sld [smem:$0x3FC8]  }
0x92: {  	s4 =	sld [smem:$0x3FD0]  }
0x93: {  	s5 =	sld [smem:$0x3FC7]  }
0x94: {  	s6 =	sld [smem:$0x3FC6]  }
0x95: {  	s8 =	simm.s32 $0xA;
	s9 =	simm.s32 $0x10;
	s7 =	sld [smem:$0x3FC5]  }
0x96: {  	[smem:s9], [sflag:s8] =	dma.local [hbm:s4], $0x1  }
0x97: {  	_ =	swait.eq [sflag:s8], $0x1  }
0x98: {  	[sflag:s8] =	ssyncset.done $0x0  }
0x99: {  	[sflag:s8] =	ssyncadd.s32 $0xFFFFFFFF  }
0x9a: {  	s16 =	sld [smem:$0x11];
	(tm) =	ssettm $0x1  }
0x9b: {  	s17 =	sld [smem:$0x3FFB];
	_ =	sdelay $0x3  }
0x9c: {  	_ =	strace s17  }
0x9d: {  	s8 =	sld [smem:$0x3FFC];
	_ =	sdelay $0x3  }
0x9e: {  	_ =	strace s8  }
0x9f: {  	s8 =	sld [smem:$0x3FFD];
	_ =	sdelay $0x3  }
0xa0: {  	_ =	strace s8  }
0xa1: {  	_ =	strace $0x8FFFFFFF  }
0xa2: {  	s18 =	sld [smem:$0x3FDB];
	_ =	sdelay $0x1  }
0xa3: {  	s19 =	simm.s32 $_scs_section_size  }
0xa4: {  	s10 =	simm.s32 $_size__tile_overlayer_lowered;
	s11 =	simm.s32 $_tile_overlayer_lowered  }
0xa5: {  	s22 =	simm.s32 $0x1BFF;
	s21 =	sshll.u32 s11, $0x1;
	s8 =	sadd.s32 s19, s18  }
0xa6: {  	s12 =	simm.s32 $0x0;
	s20 =	sshll.u32 s10, $0x1;
	s10 =	sadd.s32 s21, s8  }
0xa7: {  	[timem:s12], [sflag:s22] =	dma.local [hbm:s10], s20  }
0xa8: {  	_ =	swait.ge [sflag:s22], s20  }
0xa9: {  	s9 =	ssub.s32 $0x0, s20;
	[sflag:s22] =	ssyncset.done $0x0  }
0xaa: {  	[sflag:s22] =	ssyncadd.s32 s9;
	_ =	sdelay $0x1  }
0xab: {  	s23 =	simm.s32 $0x1B8B  }
0xac: {  	_ =	swait.ge [sflag:s23], $0x1  }
0xad: {  	[sflag:s23] =	ssyncset.done $0x0  }
0xae: {  	s25 =	simm.s32 $0x1B8E;
	s24 =	sld [smem:$0x3FFE];
	[sflag:s23] =	ssyncadd.s32 $0xFFFFFFFF  }
0xaf: {  	s26 =	simm.s32 $execute0_lowered;
	[smem:$0x3FD2] =	sst s25  }
0xb0: {  	s10 =	sshll.u32 s26, $0x1;
	_ =	strace $0x80000046;
	[dreg:$0x1] =	wrdreg $0xFFFFFFFF  }
0xb1: {  	s28 =	simm.s32 $_size_execute0_lowered;
	s8 =	sadd.s32 s8, s10;
	[dreg:$0x0] =	wrdreg $0x0  }
0xb2: {  	s10 =	sshll.u32 s28, $0x1;
	[dreg:$0x2] =	wrdreg s8  }
0xb3: {  	[dreg:$0x3] =	wrdreg s10  }
0xb4: {  	[dreg:$0x4] =	wrdreg $0xC0  }
0xb5: {  	_ =	task [dreg:s12], $0x5FFFF  }
0xb6: {  	[dreg:$0x1] =	wrdreg $0xFFFFFFFF  }
0xb7: {  	[dreg:$0x0] =	wrdreg $0x60  }
0xb8: {  	[dreg:$0x2] =	wrdreg s2  }
0xb9: {  	[dreg:$0x3] =	wrdreg s15  }
0xba: {  	[dreg:$0x4] =	wrdreg s5  }
0xbb: {  	[dreg:$0x5] =	wrdreg s6  }
0xbc: {  	[dreg:$0x6] =	wrdreg s7  }
0xbd: {  	[dreg:$0x7] =	wrdreg s16  }
0xbe: {  	[dreg:$0x8] =	wrdreg s24  }
0xbf: {  	[dreg:$0x9] =	wrdreg $0x9  }
0xc0: {  	_ =	task.clear_ibuf [dreg:s12], $0xAFFFF;
	_ =	strace $0x90000046  }
0xc1: {  	s29 =	simm.s32 $0x9;
	_ =	strace $0x80000048  }
0xc2: {  	_ =	swait.ge [sflag:s29], $0x1  }
0xc3: {  	[sflag:s29] =	ssyncadd.s32 $0xFFFFFFFF  }
0xc4: {  	_ =	strace $0x90000048  }
0xc5: {  	_ =	sfence  }
0xc6: {  	s30 =	sld [smem:$0x0];
	_ =	sdelay $0x2  }
0xc7: {  	s31 =	sshll.u32 s1, $0xD;
	s1 =	sshrl.u32 s1, $0x2  }
0xc8: {  	s3 =	sand.u32 $0x4000, s31;
	s1 =	sadd.s32 s1, s30  }
0xc9: {  	s0 =	sor.u32 s3, s0;
	s1 =	sshll.u32 s1, $0x11  }
0xca: {  	s0 =	sor.u32 s1, s0  }
0xcb: {  	s0 =	sadd.s32 $0x8F2B, s0  }
0xcc: {  	[sflag:s0] =	ssyncadd.remote.s32 $0x1  }
0xcd: {  	_ =	sfence.sel $0xFFFF  }
0xce: {  	[dreg:$0x0] =	wrdreg $0xFFFFFFFF;
	(pc) =	sbr.abs _section_cstart, $3  }
0xcf: {  	[dreg:$0x1] =	wrdreg $0xFFFFFFFF  }
0xd0: {  	_ =	task.clear_ibuf [dreg:s12], $0x2FFFF;
	_ =	strace $0x9FFFFFFF  }
0xd1: {  	(tm) =	ssettm $0x7FFFFFFF  }
tec
execute0_lowered:
.L_overlay_start_1:
0x0: {  	(tag) =	ssettag $0x1  }
0x1: {  	s0 =	rddreg [dreg:$0x0]  }
0x2: {  	s1 =	rddreg [dreg:$0x1]  }
0x3: {  	s3 =	rddreg [dreg:$0x2]  }
0x4: {  	s4 =	rddreg [dreg:$0x3]  }
0x5: {  	s5 =	rddreg [dreg:$0x4]  }
0x6: {  	s10 =	rddreg [dreg:$0x6]  }
0x7: {  	s8 =	srdreg.scid;
	s2 =	stileid.u32  }
0x8: {  	s17 =	simm.s32 $0x4;
	s19 =	simm.s32 $0x16D00;
	s20 =	simm.s32 $0x16D80  }
0x9: {  	s21 =	simm.s32 $0x16E00;
	s22 =	simm.s32 $0x16E80;
	s23 =	simm.s32 $0x1  }
0xa: {  	s24 =	simm.s32 $0x2;
	s25 =	simm.s32 $0x3;
	s26 =	simm.s32 $0x0  }
0xb: {  	s9 =	sand.u32 $0x1, s8;
	s8 =	simm.s32 $0x0;
	s11 =	sshll.u32 s2, $0xF  }
0xc: {  	s10 =	sadd.s32 $0x11800, s10;
	s12 =	sshll.u32 s9, $0xE;
	s13 =	ssub.s32 $0x2, s9  }
0xd: {  	[smem:$0x7FF] =	sst s8;
	s9 =	sor.u32 s12, s11;
	s31 =	sshrl.u32 s13, $0x1  }
0xe: {  	_ =	strace $0x80000047;
	s15 =	sshrl.u32 s9, $0x3;
	s16 =	ssub.s32 s13, s31  }
0xf: {  	s11 =	sadd.s32 s0, s15;
	s12 =	sadd.s32 s1, s15;
	s13 =	sadd.s32 s3, s15  }
0x10: {  	s14 =	sadd.s32 s4, s15;
	s15 =	sadd.s32 s5, s15;
	s16 =	smax.u32 s16, $0x1  }
.LBB2_1:
0x11: {  	s2 =	rddreg [dreg:$0x5]  }
0x12: {  	[tilespmem:s8], [sflag:$0x4] =	stream.linear.gather [hbm4b:s2+s8], $0x16C80, $0x38;
	[tilespmem:$0x1F480] =	vst v63  }
0x13: {  	_ =	swait.ge [sflag:s17], $0x16C80  }
0x14: {  	[sflag:s17] =	ssyncset.done $0x0  }
0x15: {  	s31 =	simm.s32 $0x16C80;
	[sflag:s17] =	ssyncadd.s32 $0xFFFE9380  }
0x16: {  	[tilespmem:s31], [sflag:$0x1] =	stream.linear.gather [hbm4b:s11+s8], $0x40, $0x38;
	[tilespmem:$0x1F480] =	vst v63  }
0x17: {  	_ = 	snop  }
0x18: {  	[tilespmem:s19], [sflag:$0x1] =	stream.linear.gather [hbm4b:s12+s8], $0x40, $0x38;
	[tilespmem:$0x1F480] =	vst v63  }
0x19: {  	_ = 	snop  }
0x1a: {  	[tilespmem:s20], [sflag:$0x1] =	stream.linear.gather [hbm4b:s13+s8], $0x40, $0x38;
	[tilespmem:$0x1F480] =	vst v63  }
0x1b: {  	_ = 	snop  }
0x1c: {  	[tilespmem:s21], [sflag:$0x1] =	stream.linear.gather [hbm4b:s14+s8], $0x40, $0x38;
	[tilespmem:$0x1F480] =	vst v63  }
0x1d: {  	p1 =	por $0x0, $0x0;
	s28 =	simm.s32 $0x0  }
0x1e: {  	[tilespmem:s22], [sflag:$0x1] =	stream.linear.gather [hbm4b:s15+s8], $0x40, $0x38;
	[tilespmem:$0x1F480] =	vst v63  }
.LBB2_2:
0x1f: {  	s2 =	simm.s32 @!p1 $0x0  }
0x20: {  	s2 =	simm.s32 @p1 $0x1  }
0x21: {  	[smem:$0x7FD] =	sst s2  }
0x22: {  	_ =	swait.ge [sflag:s23], $0x40  }
0x23: {  	[sflag:s23] =	ssyncset.done $0x0  }
0x24: {  	[sflag:s23] =	ssyncadd.s32 $0xFFFFFFC0  }
0x25: {  	_ =	swait.ge [sflag:s23], $0x40  }
0x26: {  	[sflag:s23] =	ssyncset.done $0x0  }
0x27: {  	s29 =	smov.u32 s28;
	[sflag:s23] =	ssyncadd.s32 $0xFFFFFFC0  }
0x28: {  	s28 =	sadd.s32 $0x1, s28;
	p3 =	seq.s32 s29, $0xFF;
	_ =	swait.ge [sflag:s23], $0x40  }
0x29: {  	s31 =	sand.u32 $0x1, s29;
	s30 =	sshll.u32 @!p3 s28, $0x6;
	[sflag:s23] =	ssyncset.done $0x0  }
0x2a: {  	s2 =	sshll.u32 @!p3 s31, $0xA;
	s18 =	simm.s32 @!p3 $0x0;
	[sflag:s23] =	ssyncadd.s32 $0xFFFFFFC0  }
0x2b: {  	p1 =	slt.u32 @!p3 s29, $0x2;
	p0 =	sgt.u32 @!p3 s29, $0x1;
	_ =	swait.ge [sflag:s23], $0x40  }
0x2c: {  	s30 =	sadd.s32 @!p3 s9, s30;
	s6 =	ssub.s32 @!p3 $0x17080, s2;
	[sflag:s23] =	ssyncset.done $0x0  }
0x2d: {  	p2 =	por p1, p3;
	p5 =	por p0, p0;
	[sflag:s23] =	ssyncadd.s32 $0xFFFFFFC0  }
0x2e: {  	s30 =	sshrl.u32 @!p3 s30, $0x3;
	p4 =	sne.s32 @!p2 s31, $0x0;
	_ =	swait.ge [sflag:s23], $0x40  }
0x2f: {  	s7 =	sadd.s32 @!p3 s0, s30;
	p2 =	por @!p3 p4, p1;
	[sflag:s23] =	ssyncset.done $0x0  }
0x30: {  	p6 =	por @!p3 !p4, p1;
	p1 =	por !p1, p3;
	[sflag:s23] =	ssyncadd.s32 $0xFFFFFFC0  }
0x31: {  	[tilespmem:s6], [sflag:$0x1] =	stream.linear.gather @!p3 [hbm4b:s7+s18], $0x40, $0x38;
	[tilespmem:$0x1F480] =	vst v63  }
0x32: {  	p2 =	por p2, p3;
	s6 =	ssub.s32 @!p3 $0x17100, s2;
	s7 =	sadd.s32 @!p3 s1, s30  }
0x33: {  	[tilespmem:s6], [sflag:$0x1] =	stream.linear.gather @!p3 [hbm4b:s7+s18], $0x40, $0x38;
	[tilespmem:$0x1F480] =	vst v63  }
0x34: {  	p6 =	por !p6, p3;
	s6 =	ssub.s32 @!p3 $0x17180, s2;
	s7 =	sadd.s32 @!p3 s3, s30  }
0x35: {  	[tilespmem:s6], [sflag:$0x1] =	stream.linear.gather @!p3 [hbm4b:s7+s18], $0x40, $0x38;
	[tilespmem:$0x1F480] =	vst v63  }
0x36: {  	p4 =	por @!p2 $0x1, $0x1;
	s6 =	ssub.s32 @!p3 $0x17200, s2;
	s7 =	sadd.s32 @!p3 s4, s30  }
0x37: {  	[tilespmem:s6], [sflag:$0x1] =	stream.linear.gather @!p3 [hbm4b:s7+s18], $0x40, $0x38;
	[tilespmem:$0x1F480] =	vst v63  }
0x38: {  	p5 =	por @!p6 p4, p4;
	s2 =	ssub.s32 @!p3 $0x17280, s2;
	s6 =	sadd.s32 @!p3 s5, s30  }
0x39: {  	[tilespmem:s2], [sflag:$0x1] =	stream.linear.gather @!p3 [hbm4b:s6+s18], $0x40, $0x38;
	[tilespmem:$0x1F480] =	vst v63  }
0x3a: {  	p5 =	por @!p1 p0, p0;
	p0 =	por $0x1, $0x1;
	s2 =	simm.s32 @!p1 $0x0  }
0x3b: {  	p0 =	por @!p3 p5, p5;
	s2 =	simm.s32 @p1 $0x1  }
0x3c: {  	p5 =	seq.s32 s31, $0x1;
	[smem:$0x7FC] =	sst s2;
	s2 =	simm.s32 @!p2 $0x2  }
0x3d: {  	p4 =	por @!p2 $0x1, $0x1;
	p0 =	por !p5, !p0;
	_ =	swait.ge @!p2 [sflag:s2], $0x4000  }
0x3e: {  	s6 =	simm.s32 @!p5 $0x0;
	p1 =	seq.s32 @!p3 s31, $0x0;
	s7 =	sld [smem:$0x7FC]  }
0x3f: {  	s6 =	simm.s32 @p5 $0x1;
	p5 =	por p1, p1;
	s18 =	sld [smem:$0x7FD]  }
0x40: {  	p5 =	por @!p6 p4, p4;
	[sflag:s2] =	ssyncset.done @!p2 $0x0;
	[smem:$0x7FB] =	sst s6  }
0x41: {  	s6 =	simm.s32 $0x1;
	[sflag:s2] =	ssyncadd.s32 @!p2 $0xFFFFC000;
	p2 =	seq.s32 s7, $0x1  }
0x42: {  	s2 =	simm.s32 @!p0 $0x3;
	p5 =	por @!p2 p1, p1;
	p1 =	seq.s32 s18, $0x1  }
0x43: {  	_ =	swait.ge @!p0 [sflag:s2], $0x4000;
	s6 =	simm.s32 @!p1 $0x0  }
0x44: {  	[sflag:s2] =	ssyncset.done @!p0 $0x0;
	s7 =	sshll.u32 s6, $0xA  }
0x45: {  	[sflag:s2] =	ssyncadd.s32 @!p0 $0xFFFFC000;
	s2 =	sadd.s32 $0x16C80, s7  }
0x46: {  	v0 =	vmov s2  }
0x47: {  	s31 =	simm.s32 $0x0  }
0x48: {  	p2 =	por $0x0, $0x0;
	s18 =	sshll.u32 s29, $0x6;
	s6 =	sshll.u32 s6, $0xE  }
0x49: {  	p2 =	por @!p3 p5, p5;
	s29 =	sadd.s32 s9, s18;
	s30 =	sadd.s32 $0x17C80, s6  }
.LBB2_3:
0x4a: {  	s2 =	sshra.s32 s31, $0x2  }
0x4b: {  	v1 =	vld.idx.msk [tilespmem:v0+s2+$0x0 ss:$0x1], $0xffff  }
0x4c: {  	v2 =	vld.idx.msk [tilespmem:v0+s2+$0x80 ss:$0x1], $0xffff  }
0x4d: {  	v3 =	vld.idx.msk [tilespmem:v0+s2+$0x100 ss:$0x1], $0xffff  }
0x4e: {  	v4 =	vld.idx.msk [tilespmem:v0+s2+$0x180 ss:$0x1], $0xffff;
	_ =	sdelay $0x2  }
0x4f: {  	v5 =	vld.idx.msk [tilespmem:v0+s2+$0x200 ss:$0x1], $0xffff;
	v1 =	vshll.u32 v1, $0x5  }
0x50: {  	v2 =	vshll.u32 v2, $0x5;
	(v2sf) =	vpush v1, $0x0  }
0x51: {  	v3 =	vshll.u32 v3, $0x8;
	v4 =	vshll.u32 v4, $0x5;
	v2 =	vadd.s32 $0x100, v2  }
0x52: {  	v3 =	vadd.s32 v4, v3;
	(v2sf) =	vpush v2, $0x0  }
0x53: {  	v3 =	vadd.s32 $0x2F80, v3  }
0x54: {  	v61 =	vshll.u32 v5, $0x6;
	(v2sf) =	vpush v3, $0x0  }
0x55: {  	v4 =	vadd.s32 $0x6C80, v61  }
0x56: {  	(v2sf) =	vpush v4, $0x0;
	_ =	sdelay $0x3  }
0x57: {  	(v2sf) =	vpush v1, $0x1;
	_ =	sdelay $0x1  }
0x58: {  	(v2sf) =	vpush v2, $0x1;
	_ =	sdelay $0x1  }
0x59: {  	(v2sf) =	vpush v3, $0x1  }
0x5a: {  	s18 =	spop (v2sf)  }
0x5b: {  	(v2sf) =	vpush v4, $0x1;
	v62 =	vld [tilespmem:s18+$0x0]  }
0x5c: {  	s6 =	spop (v2sf);
	v6 =	vld [tilespmem:s18+$0x10]  }
0x5d: {  	v7 =	vld [tilespmem:s6+$0x0]  }
0x5e: {  	s7 =	spop (v2sf);
	v8 =	vld [tilespmem:s6+$0x10]  }
0x5f: {  	v9 =	vld [tilespmem:s7+$0x0]  }
0x60: {  	s18 =	spop (v2sf);
	v10 =	vld [tilespmem:s7+$0x10]  }
0x61: {  	v11 =	vld [tilespmem:s18+$0x0]  }
0x62: {  	v12 =	vld [tilespmem:s18+$0x10]  }
0x63: {  	v13 =	vld [tilespmem:s18+$0x20]  }
0x64: {  	v14 =	vld [tilespmem:s18+$0x30];
	s7 =	spop (v2sf)  }
0x65: {  	v15 =	vld [tilespmem:s7+$0x0]  }
0x66: {  	s18 =	spop (v2sf);
	v16 =	vld [tilespmem:s7+$0x10]  }
0x67: {  	v17 =	vld [tilespmem:s18+$0x0]  }
0x68: {  	(v2sf) =	vpush v1, $0x2;
	s7 =	spop (v2sf);
	v18 =	vld [tilespmem:s18+$0x10]  }
0x69: {  	v19 =	vld [tilespmem:s7+$0x0]  }
0x6a: {  	v20 =	vld [tilespmem:s7+$0x10];
	s18 =	spop (v2sf);
	(v2sf) =	vpush v2, $0x2  }
0x6b: {  	v21 =	vld [tilespmem:s18+$0x0]  }
0x6c: {  	v22 =	vld [tilespmem:s18+$0x10];
	(v2sf) =	vpush v3, $0x2  }
0x6d: {  	v23 =	vld [tilespmem:s18+$0x20]  }
0x6e: {  	v24 =	vld [tilespmem:s18+$0x30];
	[tilespmem:s30+$0xFFFFF800] =	vst v62;
	(v2sf) =	vpush v4, $0x2  }
0x6f: {  	[tilespmem:s30+$0xFFFFF810] =	vst v6  }
0x70: {  	[tilespmem:s30+$0xFFFFF820] =	vst v7  }
0x71: {  	[tilespmem:s30+$0xFFFFF830] =	vst v8  }
0x72: {  	[tilespmem:s30+$0xFFFFF840] =	vst v9  }
0x73: {  	[tilespmem:s30+$0xFFFFF850] =	vst v10  }
0x74: {  	[tilespmem:s30+$0xFFFFF860] =	vst v11  }
0x75: {  	[tilespmem:s30+$0xFFFFF870] =	vst v12  }
0x76: {  	[tilespmem:s30+$0xFFFFFC00] =	vst v13  }
0x77: {  	[tilespmem:s30+$0xFFFFFC10] =	vst v14;
	s7 =	spop (v2sf)  }
0x78: {  	v5 =	vld [tilespmem:s7+$0x0]  }
0x79: {  	v6 =	vld [tilespmem:s7+$0x10];
	s18 =	spop (v2sf)  }
0x7a: {  	v7 =	vld [tilespmem:s18+$0x0]  }
0x7b: {  	(v2sf) =	vpush v1, $0x3;
	s7 =	spop (v2sf);
	v8 =	vld [tilespmem:s18+$0x10]  }
0x7c: {  	v9 =	vld [tilespmem:s7+$0x0]  }
0x7d: {  	(v2sf) =	vpush v2, $0x3;
	s18 =	spop (v2sf);
	v10 =	vld [tilespmem:s7+$0x10]  }
0x7e: {  	v11 =	vld [tilespmem:s18+$0x0]  }
0x7f: {  	(v2sf) =	vpush v3, $0x3;
	v12 =	vld [tilespmem:s18+$0x10]  }
0x80: {  	v13 =	vld [tilespmem:s18+$0x20]  }
0x81: {  	v14 =	vld [tilespmem:s18+$0x30];
	[tilespmem:s30+$0xFFFFF880] =	vst v15;
	(v2sf) =	vpush v4, $0x3  }
0x82: {  	[tilespmem:s30+$0xFFFFF890] =	vst v16  }
0x83: {  	[tilespmem:s30+$0xFFFFF8A0] =	vst v17  }
0x84: {  	[tilespmem:s30+$0xFFFFF8B0] =	vst v18  }
0x85: {  	[tilespmem:s30+$0xFFFFF8C0] =	vst v19  }
0x86: {  	[tilespmem:s30+$0xFFFFF8D0] =	vst v20  }
0x87: {  	[tilespmem:s30+$0xFFFFF8E0] =	vst v21  }
0x88: {  	[tilespmem:s30+$0xFFFFF8F0] =	vst v22  }
0x89: {  	[tilespmem:s30+$0xFFFFFC80] =	vst v23  }
0x8a: {  	[tilespmem:s30+$0xFFFFFC90] =	vst v24;
	s7 =	spop (v2sf)  }
0x8b: {  	v15 =	vld [tilespmem:s7+$0x0]  }
0x8c: {  	s18 =	spop (v2sf);
	v16 =	vld [tilespmem:s7+$0x10]  }
0x8d: {  	v17 =	vld [tilespmem:s18+$0x0]  }
0x8e: {  	(v2sf) =	vpush v1, $0x4;
	s7 =	spop (v2sf);
	v18 =	vld [tilespmem:s18+$0x10]  }
0x8f: {  	v19 =	vld [tilespmem:s7+$0x0]  }
0x90: {  	(v2sf) =	vpush v2, $0x4;
	s18 =	spop (v2sf);
	v20 =	vld [tilespmem:s7+$0x10]  }
0x91: {  	v21 =	vld [tilespmem:s18+$0x0]  }
0x92: {  	(v2sf) =	vpush v3, $0x4;
	v22 =	vld [tilespmem:s18+$0x10]  }
0x93: {  	v23 =	vld [tilespmem:s18+$0x20]  }
0x94: {  	(v2sf) =	vpush v4, $0x4;
	v24 =	vld [tilespmem:s18+$0x30];
	[tilespmem:s30+$0xFFFFF900] =	vst v5  }
0x95: {  	[tilespmem:s30+$0xFFFFF910] =	vst v6  }
0x96: {  	[tilespmem:s30+$0xFFFFF920] =	vst v7  }
0x97: {  	[tilespmem:s30+$0xFFFFF930] =	vst v8  }
0x98: {  	[tilespmem:s30+$0xFFFFF940] =	vst v9  }
0x99: {  	[tilespmem:s30+$0xFFFFF950] =	vst v10  }
0x9a: {  	[tilespmem:s30+$0xFFFFF960] =	vst v11  }
0x9b: {  	[tilespmem:s30+$0xFFFFF970] =	vst v12  }
0x9c: {  	[tilespmem:s30+$0xFFFFFD00] =	vst v13  }
0x9d: {  	[tilespmem:s30+$0xFFFFFD10] =	vst v14;
	s7 =	spop (v2sf)  }
0x9e: {  	v5 =	vld [tilespmem:s7+$0x0]  }
0x9f: {  	s18 =	spop (v2sf);
	v6 =	vld [tilespmem:s7+$0x10]  }
0xa0: {  	v7 =	vld [tilespmem:s18+$0x0]  }
0xa1: {  	(v2sf) =	vpush v1, $0x5;
	s7 =	spop (v2sf);
	v8 =	vld [tilespmem:s18+$0x10]  }
0xa2: {  	v9 =	vld [tilespmem:s7+$0x0]  }
0xa3: {  	(v2sf) =	vpush v2, $0x5;
	s18 =	spop (v2sf);
	v10 =	vld [tilespmem:s7+$0x10]  }
0xa4: {  	v11 =	vld [tilespmem:s18+$0x0]  }
0xa5: {  	(v2sf) =	vpush v3, $0x5;
	v12 =	vld [tilespmem:s18+$0x10]  }
0xa6: {  	v13 =	vld [tilespmem:s18+$0x20]  }
0xa7: {  	(v2sf) =	vpush v4, $0x5;
	v14 =	vld [tilespmem:s18+$0x30];
	[tilespmem:s30+$0xFFFFF980] =	vst v15  }
0xa8: {  	[tilespmem:s30+$0xFFFFF990] =	vst v16  }
0xa9: {  	[tilespmem:s30+$0xFFFFF9A0] =	vst v17  }
0xaa: {  	[tilespmem:s30+$0xFFFFF9B0] =	vst v18  }
0xab: {  	[tilespmem:s30+$0xFFFFF9C0] =	vst v19  }
0xac: {  	[tilespmem:s30+$0xFFFFF9D0] =	vst v20  }
0xad: {  	[tilespmem:s30+$0xFFFFF9E0] =	vst v21  }
0xae: {  	[tilespmem:s30+$0xFFFFF9F0] =	vst v22  }
0xaf: {  	[tilespmem:s30+$0xFFFFFD80] =	vst v23  }
0xb0: {  	[tilespmem:s30+$0xFFFFFD90] =	vst v24;
	s7 =	spop (v2sf)  }
0xb1: {  	v15 =	vld [tilespmem:s7+$0x0]  }
0xb2: {  	s18 =	spop (v2sf);
	v16 =	vld [tilespmem:s7+$0x10]  }
0xb3: {  	v17 =	vld [tilespmem:s18+$0x0]  }
0xb4: {  	(v2sf) =	vpush v1, $0x6;
	s7 =	spop (v2sf);
	v18 =	vld [tilespmem:s18+$0x10]  }
0xb5: {  	v19 =	vld [tilespmem:s7+$0x0]  }
0xb6: {  	(v2sf) =	vpush v2, $0x6;
	s18 =	spop (v2sf);
	v20 =	vld [tilespmem:s7+$0x10]  }
0xb7: {  	v21 =	vld [tilespmem:s18+$0x0]  }
0xb8: {  	(v2sf) =	vpush v3, $0x6;
	v22 =	vld [tilespmem:s18+$0x10]  }
0xb9: {  	v23 =	vld [tilespmem:s18+$0x20]  }
0xba: {  	(v2sf) =	vpush v4, $0x6;
	v24 =	vld [tilespmem:s18+$0x30];
	[tilespmem:s30+$0xFFFFFA00] =	vst v5  }
0xbb: {  	[tilespmem:s30+$0xFFFFFA10] =	vst v6  }
0xbc: {  	[tilespmem:s30+$0xFFFFFA20] =	vst v7  }
0xbd: {  	[tilespmem:s30+$0xFFFFFA30] =	vst v8  }
0xbe: {  	[tilespmem:s30+$0xFFFFFA40] =	vst v9  }
0xbf: {  	[tilespmem:s30+$0xFFFFFA50] =	vst v10  }
0xc0: {  	[tilespmem:s30+$0xFFFFFA60] =	vst v11  }
0xc1: {  	[tilespmem:s30+$0xFFFFFA70] =	vst v12  }
0xc2: {  	[tilespmem:s30+$0xFFFFFE00] =	vst v13  }
0xc3: {  	[tilespmem:s30+$0xFFFFFE10] =	vst v14;
	s7 =	spop (v2sf)  }
0xc4: {  	v5 =	vld [tilespmem:s7+$0x0]  }
0xc5: {  	s18 =	spop (v2sf);
	v6 =	vld [tilespmem:s7+$0x10]  }
0xc6: {  	v7 =	vld [tilespmem:s18+$0x0]  }
0xc7: {  	(v2sf) =	vpush v1, $0x7;
	s7 =	spop (v2sf);
	v8 =	vld [tilespmem:s18+$0x10]  }
0xc8: {  	v9 =	vld [tilespmem:s7+$0x0]  }
0xc9: {  	(v2sf) =	vpush v2, $0x7;
	s18 =	spop (v2sf);
	v10 =	vld [tilespmem:s7+$0x10]  }
0xca: {  	v11 =	vld [tilespmem:s18+$0x0]  }
0xcb: {  	(v2sf) =	vpush v3, $0x7;
	v12 =	vld [tilespmem:s18+$0x10]  }
0xcc: {  	v13 =	vld [tilespmem:s18+$0x20]  }
0xcd: {  	(v2sf) =	vpush v4, $0x7;
	v14 =	vld [tilespmem:s18+$0x30];
	[tilespmem:s30+$0xFFFFFA80] =	vst v15  }
0xce: {  	[tilespmem:s30+$0xFFFFFA90] =	vst v16  }
0xcf: {  	[tilespmem:s30+$0xFFFFFAA0] =	vst v17  }
0xd0: {  	[tilespmem:s30+$0xFFFFFAB0] =	vst v18  }
0xd1: {  	[tilespmem:s30+$0xFFFFFAC0] =	vst v19  }
0xd2: {  	[tilespmem:s30+$0xFFFFFAD0] =	vst v20  }
0xd3: {  	[tilespmem:s30+$0xFFFFFAE0] =	vst v21  }
0xd4: {  	[tilespmem:s30+$0xFFFFFAF0] =	vst v22  }
0xd5: {  	[tilespmem:s30+$0xFFFFFE80] =	vst v23  }
0xd6: {  	[tilespmem:s30+$0xFFFFFE90] =	vst v24;
	s7 =	spop (v2sf)  }
0xd7: {  	v15 =	vld [tilespmem:s7+$0x0]  }
0xd8: {  	s18 =	spop (v2sf);
	v16 =	vld [tilespmem:s7+$0x10]  }
0xd9: {  	v17 =	vld [tilespmem:s18+$0x0]  }
0xda: {  	(v2sf) =	vpush v1, $0x8;
	s7 =	spop (v2sf);
	v18 =	vld [tilespmem:s18+$0x10]  }
0xdb: {  	v19 =	vld [tilespmem:s7+$0x0]  }
0xdc: {  	(v2sf) =	vpush v2, $0x8;
	s18 =	spop (v2sf);
	v20 =	vld [tilespmem:s7+$0x10]  }
0xdd: {  	v21 =	vld [tilespmem:s18+$0x0]  }
0xde: {  	(v2sf) =	vpush v3, $0x8;
	v22 =	vld [tilespmem:s18+$0x10]  }
0xdf: {  	v23 =	vld [tilespmem:s18+$0x20]  }
0xe0: {  	(v2sf) =	vpush v4, $0x8;
	v24 =	vld [tilespmem:s18+$0x30];
	[tilespmem:s30+$0xFFFFFB00] =	vst v5  }
0xe1: {  	[tilespmem:s30+$0xFFFFFB10] =	vst v6  }
0xe2: {  	[tilespmem:s30+$0xFFFFFB20] =	vst v7  }
0xe3: {  	[tilespmem:s30+$0xFFFFFB30] =	vst v8  }
0xe4: {  	[tilespmem:s30+$0xFFFFFB40] =	vst v9  }
0xe5: {  	[tilespmem:s30+$0xFFFFFB50] =	vst v10  }
0xe6: {  	[tilespmem:s30+$0xFFFFFB60] =	vst v11  }
0xe7: {  	[tilespmem:s30+$0xFFFFFB70] =	vst v12  }
0xe8: {  	[tilespmem:s30+$0xFFFFFF00] =	vst v13  }
0xe9: {  	[tilespmem:s30+$0xFFFFFF10] =	vst v14;
	s7 =	spop (v2sf)  }
0xea: {  	v5 =	vld [tilespmem:s7+$0x0]  }
0xeb: {  	s18 =	spop (v2sf);
	v6 =	vld [tilespmem:s7+$0x10]  }
0xec: {  	v7 =	vld [tilespmem:s18+$0x0]  }
0xed: {  	(v2sf) =	vpush v1, $0x9;
	s7 =	spop (v2sf);
	v8 =	vld [tilespmem:s18+$0x10]  }
0xee: {  	v9 =	vld [tilespmem:s7+$0x0]  }
0xef: {  	(v2sf) =	vpush v2, $0x9;
	s18 =	spop (v2sf);
	v10 =	vld [tilespmem:s7+$0x10]  }
0xf0: {  	v11 =	vld [tilespmem:s18+$0x0]  }
0xf1: {  	(v2sf) =	vpush v3, $0x9;
	v12 =	vld [tilespmem:s18+$0x10]  }
0xf2: {  	v13 =	vld [tilespmem:s18+$0x20]  }
0xf3: {  	(v2sf) =	vpush v4, $0x9;
	v14 =	vld [tilespmem:s18+$0x30];
	[tilespmem:s30+$0xFFFFFB80] =	vst v15  }
0xf4: {  	[tilespmem:s30+$0xFFFFFB90] =	vst v16  }
0xf5: {  	[tilespmem:s30+$0xFFFFFBA0] =	vst v17  }
0xf6: {  	[tilespmem:s30+$0xFFFFFBB0] =	vst v18  }
0xf7: {  	[tilespmem:s30+$0xFFFFFBC0] =	vst v19  }
0xf8: {  	[tilespmem:s30+$0xFFFFFBD0] =	vst v20  }
0xf9: {  	[tilespmem:s30+$0xFFFFFBE0] =	vst v21  }
0xfa: {  	[tilespmem:s30+$0xFFFFFBF0] =	vst v22  }
0xfb: {  	[tilespmem:s30+$0xFFFFFF80] =	vst v23  }
0xfc: {  	[tilespmem:s30+$0xFFFFFF90] =	vst v24;
	s7 =	spop (v2sf)  }
0xfd: {  	v15 =	vld [tilespmem:s7+$0x0]  }
0xfe: {  	s18 =	spop (v2sf);
	v16 =	vld [tilespmem:s7+$0x10]  }
0xff: {  	v17 =	vld [tilespmem:s18+$0x0]  }
0x100: {  	(v2sf) =	vpush v1, $0xA;
	s7 =	spop (v2sf);
	v18 =	vld [tilespmem:s18+$0x10]  }
0x101: {  	v19 =	vld [tilespmem:s7+$0x0]  }
0x102: {  	(v2sf) =	vpush v2, $0xA;
	s18 =	spop (v2sf);
	v20 =	vld [tilespmem:s7+$0x10]  }
0x103: {  	v21 =	vld [tilespmem:s18+$0x0]  }
0x104: {  	(v2sf) =	vpush v3, $0xA;
	v22 =	vld [tilespmem:s18+$0x10]  }
0x105: {  	v23 =	vld [tilespmem:s18+$0x20]  }
0x106: {  	(v2sf) =	vpush v4, $0xA;
	v24 =	vld [tilespmem:s18+$0x30];
	[tilespmem:s30+$0x0] =	vst v5  }
0x107: {  	[tilespmem:s30+$0x10] =	vst v6  }
0x108: {  	[tilespmem:s30+$0x20] =	vst v7  }
0x109: {  	[tilespmem:s30+$0x30] =	vst v8  }
0x10a: {  	[tilespmem:s30+$0x40] =	vst v9  }
0x10b: {  	[tilespmem:s30+$0x50] =	vst v10  }
0x10c: {  	[tilespmem:s30+$0x60] =	vst v11  }
0x10d: {  	[tilespmem:s30+$0x70] =	vst v12  }
0x10e: {  	[tilespmem:s30+$0x400] =	vst v13  }
0x10f: {  	[tilespmem:s30+$0x410] =	vst v14;
	s7 =	spop (v2sf)  }
0x110: {  	v5 =	vld [tilespmem:s7+$0x0]  }
0x111: {  	s18 =	spop (v2sf);
	v6 =	vld [tilespmem:s7+$0x10]  }
0x112: {  	v7 =	vld [tilespmem:s18+$0x0]  }
0x113: {  	(v2sf) =	vpush v1, $0xB;
	s7 =	spop (v2sf);
	v8 =	vld [tilespmem:s18+$0x10]  }
0x114: {  	v9 =	vld [tilespmem:s7+$0x0]  }
0x115: {  	(v2sf) =	vpush v2, $0xB;
	s18 =	spop (v2sf);
	v10 =	vld [tilespmem:s7+$0x10]  }
0x116: {  	v11 =	vld [tilespmem:s18+$0x0]  }
0x117: {  	(v2sf) =	vpush v3, $0xB;
	v12 =	vld [tilespmem:s18+$0x10]  }
0x118: {  	v13 =	vld [tilespmem:s18+$0x20]  }
0x119: {  	(v2sf) =	vpush v4, $0xB;
	v14 =	vld [tilespmem:s18+$0x30];
	[tilespmem:s30+$0x80] =	vst v15  }
0x11a: {  	[tilespmem:s30+$0x90] =	vst v16  }
0x11b: {  	[tilespmem:s30+$0xA0] =	vst v17  }
0x11c: {  	[tilespmem:s30+$0xB0] =	vst v18  }
0x11d: {  	[tilespmem:s30+$0xC0] =	vst v19  }
0x11e: {  	[tilespmem:s30+$0xD0] =	vst v20  }
0x11f: {  	[tilespmem:s30+$0xE0] =	vst v21  }
0x120: {  	[tilespmem:s30+$0xF0] =	vst v22  }
0x121: {  	[tilespmem:s30+$0x480] =	vst v23  }
0x122: {  	[tilespmem:s30+$0x490] =	vst v24;
	s7 =	spop (v2sf)  }
0x123: {  	v15 =	vld [tilespmem:s7+$0x0]  }
0x124: {  	s18 =	spop (v2sf);
	v16 =	vld [tilespmem:s7+$0x10]  }
0x125: {  	v17 =	vld [tilespmem:s18+$0x0]  }
0x126: {  	(v2sf) =	vpush v1, $0xC;
	s7 =	spop (v2sf);
	v18 =	vld [tilespmem:s18+$0x10]  }
0x127: {  	v19 =	vld [tilespmem:s7+$0x0]  }
0x128: {  	(v2sf) =	vpush v2, $0xC;
	s18 =	spop (v2sf);
	v20 =	vld [tilespmem:s7+$0x10]  }
0x129: {  	v21 =	vld [tilespmem:s18+$0x0]  }
0x12a: {  	(v2sf) =	vpush v3, $0xC;
	v22 =	vld [tilespmem:s18+$0x10]  }
0x12b: {  	v23 =	vld [tilespmem:s18+$0x20]  }
0x12c: {  	(v2sf) =	vpush v4, $0xC;
	v24 =	vld [tilespmem:s18+$0x30];
	[tilespmem:s30+$0x100] =	vst v5  }
0x12d: {  	[tilespmem:s30+$0x110] =	vst v6  }
0x12e: {  	[tilespmem:s30+$0x120] =	vst v7  }
0x12f: {  	[tilespmem:s30+$0x130] =	vst v8  }
0x130: {  	[tilespmem:s30+$0x140] =	vst v9  }
0x131: {  	[tilespmem:s30+$0x150] =	vst v10  }
0x132: {  	[tilespmem:s30+$0x160] =	vst v11  }
0x133: {  	[tilespmem:s30+$0x170] =	vst v12  }
0x134: {  	[tilespmem:s30+$0x500] =	vst v13  }
0x135: {  	[tilespmem:s30+$0x510] =	vst v14;
	s7 =	spop (v2sf)  }
0x136: {  	v5 =	vld [tilespmem:s7+$0x0]  }
0x137: {  	s18 =	spop (v2sf);
	v6 =	vld [tilespmem:s7+$0x10]  }
0x138: {  	v7 =	vld [tilespmem:s18+$0x0]  }
0x139: {  	(v2sf) =	vpush v1, $0xD;
	s7 =	spop (v2sf);
	v8 =	vld [tilespmem:s18+$0x10]  }
0x13a: {  	v9 =	vld [tilespmem:s7+$0x0]  }
0x13b: {  	(v2sf) =	vpush v2, $0xD;
	s18 =	spop (v2sf);
	v10 =	vld [tilespmem:s7+$0x10]  }
0x13c: {  	v11 =	vld [tilespmem:s18+$0x0]  }
0x13d: {  	(v2sf) =	vpush v3, $0xD;
	v12 =	vld [tilespmem:s18+$0x10]  }
0x13e: {  	v13 =	vld [tilespmem:s18+$0x20]  }
0x13f: {  	(v2sf) =	vpush v4, $0xD;
	v14 =	vld [tilespmem:s18+$0x30];
	[tilespmem:s30+$0x180] =	vst v15  }
0x140: {  	[tilespmem:s30+$0x190] =	vst v16  }
0x141: {  	[tilespmem:s30+$0x1A0] =	vst v17  }
0x142: {  	[tilespmem:s30+$0x1B0] =	vst v18  }
0x143: {  	[tilespmem:s30+$0x1C0] =	vst v19  }
0x144: {  	[tilespmem:s30+$0x1D0] =	vst v20  }
0x145: {  	[tilespmem:s30+$0x1E0] =	vst v21  }
0x146: {  	[tilespmem:s30+$0x1F0] =	vst v22  }
0x147: {  	[tilespmem:s30+$0x580] =	vst v23  }
0x148: {  	[tilespmem:s30+$0x590] =	vst v24;
	s7 =	spop (v2sf)  }
0x149: {  	v15 =	vld [tilespmem:s7+$0x0]  }
0x14a: {  	s18 =	spop (v2sf);
	v16 =	vld [tilespmem:s7+$0x10]  }
0x14b: {  	v17 =	vld [tilespmem:s18+$0x0]  }
0x14c: {  	(v2sf) =	vpush v1, $0xE;
	s7 =	spop (v2sf);
	v18 =	vld [tilespmem:s18+$0x10]  }
0x14d: {  	v19 =	vld [tilespmem:s7+$0x0]  }
0x14e: {  	(v2sf) =	vpush v2, $0xE;
	s18 =	spop (v2sf);
	v20 =	vld [tilespmem:s7+$0x10]  }
0x14f: {  	v21 =	vld [tilespmem:s18+$0x0]  }
0x150: {  	(v2sf) =	vpush v3, $0xE;
	v22 =	vld [tilespmem:s18+$0x10]  }
0x151: {  	v23 =	vld [tilespmem:s18+$0x20]  }
0x152: {  	(v2sf) =	vpush v4, $0xE;
	v24 =	vld [tilespmem:s18+$0x30];
	[tilespmem:s30+$0x200] =	vst v5  }
0x153: {  	[tilespmem:s30+$0x210] =	vst v6  }
0x154: {  	[tilespmem:s30+$0x220] =	vst v7  }
0x155: {  	[tilespmem:s30+$0x230] =	vst v8  }
0x156: {  	[tilespmem:s30+$0x240] =	vst v9  }
0x157: {  	[tilespmem:s30+$0x250] =	vst v10  }
0x158: {  	[tilespmem:s30+$0x260] =	vst v11  }
0x159: {  	[tilespmem:s30+$0x270] =	vst v12  }
0x15a: {  	[tilespmem:s30+$0x600] =	vst v13  }
0x15b: {  	[tilespmem:s30+$0x610] =	vst v14;
	s7 =	spop (v2sf)  }
0x15c: {  	v5 =	vld [tilespmem:s7+$0x0]  }
0x15d: {  	s18 =	spop (v2sf);
	v6 =	vld [tilespmem:s7+$0x10]  }
0x15e: {  	v7 =	vld [tilespmem:s18+$0x0]  }
0x15f: {  	(v2sf) =	vpush v1, $0xF;
	s7 =	spop (v2sf);
	v8 =	vld [tilespmem:s18+$0x10]  }
0x160: {  	v9 =	vld [tilespmem:s7+$0x0]  }
0x161: {  	(v2sf) =	vpush v2, $0xF;
	s18 =	spop (v2sf);
	v1 =	vld [tilespmem:s7+$0x10]  }
0x162: {  	v10 =	vld [tilespmem:s18+$0x0]  }
0x163: {  	(v2sf) =	vpush v3, $0xF;
	v2 =	vld [tilespmem:s18+$0x10]  }
0x164: {  	v11 =	vld [tilespmem:s18+$0x20]  }
0x165: {  	(v2sf) =	vpush v4, $0xF;
	v3 =	vld [tilespmem:s18+$0x30];
	[tilespmem:s30+$0x280] =	vst v15  }
0x166: {  	[tilespmem:s30+$0x290] =	vst v16  }
0x167: {  	[tilespmem:s30+$0x2A0] =	vst v17  }
0x168: {  	[tilespmem:s30+$0x2B0] =	vst v18  }
0x169: {  	[tilespmem:s30+$0x2C0] =	vst v19  }
0x16a: {  	[tilespmem:s30+$0x2D0] =	vst v20  }
0x16b: {  	[tilespmem:s30+$0x2E0] =	vst v21  }
0x16c: {  	[tilespmem:s30+$0x2F0] =	vst v22  }
0x16d: {  	[tilespmem:s30+$0x680] =	vst v23  }
0x16e: {  	[tilespmem:s30+$0x690] =	vst v24;
	s7 =	spop (v2sf)  }
0x16f: {  	v63 =	vld [tilespmem:s7+$0x0]  }
0x170: {  	s18 =	spop (v2sf);
	v12 =	vld [tilespmem:s7+$0x10]  }
0x171: {  	v13 =	vld [tilespmem:s18+$0x0]  }
0x172: {  	s7 =	spop (v2sf);
	v14 =	vld [tilespmem:s18+$0x10]  }
0x173: {  	v15 =	vld [tilespmem:s7+$0x0]  }
0x174: {  	s18 =	spop (v2sf);
	v16 =	vld [tilespmem:s7+$0x10]  }
0x175: {  	v17 =	vld [tilespmem:s18+$0x0]  }
0x176: {  	v18 =	vld [tilespmem:s18+$0x10]  }
0x177: {  	v19 =	vld [tilespmem:s18+$0x20]  }
0x178: {  	v20 =	vld [tilespmem:s18+$0x30];
	[tilespmem:s30+$0x300] =	vst v5  }
0x179: {  	[tilespmem:s30+$0x310] =	vst v6  }
0x17a: {  	[tilespmem:s30+$0x320] =	vst v7  }
0x17b: {  	[tilespmem:s30+$0x330] =	vst v8  }
0x17c: {  	[tilespmem:s30+$0x340] =	vst v9  }
0x17d: {  	[tilespmem:s30+$0x350] =	vst v1  }
0x17e: {  	[tilespmem:s30+$0x360] =	vst v10  }
0x17f: {  	[tilespmem:s30+$0x370] =	vst v2  }
0x180: {  	[tilespmem:s30+$0x700] =	vst v11  }
0x181: {  	[tilespmem:s30+$0x710] =	vst v3  }
0x182: {  	[tilespmem:s30+$0x380] =	vst v63  }
0x183: {  	[tilespmem:s30+$0x390] =	vst v12  }
0x184: {  	[tilespmem:s30+$0x3A0] =	vst v13  }
0x185: {  	[tilespmem:s30+$0x3B0] =	vst v14  }
0x186: {  	p0 =	sne.s32 s31, $0xC0;
	[tilespmem:s30+$0x3C0] =	vst v15  }
.Ltmp0:
0x187: {  	[tilespmem:s30+$0x3D0] =	vst v16;
	(pc) =	sbr.rel @p0 .LBB2_3-.Ltmp0, $4  }
0x188: {  	[tilespmem:s30+$0x3E0] =	vst v17  }
0x189: {  	[tilespmem:s30+$0x3F0] =	vst v18  }
0x18a: {  	[tilespmem:s30+$0x780] =	vst v19  }
0x18b: {  	s31 =	sadd.s32 $0x40, s31;
	[tilespmem:s30+$0x790] =	vst v20;
	s30 =	sadd.s32 $0x1000, s30  }
0x18c: {  	s2 =	sshll.u32 @p2 s29, $0x5;
	s31 =	sld [smem:$0x7FB]  }
0x18d: {  	s6 =	simm.s32 @p2 $0x0;
	s7 =	simm.s32 @p2 $0x17480;
	s2 =	sadd.s32 @p2 s10, s2  }
0x18e: {  	[hbm4b:s2+s6] =	stream.linear.scatter @p2 [tilespmem:s7], [sflag:$0x2], $0x4000, $0x38;
	[tilespmem:$0x1F480] =	vst v63  }
0x18f: {  	p0 =	seq.s32 s31, $0x1  }
0x190: {  	s2 =	sshll.u32 @p0 s29, $0x5  }
0x191: {  	s6 =	simm.s32 @p0 $0x0;
	s7 =	simm.s32 @p0 $0x1B480;
	s2 =	sadd.s32 @p0 s10, s2  }
0x192: {  	[hbm4b:s2+s6] =	stream.linear.scatter @p0 [tilespmem:s7], [sflag:$0x3], $0x4000, $0x38;
	[tilespmem:$0x1F480] =	vst v63  }
0x193: {  	p0 =	sne.s32 s28, $0x100  }
.Ltmp1:
0x194: {  	_ = 	snop;
	(pc) =	sbr.rel @p0 .LBB2_2-.Ltmp1, $2  }
0x195: {  	_ =	sdelay $0x2  }
0x196: {  	p1 =	por !p1, !p1  }
0x197: {  	s26 =	sadd.s32 $0x1, s26  }
0x198: {  	_ =	swait.ge [sflag:s24], $0x4000;
	p0 =	sne.s32 s26, s16  }
.Ltmp2:
0x199: {  	[sflag:s24] =	ssyncset.done $0x0;
	(pc) =	sbr.rel @p0 .LBB2_1-.Ltmp2, $4  }
0x19a: {  	[sflag:s24] =	ssyncadd.s32 $0xFFFFC000  }
0x19b: {  	_ =	swait.ge [sflag:s25], $0x4000  }
0x19c: {  	[sflag:s25] =	ssyncset.done $0x0  }
0x19d: {  	[sflag:s25] =	ssyncadd.s32 $0xFFFFC000  }
0x19e: {  	_ =	sfence.sel $0x180000  }
0x19f: {  	[bflag:$0x0] =	sbarrier.arrive $0xFFFF  }
0x1a0: {  	_ =	strace $0x90000047  }
0x1a1: {  	s0 =	stileid.u32;
	[bflag:$0x2] =	sbarrier.arrive $0xFFFF  }
0x1a2: {  	p0 =	sne.s32 s0, $0x0;
	s0 =	rddreg [dreg:$0x7]  }
0x1a3: {  	s0 =	sadd.s32 @!p0 $0x100000, s0  }
0x1a4: {  	[sflag:s0] =	ssyncadd.tile.s32 @!p0 $0x1;
	_ =	shalt  }
.Lfunc_end2:
_tile_overlayer_lowered:
.L_overlay_start_2:
0x1a5: {  	(tag) =	ssettag $0x2  }
0x1a6: {  	s0 =	rddreg [dreg:$0x0];
	s2 =	stileid.u32  }
0x1a7: {  	s1 =	rddreg [dreg:$0x1];
	p0 =	sne.s32 s2, $0x0  }
0x1a8: {  	s3 =	rddreg [dreg:$0x2];
	[bflag:$0x3] =	sbarrier.arrive $0xFFFF;
	s2 =	simm.s32 @!p0 $0x1C04  }
0x1a9: {  	[timem:s3], [sflag:s2] =	dma.local @!p0 [hbm:s0], s1  }
0x1aa: {  	s0 =	simm.s32 @!p0 $0x4  }
0x1ab: {  	_ =	swait.ge @!p0 [sflag:s0], s1  }
0x1ac: {  	s1 =	ssub.s32 @!p0 $0x0, s1;
	[sflag:s0] =	ssyncset.done @!p0 $0x0  }
0x1ad: {  	[sflag:s0] =	ssyncadd.s32 @!p0 s1  }
0x1ae: {  	[bflag:$0x3] =	sbarrier.arrive $0xFFFF  }
0x1af: {  	_ =	shalt  }

// kernel: sparse-core-data-format-call.cloned.1.call-start
scs
called_computation_lowered:
.L_overlay_start_0:
0x0: {  	s2 =	sld [smem:$0x3FD9]  }
0x1: {  	s3 =	sld [smem:$0x3FFE];
	_ =	sdelay $0x1  }
0x2: {  	s1 =	srdreg.scid  }
0x3: {  	s0 =	sand.u32 $0x1, s1  }
0x4: {  	s15 =	sshll.u32 s0, $0xA;
	s2 =	sadd.s32 s3, s2  }
0x5: {  	s2 =	sadd.s32 s2, s15  }
0x6: {  	[smem:$0x3FBB] =	sst s2  }
0x7: {  	_ = 	snop  }
0x8: {  	s2 =	sld [smem:$0x3FD0];
	_ =	sdelay $0x2  }
0x9: {  	s16 =	simm.s32 $0xA;
	s4 =	simm.s32 $0x10  }
0xa: {  	[smem:s4], [sflag:s16] =	dma.local [hbm:s2], $0x1  }
0xb: {  	_ =	swait.eq [sflag:s16], $0x1  }
0xc: {  	[sflag:s16] =	ssyncset.done $0x0  }
0xd: {  	[sflag:s16] =	ssyncadd.s32 $0xFFFFFFFF  }
0xe: {  	s17 =	sld [smem:$0x10];
	(tm) =	ssettm $0x1  }
0xf: {  	s18 =	sld [smem:$0x3FFB];
	_ =	sdelay $0x3  }
0x10: {  	_ =	strace s18  }
0x11: {  	s3 =	sld [smem:$0x3FFC];
	_ =	sdelay $0x3  }
0x12: {  	_ =	strace s3  }
0x13: {  	s3 =	sld [smem:$0x3FFD];
	_ =	sdelay $0x3  }
0x14: {  	_ =	strace s3  }
0x15: {  	_ =	strace $0x8FFFFFFF  }
0x16: {  	s19 =	sld [smem:$0x3FDB];
	_ =	sdelay $0x1  }
0x17: {  	s20 =	simm.s32 $_scs_section_size  }
0x18: {  	s5 =	simm.s32 $_size__tile_overlayer_lowered;
	s6 =	simm.s32 $_tile_overlayer_lowered  }
0x19: {  	s23 =	simm.s32 $0x1BFF;
	s22 =	sshll.u32 s6, $0x1;
	s3 =	sadd.s32 s20, s19  }
0x1a: {  	s7 =	simm.s32 $0x0;
	s21 =	sshll.u32 s5, $0x1;
	s5 =	sadd.s32 s22, s3  }
0x1b: {  	[timem:s7], [sflag:s23] =	dma.local [hbm:s5], s21  }
0x1c: {  	_ =	swait.ge [sflag:s23], s21  }
0x1d: {  	s4 =	ssub.s32 $0x0, s21;
	[sflag:s23] =	ssyncset.done $0x0  }
0x1e: {  	[sflag:s23] =	ssyncadd.s32 s4;
	_ =	sdelay $0x1  }
0x1f: {  	s24 =	simm.s32 $0x1B8B  }
0x20: {  	_ =	swait.ge [sflag:s24], $0x1  }
0x21: {  	[sflag:s24] =	ssyncset.done $0x0  }
0x22: {  	s26 =	simm.s32 $0x1B8E;
	s25 =	sld [smem:$0x3FFE];
	[sflag:s24] =	ssyncadd.s32 $0xFFFFFFFF  }
0x23: {  	s27 =	simm.s32 $execute0_lowered;
	[smem:$0x3FD2] =	sst s26  }
0x24: {  	s5 =	sshll.u32 s27, $0x1;
	_ =	strace $0x80000049;
	[dreg:$0x1] =	wrdreg $0xFFFFFFFF  }
0x25: {  	s28 =	simm.s32 $_size_execute0_lowered;
	s3 =	sadd.s32 s3, s5;
	[dreg:$0x0] =	wrdreg $0x0  }
0x26: {  	s5 =	sshll.u32 s28, $0x1;
	[dreg:$0x2] =	wrdreg s3  }
0x27: {  	[dreg:$0x3] =	wrdreg s5  }
0x28: {  	[dreg:$0x4] =	wrdreg $0xC0  }
0x29: {  	_ =	task [dreg:s7], $0x5FFFF  }
0x2a: {  	[dreg:$0x1] =	wrdreg $0xFFFFFFFF  }
0x2b: {  	[dreg:$0x0] =	wrdreg $0x60  }
0x2c: {  	[dreg:$0x2] =	wrdreg s25  }
0x2d: {  	[dreg:$0x3] =	wrdreg s17  }
0x2e: {  	[dreg:$0x4] =	wrdreg $0x9  }
0x2f: {  	_ =	task.clear_ibuf [dreg:s7], $0x5FFFF;
	_ =	strace $0x90000049  }
0x30: {  	s29 =	simm.s32 $0x9;
	_ =	strace $0x8000004B  }
0x31: {  	_ =	swait.ge [sflag:s29], $0x1  }
0x32: {  	[sflag:s29] =	ssyncadd.s32 $0xFFFFFFFF  }
0x33: {  	_ =	strace $0x9000004B  }
0x34: {  	_ =	sfence  }
0x35: {  	s30 =	sld [smem:$0x0];
	_ =	sdelay $0x2  }
0x36: {  	s31 =	sshll.u32 s1, $0xD;
	s1 =	sshrl.u32 s1, $0x2  }
0x37: {  	s3 =	sand.u32 $0x4000, s31;
	s1 =	sadd.s32 s1, s30  }
0x38: {  	s0 =	sor.u32 s3, s0;
	s1 =	sshll.u32 s1, $0x11  }
0x39: {  	s0 =	sor.u32 s1, s0  }
0x3a: {  	s0 =	sadd.s32 $0x8F2B, s0  }
0x3b: {  	[sflag:s0] =	ssyncadd.remote.s32 $0x1  }
0x3c: {  	_ =	sfence.sel $0xFFFF  }
0x3d: {  	[dreg:$0x0] =	wrdreg $0xFFFFFFFF;
	(pc) =	sbr.abs _section_cstart, $3  }
0x3e: {  	[dreg:$0x1] =	wrdreg $0xFFFFFFFF  }
0x3f: {  	_ =	task.clear_ibuf [dreg:s7], $0x2FFFF;
	_ =	strace $0x9FFFFFFF  }
0x40: {  	(tm) =	ssettm $0x7FFFFFFF  }
0x41: {  	_ =	shalt  }
tec
execute0_lowered:
.L_overlay_start_1:
0x0: {  	(tag) =	ssettag $0x1  }
0x1: {  	s1 =	rddreg [dreg:$0x0]  }
0x2: {  	s2 =	rddreg [dreg:$0x1]  }
0x3: {  	s0 =	rddreg [dreg:$0x2];
	_ =	strace $0x8000004A;
	s4 =	srdreg.scid  }
0x4: {  	s6 =	simm.s32 $0x2;
	s14 =	simm.s32 $0x0;
	p0 =	por $0x0, $0x0  }
0x5: {  	s13 =	simm.s32 $0x0;
	s15 =	simm.s32 $0x0;
	s8 =	simm.s32 $0x0  }
.Ltmp0:
0x6: {  	s9 =	simm.s32 $0x0;
	s10 =	simm.s32 $0x0;
	(pc) =	sbr.rel .LBB1_1-.Ltmp0, $4  }
0x7: {  	s11 =	simm.s32 $0x0;
	s3 =	sadd.s32 $0x11800, s1;
	s5 =	sshll.u32 s4, $0x4  }
0x8: {  	s1 =	stileid.u32;
	s4 =	simm.s32 $0x1;
	s5 =	sand.u32 $0x10, s5  }
0x9: {  	s7 =	simm.s32 $0x0;
	[sflag:s4] =	ssyncpa.u1 $0x0;
	s5 =	sor.u32 s1, s5  }
0xa: {  	[sflag:s6] =	ssyncpa.u1 $0x0;
	s6 =	simm.s32 $0x0;
	s12 =	smov.u32 s5  }
.LBB1_5:
0xb: {  	p1 =	slt.u32 s7, $0x2  }
0xc: {  	p2 =	sgt.s32 @!p1 s15, $0xFFF  }
0xd: {  	s16 =	smov.u32 s15;
	s17 =	sshra.s32 @!p1 s15, $0x1F;
	p2 =	por !p2, p1  }
0xe: {  	s15 =	sand.u32 @!p1 s17, s15;
	s16 =	simm.s32 @p2 $0xFFF  }
0xf: {  	p3 =	sgt.s32 @!p1 s14, $0x20;
	s15 =	ssub.s32 @!p1 s16, s15  }
0x10: {  	p3 =	por !p3, p1;
	s17 =	smov.u32 s14;
	s16 =	sadd.s32 @!p1 $0xFFFFF001, s15  }
0x11: {  	s15 =	ssub.s32 @!p1 $0x1000, s15;
	p2 =	sgt.s32 @!p1 s16, $0x0;
	s16 =	sshra.s32 @!p1 s14, $0x1F  }
0x12: {  	s14 =	sand.u32 @!p1 s16, s14;
	s16 =	ssub.s32 @!p1 $0x0, s13;
	p2 =	por !p2, p1  }
0x13: {  	s17 =	simm.s32 @p3 $0x20;
	s13 =	smin.u32 @!p1 s13, s16;
	s15 =	simm.s32 @!p2 $0x0  }
0x14: {  	s14 =	ssub.s32 @!p1 s17, s14;
	s17 =	smov.u32 s11;
	p2 =	sgt.s32 @!p1 s13, $0x7F  }
0x15: {  	s16 =	sadd.s32 @!p1 $0xFFFFFFE0, s14;
	s13 =	ssub.s32 @!p1 $0x80, s13;
	p2 =	por !p2, p1  }
0x16: {  	s14 =	ssub.s32 @!p1 $0xA0, s14;
	p3 =	sgt.s32 @!p1 s16, $0x7F;
	s13 =	simm.s32 @!p2 $0x0  }
0x17: {  	s16 =	sadd.s32 $0x80, s10;
	p2 =	por !p3, p1;
	s13 =	smul.u32 @!p1 s15, s13  }
0x18: {  	s14 =	simm.s32 @!p2 $0x0;
	p2 =	sgt.s32 s16, $0x9F;
	s15 =	sadd.s32 $0x80, s11  }
0x19: {  	s18 =	smov.u32 s12;
	s17 =	smov.u32 @p2 s15  }
0x1a: {  	s13 =	smul.u32 @!p1 s14, s13;
	p3 =	sgt.s32 s17, $0x7F;
	s14 =	sadd.s32 $0x20, s12  }
0x1b: {  	s7 =	sadd.s32 $0x1, s7;
	p0 =	por !p0, !p0;
	s18 =	smov.u32 @p3 s14  }
0x1c: {  	s19 =	simm.s32 @!p1 $0x2;
	s16 =	simm.s32 @p2 $0x0;
	p2 =	sgt.s32 s18, $0xFFF  }
0x1d: {  	s15 =	smov.u32 s9;
	s18 =	smov.u32 @p2 s5;
	p2 =	sne.s32 s7, $0x102  }
.Ltmp1:
0x1e: {  	s9 =	smov.u32 s12;
	s17 =	simm.s32 @p3 $0x0;
	(pc) =	sbr.rel @!p2 .LBB1_6-.Ltmp1, $4  }
0x1f: {  	s14 =	smov.u32 s6;
	s6 =	smov.u32 s10;
	s13 =	sand.u32 @!p1 $0x3FFFFFFF, s13  }
0x20: {  	s10 =	smov.u32 s16;
	_ =	swait.ge @!p1 [sflag:s19], s13;
	s20 =	ssub.s32 @!p1 $0x0, s13  }
0x21: {  	s13 =	smov.u32 s8;
	s8 =	smov.u32 s11;
	[sflag:s19] =	ssyncset.done @!p1 $0x0  }
0x22: {  	s11 =	smov.u32 s17;
	s12 =	smov.u32 s18;
	[sflag:s19] =	ssyncadd.s32 @!p1 s20  }
.LBB1_1:
0x23: {  	p1 =	sgt.u32 s7, $0xFF  }
0x24: {  	s16 =	sxor.u32 @!p1 $0xFFFFFFFF, s7  }
0x25: {  	s17 =	sshll.u32 @!p1 s11, $0x8;
	s18 =	sshll.u32 @!p1 s10, $0x3;
	s19 =	sshll.u32 @!p1 s11, $0x7  }
0x26: {  	s20 =	sand.u32 @!p1 $0x78, s10;
	s17 =	sand.u32 @!p1 $0x7800, s17;
	s18 =	sand.u32 @!p1 $0x7C00, s18  }
0x27: {  	s16 =	sshll.u32 @!p1 s16, $0xE;
	s17 =	sadd.s32 @!p1 s17, s18;
	s18 =	sand.u32 @!p1 $0x300, s19  }
0x28: {  	s16 =	sand.u32 @!p1 $0x4000, s16;
	s17 =	sor.u32 @!p1 s18, s17;
	s18 =	sand.u32 @!p1 $0x80, s19  }
0x29: {  	s19 =	sshll.u32 @!p1 s12, $0xC;
	s18 =	sor.u32 @!p1 s20, s18;
	s17 =	sshrl.u32 @!p1 s17, $0x3  }
0x2a: {  	s19 =	sadd.s32 @!p1 s3, s19;
	s20 =	sand.u32 @!p1 $0x7, s10;
	s18 =	sshrl.u32 @!p1 s18, $0x3  }
0x2b: {  	s17 =	sand.u32 @!p1 $0xFE0, s17;
	s18 =	sadd.s32 @!p1 s18, s19;
	s19 =	sshll.u32 @!p1 s20, $0x12  }
0x2c: {  	s17 =	sadd.s32 @!p1 s17, s18;
	s18 =	sor.u32 @!p1 $0x400, s19;
	s19 =	simm.s32 @!p1 $0x800  }
0x2d: {  	[tilespmem:s16], [sflag:$0x1] =	stream.strided.gather @!p1 [hbm4b:s17+s18], $0x4000, s19, s18, $0x38;
	[tilespmem:$0x10100] =	vst v63  }
0x2e: {  	p1 =	seq.s32 s7, $0x0  }
0x2f: {  	p2 =	seq.s32 @!p1 s7, $0x101  }
0x30: {  	p1 =	por p1, p2  }
.Ltmp2:
0x31: {  	_ = 	snop;
	(pc) =	sbr.rel @p1 .LBB1_5-.Ltmp2, $1  }
0x32: {  	_ =	sdelay $0x3  }
0x33: {  	s16 =	simm.s32 $0x1  }
0x34: {  	_ =	swait.ge [sflag:s4], $0x4000;
	s16 =	simm.s32 @!p0 $0x0  }
0x35: {  	[sflag:s4] =	ssyncset.done $0x0;
	s17 =	sshll.u32 s16, $0xE  }
0x36: {  	[sflag:s4] =	ssyncadd.s32 $0xFFFFC000;
	s17 =	sor.u32 $0x40, s17  }
0x37: {  	s16 =	smul.u32 $0x10200, s16;
	v0 =	vld [tilespmem:s17+$0x30]  }
0x38: {  	v1 =	vld [tilespmem:s17+$0xFFFFFFD0]  }
0x39: {  	s16 =	sshrl.u32 s16, $0x2;
	v5 =	vld [tilespmem:s17+$0xFFFFFFE0]  }
0x3a: {  	v6 =	vld [tilespmem:s17+$0xFFFFFFF0];
	s19 =	sor.u32 $0x8000, s16  }
0x3b: {  	s31 =	sand.u32 $0x1, s7;
	v4 =	vld [tilespmem:s17+$0x0];
	s18 =	sadd.s32 $0x0, s19  }
0x3c: {  	v3 =	vld [tilespmem:s17+$0x10];
	s16 =	smul.u32 $0x10200, s31;
	[tilespmem:s18+$0x3870 ss:$0x81] =	vst.msk $0xffff, v0  }
0x3d: {  	v2 =	vld [tilespmem:s17+$0x20];
	[tilespmem:s18+$0x810 ss:$0x81] =	vst.msk $0xffff, v1  }
0x3e: {  	s16 =	sshrl.u32 s16, $0x2;
	v0 =	vld [tilespmem:s17+$0xFFFFFFC0];
	[tilespmem:s18+$0x1020 ss:$0x81] =	vst.msk $0xffff, v5;
	s17 =	sadd.s32 $0x80, s17  }
0x3f: {  	s20 =	simm.s32 $0x4;
	s21 =	simm.s32 $0x8;
	s16 =	sor.u32 $0x8000, s16;
	[tilespmem:s18+$0x1830 ss:$0x81] =	vst.msk $0xffff, v6;
	v1 =	vld [tilespmem:s17+$0x30]  }
.LBB1_3:
0x40: {  	p1 =	sne.s32 s21, $0x1FC;
	v5 =	vld [tilespmem:s17+$0xFFFFFFD0];
	[tilespmem:s18+$0x2040 ss:$0x81] =	vst.msk $0xffff, v4  }
0x41: {  	v6 =	vld [tilespmem:s17+$0xFFFFFFE0];
	[tilespmem:s18+$0x2850 ss:$0x81] =	vst.msk $0xffff, v3  }
0x42: {  	s22 =	sshra.s32 s20, $0x2;
	s20 =	smov.u32 s21;
	v7 =	vld [tilespmem:s17+$0xFFFFFFF0];
	[tilespmem:s18+$0x3060 ss:$0x81] =	vst.msk $0xffff, v2  }
.Ltmp3:
0x43: {  	v4 =	vld [tilespmem:s17+$0x0];
	[tilespmem:s18+$0x0 ss:$0x81] =	vst.msk $0xffff, v0;
	s18 =	sadd.s32 s22, s19;
	(pc) =	sbr.rel @p1 .LBB1_3-.Ltmp3, $4  }
0x44: {  	v3 =	vld [tilespmem:s17+$0x10];
	[tilespmem:s18+$0x3870 ss:$0x81] =	vst.msk $0xffff, v1  }
0x45: {  	[tilespmem:s18+$0x810 ss:$0x81] =	vst.msk $0xffff, v5;
	v2 =	vld [tilespmem:s17+$0x20]  }
0x46: {  	v0 =	vld [tilespmem:s17+$0xFFFFFFC0];
	[tilespmem:s18+$0x1020 ss:$0x81] =	vst.msk $0xffff, v6;
	s17 =	sadd.s32 $0x80, s17  }
0x47: {  	s21 =	sadd.s32 $0x4, s21;
	v1 =	vld [tilespmem:s17+$0x30];
	[tilespmem:s18+$0x1830 ss:$0x81] =	vst.msk $0xffff, v7  }
0x48: {  	s21 =	sshll.u32 s6, $0x7;
	s22 =	sshll.u32 s8, $0x3;
	p1 =	sgt.s32 s9, $0xFFF  }
0x49: {  	s24 =	sshra.s32 s9, $0x1F;
	s20 =	sshra.s32 s20, $0x2;
	s30 =	ssub.s32 $0x0, s8  }
0x4a: {  	s31 =	sshra.s32 s6, $0x1F;
	s23 =	sand.u32 $0xFFFFFC00, s21;
	s22 =	sand.u32 $0xFFFFFC00, s22  }
0x4b: {  	[tilespmem:s18+$0x2040 ss:$0x81] =	vst.msk $0xffff, v4;
	s21 =	sand.u32 $0x380, s21;
	s22 =	sadd.s32 s22, s23;
	s23 =	smov.u32 s9  }
0x4c: {  	s24 =	sand.u32 s24, s9;
	s19 =	sadd.s32 s20, s19;
	[tilespmem:s18+$0x2850 ss:$0x81] =	vst.msk $0xffff, v3;
	s23 =	simm.s32 @!p1 $0xFFF  }
0x4d: {  	v5 =	vld [tilespmem:s17+$0xFFFFFFD0];
	[tilespmem:s18+$0x3060 ss:$0x81] =	vst.msk $0xffff, v2;
	s21 =	sor.u32 s21, s22;
	s22 =	smov.u32 s6;
	s27 =	ssub.s32 s23, s24  }
0x4e: {  	v58 =	vld [tilespmem:s17+$0xFFFFFFE0];
	[tilespmem:s18+$0x0 ss:$0x81] =	vst.msk $0xffff, v0;
	s18 =	sand.u32 s31, s6;
	s20 =	sshrl.u32 s21, $0x7;
	s28 =	sadd.s32 $0xFFFFF001, s27  }
0x4f: {  	v59 =	vld [tilespmem:s17+$0xFFFFFFF0];
	s29 =	smulhi.u32 $0x199999A, s20;
	s21 =	ssub.s32 $0x1000, s27;
	p1 =	sgt.s32 s28, $0x0  }
0x50: {  	v60 =	vld [tilespmem:s17+$0x0];
	s28 =	smul.u32 $0xA00, s9;
	s21 =	simm.s32 @p1 $0x0;
	p1 =	sgt.s32 s6, $0x20  }
0x51: {  	v61 =	vld [tilespmem:s17+$0x10];
	s24 =	smin.u32 s8, s30;
	[tilespmem:s19+$0x3870 ss:$0x81] =	vst.msk $0xffff, v1;
	s25 =	smul.u32 $0xA0, s29;
	s22 =	simm.s32 @!p1 $0x20  }
0x52: {  	v62 =	vld [tilespmem:s17+$0x20];
	[tilespmem:s19+$0x810 ss:$0x81] =	vst.msk $0xffff, v5;
	p1 =	sgt.s32 s24, $0x7F;
	s24 =	ssub.s32 $0x80, s24;
	s18 =	ssub.s32 s22, s18  }
0x53: {  	v63 =	vld [tilespmem:s17+$0xFFFFFFC0];
	[tilespmem:s19+$0x1020 ss:$0x81] =	vst.msk $0xffff, v58;
	s29 =	sshrl.u32 s8, $0x3;
	s24 =	simm.s32 @p1 $0x0;
	s27 =	sadd.s32 $0xFFFFFFE0, s18  }
0x54: {  	[tilespmem:s19+$0x1830 ss:$0x81] =	vst.msk $0xffff, v59;
	s26 =	smul.u32 s21, s24;
	s18 =	ssub.s32 $0xA0, s18;
	p1 =	sgt.s32 s27, $0x7F  }
.Ltmp4:
0x55: {  	[tilespmem:s19+$0x2040 ss:$0x81] =	vst.msk $0xffff, v60;
	s30 =	sand.u32 $0xF, s29;
	s18 =	simm.s32 @p1 $0x0;
	(pc) =	sbr.rel .LBB1_5-.Ltmp4, $4  }
0x56: {  	[tilespmem:s19+$0x2850 ss:$0x81] =	vst.msk $0xffff, v61;
	s20 =	ssub.s32 s20, s25;
	s21 =	sadd.s32 s2, s28;
	s17 =	smul.u32 s18, s26  }
0x57: {  	[tilespmem:s19+$0x3060 ss:$0x81] =	vst.msk $0xffff, v62;
	s20 =	sshll.u32 s20, $0x4;
	s18 =	sadd.s32 s30, s21  }
0x58: {  	s31 =	sand.u32 $0x7, s8;
	[tilespmem:s19+$0x0 ss:$0x81] =	vst.msk $0xffff, v63;
	s18 =	sadd.s32 s20, s18;
	s17 =	sand.u32 $0x3FFFFFFF, s17  }
0x59: {  	[hbm4b:s18+s31] =	stream.linear.scatter [tilespmem:s16], [sflag:$0x2], s17, $0x20;
	[tilespmem:$0x10100] =	vst v63  }
.LBB1_6:
0x5a: {  	_ =	sfence.sel $0x180000  }
0x5b: {  	s2 =	simm.s32 $0x1;
	[bflag:$0x0] =	sbarrier.arrive $0xFFFF  }
0x5c: {  	s31 =	simm.s32 $0x2;
	[sflag:s2] =	ssyncpa.u1 $0x1  }
0x5d: {  	[sflag:s31] =	ssyncpa.u1 $0x1  }
0x5e: {  	p0 =	sne.s32 s1, $0x0;
	_ =	strace $0x9000004A  }
0x5f: {  	s0 =	sadd.s32 @!p0 $0x100000, s0;
	[bflag:$0x2] =	sbarrier.arrive $0xFFFF  }
0x60: {  	[sflag:s0] =	ssyncadd.tile.s32 @!p0 $0x1;
	_ =	shalt  }
.Lfunc_end1:
_tile_overlayer_lowered:
.L_overlay_start_2:
0x61: {  	(tag) =	ssettag $0x2  }
0x62: {  	s0 =	rddreg [dreg:$0x0];
	s2 =	stileid.u32  }
0x63: {  	s1 =	rddreg [dreg:$0x1];
	p0 =	sne.s32 s2, $0x0  }
0x64: {  	s3 =	rddreg [dreg:$0x2];
	[bflag:$0x3] =	sbarrier.arrive $0xFFFF;
	s2 =	simm.s32 @!p0 $0x1C01  }
0x65: {  	[timem:s3], [sflag:s2] =	dma.local @!p0 [hbm:s0], s1  }
0x66: {  	s0 =	simm.s32 @!p0 $0x1  }
0x67: {  	_ =	swait.ge @!p0 [sflag:s0], s1  }
0x68: {  	s1 =	ssub.s32 @!p0 $0x0, s1;
	[sflag:s0] =	ssyncset.done @!p0 $0x0  }
0x69: {  	[sflag:s0] =	ssyncadd.s32 @!p0 s1  }
0x6a: {  	[bflag:$0x3] =	sbarrier.arrive $0xFFFF  }
0x6b: {  	_ =	shalt  }

</sc_bundles>
